<compile_context>
chip_gen: v7x
topology: tpu7x:2x2x1
jax: 0.10.2.dev20260603
libtpu: 0.0.44.dev20260713+nightly
codegen_flags: <defaults>
</compile_context>

<pallas_src>
import functools

import jax
import jax.numpy as jnp
from jax import lax
from jax.experimental import pallas as pl
from jax.experimental.pallas import tpu as pltpu
from jax.experimental.pallas import tpu_sc as plsc

N = 10000
IN_C = 128
HID = 64
OUT = 64

NC, NS = 2, 16
BLK = 128
NBLK = 80
RING = 8
R = 10240
RPS = R // NS

_mesh = plsc.VectorSubcoreMesh(core_axis_name="c", subcore_axis_name="s")
_SC_PARAMS = pltpu.CompilerParams(use_tc_tiling_on_sc=False)


@functools.partial(
    pl.kernel,
    out_type=jax.ShapeDtypeStruct((NC, R, 16), jnp.float32),
    mesh=_mesh,
    compiler_params=_SC_PARAMS,
    scratch_types=[
        pltpu.VMEM((NBLK, BLK), jnp.int32),
        pltpu.VMEM((BLK, 16), jnp.float32),
        pltpu.VMEM_SHARED((R, 16), jnp.float32),
    ],
)
def _deg(dsts_hbm, ones_hbm, zeros_hbm, out_hbm, dst_v, ones_v, acc_sh):
    c = lax.axis_index("c")
    s = lax.axis_index("s")
    pltpu.sync_copy(zeros_hbm.at[pl.ds(s * RPS, RPS)],
                    acc_sh.at[pl.ds(s * RPS, RPS)])
    pltpu.sync_copy(dsts_hbm.at[c, s], dst_v)
    pltpu.sync_copy(ones_hbm, ones_v)
    plsc.subcore_barrier()

    @pl.loop(0, NBLK)
    def _(j):
        pltpu.sync_copy(ones_v, acc_sh.at[dst_v.at[j]], add=True)

    plsc.subcore_barrier()
    pltpu.sync_copy(acc_sh.at[pl.ds(s * RPS, RPS)],
                    out_hbm.at[c, pl.ds(s * RPS, RPS)])


@functools.partial(
    pl.kernel,
    out_type=jax.ShapeDtypeStruct((NC, R, HID), jnp.float32),
    mesh=_mesh,
    compiler_params=_SC_PARAMS,
    scratch_types=[
        pltpu.VMEM((NBLK, BLK), jnp.int32),
        pltpu.VMEM((NBLK, BLK), jnp.int32),
        [pltpu.VMEM((BLK, HID), jnp.float32)] * RING,
        [pltpu.SemaphoreType.DMA] * RING,
        pltpu.VMEM_SHARED((R, HID), jnp.float32),
    ],
)
def _scat(table_hbm, srcs_hbm, dsts_hbm, zeros_hbm, out_hbm,
          src_v, dst_v, bufs, gsems, acc_sh):
    c = lax.axis_index("c")
    s = lax.axis_index("s")
    pltpu.sync_copy(zeros_hbm.at[pl.ds(s * RPS, RPS)],
                    acc_sh.at[pl.ds(s * RPS, RPS)])
    pltpu.sync_copy(srcs_hbm.at[c, s], src_v)
    pltpu.sync_copy(dsts_hbm.at[c, s], dst_v)
    plsc.subcore_barrier()

    @pl.loop(0, NBLK, step=RING)
    def _(j):
        cps = [
            pltpu.async_copy(table_hbm.at[src_v.at[j + b]], bufs[b], gsems[b])
            for b in range(RING)
        ]
        for b in range(RING):
            cps[b].wait()
            pltpu.sync_copy(bufs[b], acc_sh.at[dst_v.at[j + b]], add=True)

    plsc.subcore_barrier()
    pltpu.sync_copy(acc_sh.at[pl.ds(s * RPS, RPS)],
                    out_hbm.at[c, pl.ds(s * RPS, RPS)])


_DOT = dict(preferred_element_type=jnp.float32, precision=lax.Precision.HIGHEST)
_RB = 400
_GRID = N // _RB


def _mm1_body(x_ref, w_ref, o_ref):
    o_ref[...] = jnp.dot(x_ref[...], w_ref[...], **_DOT)


def _mm1(x, w1):
    return pl.pallas_call(
        _mm1_body,
        grid=(_GRID,),
        in_specs=[
            pl.BlockSpec((_RB, IN_C), lambda i: (i, 0)),
            pl.BlockSpec((IN_C, HID), lambda i: (0, 0)),
        ],
        out_specs=pl.BlockSpec((_RB, HID), lambda i: (i, 0)),
        out_shape=jax.ShapeDtypeStruct((N, HID), jnp.float32),
    )(x, w1)


def _scale_body(da_ref, db_ref, xw_ref, xws_ref, dinv_ref):
    deg = da_ref[0, :, 0:1] + db_ref[0, :, 0:1] + 1.0
    dinv = lax.rsqrt(deg)
    dinv_ref[...] = dinv
    xws_ref[...] = xw_ref[...] * dinv


def _scale(deg_out, xw):
    return pl.pallas_call(
        _scale_body,
        grid=(_GRID,),
        in_specs=[
            pl.BlockSpec((1, _RB, 16), lambda i: (0, i, 0)),
            pl.BlockSpec((1, _RB, 16), lambda i: (1, i, 0)),
            pl.BlockSpec((_RB, HID), lambda i: (i, 0)),
        ],
        out_specs=[
            pl.BlockSpec((_RB, HID), lambda i: (i, 0)),
            pl.BlockSpec((_RB, 1), lambda i: (i, 0)),
        ],
        out_shape=[
            jax.ShapeDtypeStruct((N, HID), jnp.float32),
            jax.ShapeDtypeStruct((N, 1), jnp.float32),
        ],
    )(deg_out, deg_out, xw)


def _layer_body(a0_ref, a1_ref, hws_ref, dinv_ref, b_ref, w_ref, o_ref):
    dinv = dinv_ref[...]
    h = jnp.maximum(
        (a0_ref[0] + a1_ref[0] + hws_ref[...]) * dinv + b_ref[...], 0.0)
    o_ref[...] = jnp.dot(h, w_ref[...], **_DOT) * dinv


def _layer(acc, hws, dinv, b, w):
    return pl.pallas_call(
        _layer_body,
        grid=(_GRID,),
        in_specs=[
            pl.BlockSpec((1, _RB, HID), lambda i: (0, i, 0)),
            pl.BlockSpec((1, _RB, HID), lambda i: (1, i, 0)),
            pl.BlockSpec((_RB, HID), lambda i: (i, 0)),
            pl.BlockSpec((_RB, 1), lambda i: (i, 0)),
            pl.BlockSpec((1, HID), lambda i: (0, 0)),
            pl.BlockSpec((HID, HID), lambda i: (0, 0)),
        ],
        out_specs=pl.BlockSpec((_RB, HID), lambda i: (i, 0)),
        out_shape=jax.ShapeDtypeStruct((N, HID), jnp.float32),
    )(acc, acc, hws, dinv, b, w)


def _pool_body(a0_ref, a1_ref, hws_ref, dinv_ref, b_ref, wp_ref, bp_ref,
               o_ref, sum_ref):
    i = pl.program_id(0)
    h = jnp.maximum(
        (a0_ref[0] + a1_ref[0] + hws_ref[...]) * dinv_ref[...] + b_ref[...],
        0.0)
    psum = jnp.sum(h, axis=0, keepdims=True)

    @pl.when(i == 0)
    def _():
        sum_ref[...] = psum

    @pl.when(i > 0)
    def _():
        sum_ref[...] += psum

    @pl.when(i == _GRID - 1)
    def _():
        g = sum_ref[...] * (1.0 / N)
        o_ref[...] = jnp.dot(g, wp_ref[...], **_DOT) + bp_ref[...]


def _pool(acc, hws, dinv, b, wp, bp):
    return pl.pallas_call(
        _pool_body,
        grid=(_GRID,),
        in_specs=[
            pl.BlockSpec((1, _RB, HID), lambda i: (0, i, 0)),
            pl.BlockSpec((1, _RB, HID), lambda i: (1, i, 0)),
            pl.BlockSpec((_RB, HID), lambda i: (i, 0)),
            pl.BlockSpec((_RB, 1), lambda i: (i, 0)),
            pl.BlockSpec((1, HID), lambda i: (0, 0)),
            pl.BlockSpec((HID, OUT), lambda i: (0, 0)),
            pl.BlockSpec((1, OUT), lambda i: (0, 0)),
        ],
        out_specs=pl.BlockSpec((1, OUT), lambda i: (0, 0)),
        out_shape=jax.ShapeDtypeStruct((1, OUT), jnp.float32),
        scratch_shapes=[pltpu.VMEM((1, OUT), jnp.float32)],
    )(acc, acc, hws, dinv, b, wp, bp)


def kernel(x, edge_index, w1, b1, w2, b2, wp, bp):
    src = edge_index[0].astype(jnp.int32)
    dst = edge_index[1].astype(jnp.int32)
    e = src.shape[0]
    e_core = NC * NS * NBLK * BLK
    npad = e_core - e
    pad_dst = N + jnp.arange(npad, dtype=jnp.int32) % (R - N)
    src_p = jnp.concatenate([src, jnp.zeros((npad,), jnp.int32)])
    dst_p = jnp.concatenate([dst, pad_dst])
    srcs = src_p.reshape(NC, NS, NBLK, BLK)
    dsts = dst_p.reshape(NC, NS, NBLK, BLK)
    zeros64 = jnp.zeros((R, HID), jnp.float32)
    zeros16 = jnp.zeros((R, 16), jnp.float32)
    ones16 = jnp.ones((BLK, 16), jnp.float32)

    deg_out = _deg(dsts, ones16, zeros16)
    xw = _mm1(x, w1)
    xws, dinv = _scale(deg_out, xw)
    acc1 = _scat(xws, srcs, dsts, zeros64)
    h1ws = _layer(acc1, xws, dinv, b1.reshape(1, HID), w2)
    acc2 = _scat(h1ws, srcs, dsts, zeros64)
    return _pool(acc2, h1ws, dinv, b2.reshape(1, HID), wp, bp.reshape(1, OUT))

# --- scband reference (transcript-rebuilt; emitter-appended) ---
"""Pipeline reference for scband-gcn-62371515072936 (READ-ONLY COPY).

The authoritative reference and input builder live on the scoring server;
editing this copy changes nothing except your own understanding.
"""

import jax, jax.numpy as jnp
import numpy as np

N = 10000
E = 320000
IN_C = 128
HID = 64
OUT = 64


def setup_inputs(seed: int = 0) -> dict:
    key = jax.random.key(seed)
    ks = jax.random.split(key, 8)
    x = jax.random.normal(ks[0], (N, IN_C), dtype=jnp.float32)
    edge_index = jax.random.randint(ks[1], (2, E), 0, N).astype(jnp.int64)
    w1 = jax.random.normal(ks[2], (IN_C, HID), dtype=jnp.float32) * (1.0 / np.sqrt(IN_C))
    b1 = jnp.zeros((HID,), dtype=jnp.float32)
    w2 = jax.random.normal(ks[3], (HID, HID), dtype=jnp.float32) * (1.0 / np.sqrt(HID))
    b2 = jnp.zeros((HID,), dtype=jnp.float32)
    wp = jax.random.normal(ks[4], (HID, OUT), dtype=jnp.float32) * (1.0 / np.sqrt(HID))
    bp = jnp.zeros((OUT,), dtype=jnp.float32)
    return {"x": x, "edge_index": edge_index, "w1": w1, "b1": b1, "w2": w2, "b2": b2, "wp": wp, "bp": bp}


def gcn_conv(x, edge_index, w, b):
    # PyG GCNConv: add self-loops, symmetric normalization deg^-1/2 A deg^-1/2, then linear + bias
    n = x.shape[0]
    loop = jnp.arange(n, dtype=edge_index.dtype)
    src = jnp.concatenate([edge_index[0], loop])
    dst = jnp.concatenate([edge_index[1], loop])
    deg = jnp.zeros((n,), dtype=x.dtype).at[dst].add(1.0)
    dinv = jnp.where(deg > 0, jax.lax.rsqrt(jnp.maximum(deg, 1e-12)), 0.0)
    norm = dinv[src] * dinv[dst]
    xw = x @ w
    msg = xw[src] * norm[:, None]
    out = jnp.zeros((n, w.shape[1]), dtype=x.dtype).at[dst].add(msg)
    return out + b


def reference(x, edge_index, w1, b1, w2, b2, wp, bp):
    h = jax.nn.relu(gcn_conv(x, edge_index, w1, b1))
    # dropout is identity in eval mode
    h = jax.nn.relu(gcn_conv(h, edge_index, w2, b2))
    # batch is None -> all nodes in one graph; global mean pool
    batch = jnp.zeros((h.shape[0],), dtype=jnp.int32)
    summed = jax.ops.segment_sum(h, batch, num_segments=1)
    counts = jax.ops.segment_sum(jnp.ones((h.shape[0],), dtype=h.dtype), batch, num_segments=1)
    g = summed / counts[:, None]
    g = g @ wp + bp
    return g

if __name__ == "__main__":
    import jax
    _d = setup_inputs()
    print(jax.jit(kernel)(*tuple(_d.values())))

</pallas_src>

<mosaic_0001>
#map = affine_map<(d0, d1) -> (0, 0, 0, 0)>
#map1 = affine_map<(d0, d1) -> (0, 0)>
#map2 = affine_map<(d0, d1) -> (0, 0, 0)>
module attributes {stable_mosaic.version = 14 : i64} {
  func.func @_deg(%arg0: i32, %arg1: i32, %arg2: memref<2x16x80x128xi32, #tpu.memory_space<hbm>>, %arg3: memref<128x16xf32, #tpu.memory_space<hbm>>, %arg4: memref<10240x16xf32, #tpu.memory_space<hbm>>, %arg5: memref<2x10240x16xf32, #tpu.memory_space<hbm>>, %arg6: memref<80x128xi32, #tpu.memory_space<vmem>>, %arg7: memref<128x16xf32, #tpu.memory_space<vmem>>, %arg8: memref<10240x16xf32, #tpu.memory_space<vmem_shared>>) attributes {dimension_semantics = [#tpu.dimension_semantics<core_parallel>, #tpu.dimension_semantics<subcore_parallel>], iteration_bounds = array<i64: 2, 16>, scalar_prefetch = 0 : i64, scratch_operands = 3 : i64, tpu.core_type = #tpu.core_type<sc_vector_subcore>, window_params = [{transform_indices = #map}, {transform_indices = #map1}, {transform_indices = #map1}, {transform_indices = #map2}]} {
    %mul3A = arith.constant 640 : i32
    %mul3A_0 = arith.muli %arg1, %mul3A : i32
    %mul3A_1 = arith.constant 640 : i32
    %mul3A_2 = arith.muli %arg1, %mul3A_1 : i32
    "tpu.region"() ({
      %run_scoped3A = tpu.sem_alloc : memref<!tpu.dma_semaphore, #tpu.memory_space<semaphore_mem>>
      %dma_start3A = arith.constant 0 : i32
      %dma_start3A_12 = tpu.memref_slice %arg8[%mul3A_2, %dma_start3A] : memref<10240x16xf32, #tpu.memory_space<vmem_shared>> -> memref<640x16xf32, #tpu.memory_space<vmem_shared>>
      %dma_start3A_13 = arith.constant 0 : i32
      %dma_start3A_14 = tpu.memref_slice %arg4[%mul3A_0, %dma_start3A_13] : memref<10240x16xf32, #tpu.memory_space<hbm>> -> memref<640x16xf32, #tpu.memory_space<hbm>>
      tpu.enqueue_dma source(%dma_start3A_14 : memref<640x16xf32, #tpu.memory_space<hbm>>) target(%dma_start3A_12 : memref<640x16xf32, #tpu.memory_space<vmem_shared>>) target_semaphore(%run_scoped3A : memref<!tpu.dma_semaphore, #tpu.memory_space<semaphore_mem>>)
      %dma_wait3A = arith.constant 0 : i32
      %dma_wait3A_15 = tpu.memref_slice %arg8[%mul3A_2, %dma_wait3A] : memref<10240x16xf32, #tpu.memory_space<vmem_shared>> -> memref<640x16xf32, #tpu.memory_space<vmem_shared>>
      %dma_wait3A_16 = arith.constant 0 : i32
      %dma_wait3A_17 = tpu.memref_slice %arg4[%mul3A_0, %dma_wait3A_16] : memref<10240x16xf32, #tpu.memory_space<hbm>> -> memref<640x16xf32, #tpu.memory_space<hbm>>
      tpu.wait_dma2 semaphore(%run_scoped3A : memref<!tpu.dma_semaphore, #tpu.memory_space<semaphore_mem>>) src(%dma_wait3A_17 : memref<640x16xf32, #tpu.memory_space<hbm>>) dst(%dma_wait3A_15 : memref<640x16xf32, #tpu.memory_space<vmem_shared>>)
      tpu.yield
    }) : () -> ()
    "tpu.region"() ({
      %run_scoped3A = tpu.sem_alloc : memref<!tpu.dma_semaphore, #tpu.memory_space<semaphore_mem>>
      %dma_start3A = arith.constant 0 : i32
      %dma_start3A_12 = arith.constant 0 : i32
      %dma_start3A_13 = tpu.memref_slice %arg2[%arg0, %arg1, %dma_start3A, %dma_start3A_12] : memref<2x16x80x128xi32, #tpu.memory_space<hbm>> -> memref<1x1x80x128xi32, #tpu.memory_space<hbm>>
      %dma_start3A_14 = tpu.memref_squeeze %dma_start3A_13 : memref<1x1x80x128xi32, #tpu.memory_space<hbm>> -> memref<80x128xi32, #tpu.memory_space<hbm>>
      %dma_start3A_15 = arith.constant 0 : i32
      %dma_start3A_16 = arith.constant 0 : i32
      %dma_start3A_17 = tpu.memref_slice %arg2[%arg0, %arg1, %dma_start3A_15, %dma_start3A_16] : memref<2x16x80x128xi32, #tpu.memory_space<hbm>> -> memref<1x1x80x128xi32, #tpu.memory_space<hbm>>
      %dma_start3A_18 = tpu.memref_squeeze %dma_start3A_17 : memref<1x1x80x128xi32, #tpu.memory_space<hbm>> -> memref<80x128xi32, #tpu.memory_space<hbm>>
      tpu.enqueue_dma source(%dma_start3A_18 : memref<80x128xi32, #tpu.memory_space<hbm>>) target(%arg6 : memref<80x128xi32, #tpu.memory_space<vmem>>) target_semaphore(%run_scoped3A : memref<!tpu.dma_semaphore, #tpu.memory_space<semaphore_mem>>)
      %dma_wait3A = arith.constant 0 : i32
      %dma_wait3A_19 = arith.constant 0 : i32
      %dma_wait3A_20 = tpu.memref_slice %arg2[%arg0, %arg1, %dma_wait3A, %dma_wait3A_19] : memref<2x16x80x128xi32, #tpu.memory_space<hbm>> -> memref<1x1x80x128xi32, #tpu.memory_space<hbm>>
      %dma_wait3A_21 = tpu.memref_squeeze %dma_wait3A_20 : memref<1x1x80x128xi32, #tpu.memory_space<hbm>> -> memref<80x128xi32, #tpu.memory_space<hbm>>
      %dma_wait3A_22 = arith.constant 0 : i32
      %dma_wait3A_23 = arith.constant 0 : i32
      %dma_wait3A_24 = tpu.memref_slice %arg2[%arg0, %arg1, %dma_wait3A_22, %dma_wait3A_23] : memref<2x16x80x128xi32, #tpu.memory_space<hbm>> -> memref<1x1x80x128xi32, #tpu.memory_space<hbm>>
      %dma_wait3A_25 = tpu.memref_squeeze %dma_wait3A_24 : memref<1x1x80x128xi32, #tpu.memory_space<hbm>> -> memref<80x128xi32, #tpu.memory_space<hbm>>
      tpu.wait_dma2 semaphore(%run_scoped3A : memref<!tpu.dma_semaphore, #tpu.memory_space<semaphore_mem>>) src(%dma_wait3A_25 : memref<80x128xi32, #tpu.memory_space<hbm>>) dst(%arg6 : memref<80x128xi32, #tpu.memory_space<vmem>>)
      tpu.yield
    }) : () -> ()
    "tpu.region"() ({
      %run_scoped3A = tpu.sem_alloc : memref<!tpu.dma_semaphore, #tpu.memory_space<semaphore_mem>>
      tpu.enqueue_dma source(%arg3 : memref<128x16xf32, #tpu.memory_space<hbm>>) target(%arg7 : memref<128x16xf32, #tpu.memory_space<vmem>>) target_semaphore(%run_scoped3A : memref<!tpu.dma_semaphore, #tpu.memory_space<semaphore_mem>>)
      tpu.wait_dma2 semaphore(%run_scoped3A : memref<!tpu.dma_semaphore, #tpu.memory_space<semaphore_mem>>) src(%arg3 : memref<128x16xf32, #tpu.memory_space<hbm>>) dst(%arg7 : memref<128x16xf32, #tpu.memory_space<vmem>>)
      tpu.yield
    }) : () -> ()
    %barrier3A = arith.constant 0 : index
    tpu.barrier barrier_id(%barrier3A)
    %scan3A = arith.constant 0 : i32
    %scan3A_3 = arith.constant 80 : i32
    %scan3A_4 = arith.addi %scan3A, %scan3A_3 : i32
    %scan3A_5 = arith.constant 1 : i32
    scf.for %scan3A_12 = %scan3A to %scan3A_4 step %scan3A_5  : i32 {
      %mul3A_13 = arith.constant 1 : i32
      %mul3A_14 = arith.muli %scan3A_12, %mul3A_13 : i32
      %add3A = arith.constant 0 : i32
      %add3A_15 = arith.addi %add3A, %mul3A_14 : i32
      "tpu.region"() ({
        %run_scoped3A = tpu.sem_alloc : memref<!tpu.dma_semaphore, #tpu.memory_space<semaphore_mem>>
        %dma_start3A = arith.constant 0 : i32
        %dma_start3A_16 = tpu.memref_slice %arg6[%add3A_15, %dma_start3A] : memref<80x128xi32, #tpu.memory_space<vmem>> -> memref<1x128xi32, #tpu.memory_space<vmem>>
        %dma_start3A_17 = tpu.memref_squeeze %dma_start3A_16 : memref<1x128xi32, #tpu.memory_space<vmem>> -> memref<128xi32, #tpu.memory_space<vmem>>
        %dma_start3A_18 = arith.constant 0 : i32
        %dma_start3A_19 = arith.constant 0 : i32
        %dma_start3A_20 = tpu.memref_slice %arg8[%dma_start3A_18, %dma_start3A_19] : memref<10240x16xf32, #tpu.memory_space<vmem_shared>> -> memref<10240x16xf32, #tpu.memory_space<vmem_shared>>
        tpu.enqueue_indirect_dma source(%arg7 : memref<128x16xf32, #tpu.memory_space<vmem>>) target(%dma_start3A_20 : memref<10240x16xf32, #tpu.memory_space<vmem_shared>>) offsets(%dma_start3A_17 : memref<128xi32, #tpu.memory_space<vmem>>) semaphore(%run_scoped3A : memref<!tpu.dma_semaphore, #tpu.memory_space<semaphore_mem>>) {add = true}
        %dma_wait3A = arith.constant 0 : i32
        %dma_wait3A_21 = tpu.memref_slice %arg6[%add3A_15, %dma_wait3A] : memref<80x128xi32, #tpu.memory_space<vmem>> -> memref<1x128xi32, #tpu.memory_space<vmem>>
        %dma_wait3A_22 = tpu.memref_squeeze %dma_wait3A_21 : memref<1x128xi32, #tpu.memory_space<vmem>> -> memref<128xi32, #tpu.memory_space<vmem>>
        %dma_wait3A_23 = arith.constant 0 : i32
        %dma_wait3A_24 = arith.constant 0 : i32
        %dma_wait3A_25 = tpu.memref_slice %arg8[%dma_wait3A_23, %dma_wait3A_24] : memref<10240x16xf32, #tpu.memory_space<vmem_shared>> -> memref<10240x16xf32, #tpu.memory_space<vmem_shared>>
        tpu.wait_indirect_dma semaphore(%run_scoped3A : memref<!tpu.dma_semaphore, #tpu.memory_space<semaphore_mem>>) src(%arg7 : memref<128x16xf32, #tpu.memory_space<vmem>>) dst(%dma_wait3A_25 : memref<10240x16xf32, #tpu.memory_space<vmem_shared>>)
        tpu.yield
      }) : () -> ()
    }
    %scan3A_6 = arith.constant 80 : i32
    %barrier3A_7 = arith.constant 0 : index
    tpu.barrier barrier_id(%barrier3A_7)
    %mul3A_8 = arith.constant 640 : i32
    %mul3A_9 = arith.muli %arg1, %mul3A_8 : i32
    %mul3A_10 = arith.constant 640 : i32
    %mul3A_11 = arith.muli %arg1, %mul3A_10 : i32
    "tpu.region"() ({
      %run_scoped3A = tpu.sem_alloc : memref<!tpu.dma_semaphore, #tpu.memory_space<semaphore_mem>>
      %dma_start3A = arith.constant 0 : i32
      %dma_start3A_12 = tpu.memref_slice %arg5[%arg0, %mul3A_11, %dma_start3A] : memref<2x10240x16xf32, #tpu.memory_space<hbm>> -> memref<1x640x16xf32, #tpu.memory_space<hbm>>
      %dma_start3A_13 = tpu.memref_squeeze %dma_start3A_12 : memref<1x640x16xf32, #tpu.memory_space<hbm>> -> memref<640x16xf32, #tpu.memory_space<hbm>>
      %dma_start3A_14 = arith.constant 0 : i32
      %dma_start3A_15 = tpu.memref_slice %arg8[%mul3A_9, %dma_start3A_14] : memref<10240x16xf32, #tpu.memory_space<vmem_shared>> -> memref<640x16xf32, #tpu.memory_space<vmem_shared>>
      tpu.enqueue_dma source(%dma_start3A_15 : memref<640x16xf32, #tpu.memory_space<vmem_shared>>) target(%dma_start3A_13 : memref<640x16xf32, #tpu.memory_space<hbm>>) target_semaphore(%run_scoped3A : memref<!tpu.dma_semaphore, #tpu.memory_space<semaphore_mem>>)
      %dma_wait3A = arith.constant 0 : i32
      %dma_wait3A_16 = tpu.memref_slice %arg5[%arg0, %mul3A_11, %dma_wait3A] : memref<2x10240x16xf32, #tpu.memory_space<hbm>> -> memref<1x640x16xf32, #tpu.memory_space<hbm>>
      %dma_wait3A_17 = tpu.memref_squeeze %dma_wait3A_16 : memref<1x640x16xf32, #tpu.memory_space<hbm>> -> memref<640x16xf32, #tpu.memory_space<hbm>>
      %dma_wait3A_18 = arith.constant 0 : i32
      %dma_wait3A_19 = tpu.memref_slice %arg8[%mul3A_9, %dma_wait3A_18] : memref<10240x16xf32, #tpu.memory_space<vmem_shared>> -> memref<640x16xf32, #tpu.memory_space<vmem_shared>>
      tpu.wait_dma2 semaphore(%run_scoped3A : memref<!tpu.dma_semaphore, #tpu.memory_space<semaphore_mem>>) src(%dma_wait3A_19 : memref<640x16xf32, #tpu.memory_space<vmem_shared>>) dst(%dma_wait3A_17 : memref<640x16xf32, #tpu.memory_space<hbm>>)
      tpu.yield
    }) : () -> ()
    return
  }
}

#map = affine_map<(d0, d1) -> (0, 0)>
#map1 = affine_map<(d0, d1) -> (0, 0, 0, 0)>
#map2 = affine_map<(d0, d1) -> (0, 0, 0)>
module attributes {stable_mosaic.version = 14 : i64} {
  func.func @_scat(%arg0: i32, %arg1: i32, %arg2: memref<10000x64xf32, #tpu.memory_space<hbm>>, %arg3: memref<2x16x80x128xi32, #tpu.memory_space<hbm>>, %arg4: memref<2x16x80x128xi32, #tpu.memory_space<hbm>>, %arg5: memref<10240x64xf32, #tpu.memory_space<hbm>>, %arg6: memref<2x10240x64xf32, #tpu.memory_space<hbm>>, %arg7: memref<80x128xi32, #tpu.memory_space<vmem>>, %arg8: memref<80x128xi32, #tpu.memory_space<vmem>>, %arg9: memref<128x64xf32, #tpu.memory_space<vmem>>, %arg10: memref<128x64xf32, #tpu.memory_space<vmem>>, %arg11: memref<128x64xf32, #tpu.memory_space<vmem>>, %arg12: memref<128x64xf32, #tpu.memory_space<vmem>>, %arg13: memref<128x64xf32, #tpu.memory_space<vmem>>, %arg14: memref<128x64xf32, #tpu.memory_space<vmem>>, %arg15: memref<128x64xf32, #tpu.memory_space<vmem>>, %arg16: memref<128x64xf32, #tpu.memory_space<vmem>>, %arg17: memref<!tpu.dma_semaphore, #tpu.memory_space<semaphore_mem>>, %arg18: memref<!tpu.dma_semaphore, #tpu.memory_space<semaphore_mem>>, %arg19: memref<!tpu.dma_semaphore, #tpu.memory_space<semaphore_mem>>, %arg20: memref<!tpu.dma_semaphore, #tpu.memory_space<semaphore_mem>>, %arg21: memref<!tpu.dma_semaphore, #tpu.memory_space<semaphore_mem>>, %arg22: memref<!tpu.dma_semaphore, #tpu.memory_space<semaphore_mem>>, %arg23: memref<!tpu.dma_semaphore, #tpu.memory_space<semaphore_mem>>, %arg24: memref<!tpu.dma_semaphore, #tpu.memory_space<semaphore_mem>>, %arg25: memref<10240x64xf32, #tpu.memory_space<vmem_shared>>) attributes {dimension_semantics = [#tpu.dimension_semantics<core_parallel>, #tpu.dimension_semantics<subcore_parallel>], iteration_bounds = array<i64: 2, 16>, scalar_prefetch = 0 : i64, scratch_operands = 19 : i64, tpu.core_type = #tpu.core_type<sc_vector_subcore>, window_params = [{transform_indices = #map}, {transform_indices = #map1}, {transform_indices = #map1}, {transform_indices = #map}, {transform_indices = #map2}]} {
    %mul3A = arith.constant 640 : i32
    %mul3A_0 = arith.muli %arg1, %mul3A : i32
    %mul3A_1 = arith.constant 640 : i32
    %mul3A_2 = arith.muli %arg1, %mul3A_1 : i32
    "tpu.region"() ({
      %run_scoped3A = tpu.sem_alloc : memref<!tpu.dma_semaphore, #tpu.memory_space<semaphore_mem>>
      %dma_start3A = arith.constant 0 : i32
      %dma_start3A_12 = tpu.memref_slice %arg25[%mul3A_2, %dma_start3A] : memref<10240x64xf32, #tpu.memory_space<vmem_shared>> -> memref<640x64xf32, #tpu.memory_space<vmem_shared>>
      %dma_start3A_13 = arith.constant 0 : i32
      %dma_start3A_14 = tpu.memref_slice %arg5[%mul3A_0, %dma_start3A_13] : memref<10240x64xf32, #tpu.memory_space<hbm>> -> memref<640x64xf32, #tpu.memory_space<hbm>>
      tpu.enqueue_dma source(%dma_start3A_14 : memref<640x64xf32, #tpu.memory_space<hbm>>) target(%dma_start3A_12 : memref<640x64xf32, #tpu.memory_space<vmem_shared>>) target_semaphore(%run_scoped3A : memref<!tpu.dma_semaphore, #tpu.memory_space<semaphore_mem>>)
      %dma_wait3A = arith.constant 0 : i32
      %dma_wait3A_15 = tpu.memref_slice %arg25[%mul3A_2, %dma_wait3A] : memref<10240x64xf32, #tpu.memory_space<vmem_shared>> -> memref<640x64xf32, #tpu.memory_space<vmem_shared>>
      %dma_wait3A_16 = arith.constant 0 : i32
      %dma_wait3A_17 = tpu.memref_slice %arg5[%mul3A_0, %dma_wait3A_16] : memref<10240x64xf32, #tpu.memory_space<hbm>> -> memref<640x64xf32, #tpu.memory_space<hbm>>
      tpu.wait_dma2 semaphore(%run_scoped3A : memref<!tpu.dma_semaphore, #tpu.memory_space<semaphore_mem>>) src(%dma_wait3A_17 : memref<640x64xf32, #tpu.memory_space<hbm>>) dst(%dma_wait3A_15 : memref<640x64xf32, #tpu.memory_space<vmem_shared>>)
      tpu.yield
    }) : () -> ()
    "tpu.region"() ({
      %run_scoped3A = tpu.sem_alloc : memref<!tpu.dma_semaphore, #tpu.memory_space<semaphore_mem>>
      %dma_start3A = arith.constant 0 : i32
      %dma_start3A_12 = arith.constant 0 : i32
      %dma_start3A_13 = tpu.memref_slice %arg3[%arg0, %arg1, %dma_start3A, %dma_start3A_12] : memref<2x16x80x128xi32, #tpu.memory_space<hbm>> -> memref<1x1x80x128xi32, #tpu.memory_space<hbm>>
      %dma_start3A_14 = tpu.memref_squeeze %dma_start3A_13 : memref<1x1x80x128xi32, #tpu.memory_space<hbm>> -> memref<80x128xi32, #tpu.memory_space<hbm>>
      %dma_start3A_15 = arith.constant 0 : i32
      %dma_start3A_16 = arith.constant 0 : i32
      %dma_start3A_17 = tpu.memref_slice %arg3[%arg0, %arg1, %dma_start3A_15, %dma_start3A_16] : memref<2x16x80x128xi32, #tpu.memory_space<hbm>> -> memref<1x1x80x128xi32, #tpu.memory_space<hbm>>
      %dma_start3A_18 = tpu.memref_squeeze %dma_start3A_17 : memref<1x1x80x128xi32, #tpu.memory_space<hbm>> -> memref<80x128xi32, #tpu.memory_space<hbm>>
      tpu.enqueue_dma source(%dma_start3A_18 : memref<80x128xi32, #tpu.memory_space<hbm>>) target(%arg7 : memref<80x128xi32, #tpu.memory_space<vmem>>) target_semaphore(%run_scoped3A : memref<!tpu.dma_semaphore, #tpu.memory_space<semaphore_mem>>)
      %dma_wait3A = arith.constant 0 : i32
      %dma_wait3A_19 = arith.constant 0 : i32
      %dma_wait3A_20 = tpu.memref_slice %arg3[%arg0, %arg1, %dma_wait3A, %dma_wait3A_19] : memref<2x16x80x128xi32, #tpu.memory_space<hbm>> -> memref<1x1x80x128xi32, #tpu.memory_space<hbm>>
      %dma_wait3A_21 = tpu.memref_squeeze %dma_wait3A_20 : memref<1x1x80x128xi32, #tpu.memory_space<hbm>> -> memref<80x128xi32, #tpu.memory_space<hbm>>
      %dma_wait3A_22 = arith.constant 0 : i32
      %dma_wait3A_23 = arith.constant 0 : i32
      %dma_wait3A_24 = tpu.memref_slice %arg3[%arg0, %arg1, %dma_wait3A_22, %dma_wait3A_23] : memref<2x16x80x128xi32, #tpu.memory_space<hbm>> -> memref<1x1x80x128xi32, #tpu.memory_space<hbm>>
      %dma_wait3A_25 = tpu.memref_squeeze %dma_wait3A_24 : memref<1x1x80x128xi32, #tpu.memory_space<hbm>> -> memref<80x128xi32, #tpu.memory_space<hbm>>
      tpu.wait_dma2 semaphore(%run_scoped3A : memref<!tpu.dma_semaphore, #tpu.memory_space<semaphore_mem>>) src(%dma_wait3A_25 : memref<80x128xi32, #tpu.memory_space<hbm>>) dst(%arg7 : memref<80x128xi32, #tpu.memory_space<vmem>>)
      tpu.yield
    }) : () -> ()
    "tpu.region"() ({
      %run_scoped3A = tpu.sem_alloc : memref<!tpu.dma_semaphore, #tpu.memory_space<semaphore_mem>>
      %dma_start3A = arith.constant 0 : i32
      %dma_start3A_12 = arith.constant 0 : i32
      %dma_start3A_13 = tpu.memref_slice %arg4[%arg0, %arg1, %dma_start3A, %dma_start3A_12] : memref<2x16x80x128xi32, #tpu.memory_space<hbm>> -> memref<1x1x80x128xi32, #tpu.memory_space<hbm>>
      %dma_start3A_14 = tpu.memref_squeeze %dma_start3A_13 : memref<1x1x80x128xi32, #tpu.memory_space<hbm>> -> memref<80x128xi32, #tpu.memory_space<hbm>>
      %dma_start3A_15 = arith.constant 0 : i32
      %dma_start3A_16 = arith.constant 0 : i32
      %dma_start3A_17 = tpu.memref_slice %arg4[%arg0, %arg1, %dma_start3A_15, %dma_start3A_16] : memref<2x16x80x128xi32, #tpu.memory_space<hbm>> -> memref<1x1x80x128xi32, #tpu.memory_space<hbm>>
      %dma_start3A_18 = tpu.memref_squeeze %dma_start3A_17 : memref<1x1x80x128xi32, #tpu.memory_space<hbm>> -> memref<80x128xi32, #tpu.memory_space<hbm>>
      tpu.enqueue_dma source(%dma_start3A_18 : memref<80x128xi32, #tpu.memory_space<hbm>>) target(%arg8 : memref<80x128xi32, #tpu.memory_space<vmem>>) target_semaphore(%run_scoped3A : memref<!tpu.dma_semaphore, #tpu.memory_space<semaphore_mem>>)
      %dma_wait3A = arith.constant 0 : i32
      %dma_wait3A_19 = arith.constant 0 : i32
      %dma_wait3A_20 = tpu.memref_slice %arg4[%arg0, %arg1, %dma_wait3A, %dma_wait3A_19] : memref<2x16x80x128xi32, #tpu.memory_space<hbm>> -> memref<1x1x80x128xi32, #tpu.memory_space<hbm>>
      %dma_wait3A_21 = tpu.memref_squeeze %dma_wait3A_20 : memref<1x1x80x128xi32, #tpu.memory_space<hbm>> -> memref<80x128xi32, #tpu.memory_space<hbm>>
      %dma_wait3A_22 = arith.constant 0 : i32
      %dma_wait3A_23 = arith.constant 0 : i32
      %dma_wait3A_24 = tpu.memref_slice %arg4[%arg0, %arg1, %dma_wait3A_22, %dma_wait3A_23] : memref<2x16x80x128xi32, #tpu.memory_space<hbm>> -> memref<1x1x80x128xi32, #tpu.memory_space<hbm>>
      %dma_wait3A_25 = tpu.memref_squeeze %dma_wait3A_24 : memref<1x1x80x128xi32, #tpu.memory_space<hbm>> -> memref<80x128xi32, #tpu.memory_space<hbm>>
      tpu.wait_dma2 semaphore(%run_scoped3A : memref<!tpu.dma_semaphore, #tpu.memory_space<semaphore_mem>>) src(%dma_wait3A_25 : memref<80x128xi32, #tpu.memory_space<hbm>>) dst(%arg8 : memref<80x128xi32, #tpu.memory_space<vmem>>)
      tpu.yield
    }) : () -> ()
    %barrier3A = arith.constant 0 : index
    tpu.barrier barrier_id(%barrier3A)
    %scan3A = arith.constant 0 : i32
    %scan3A_3 = arith.constant 10 : i32
    %scan3A_4 = arith.addi %scan3A, %scan3A_3 : i32
    %scan3A_5 = arith.constant 1 : i32
    scf.for %scan3A_12 = %scan3A to %scan3A_4 step %scan3A_5  : i32 {
      %mul3A_13 = arith.constant 8 : i32
      %mul3A_14 = arith.muli %scan3A_12, %mul3A_13 : i32
      %add3A = arith.constant 0 : i32
      %add3A_15 = arith.addi %add3A, %mul3A_14 : i32
      %add3A_16 = arith.constant 0 : i32
      %add3A_17 = arith.addi %add3A_15, %add3A_16 : i32
      %dma_start3A = arith.constant 0 : i32
      %dma_start3A_18 = tpu.memref_slice %arg7[%add3A_17, %dma_start3A] : memref<80x128xi32, #tpu.memory_space<vmem>> -> memref<1x128xi32, #tpu.memory_space<vmem>>
      %dma_start3A_19 = tpu.memref_squeeze %dma_start3A_18 : memref<1x128xi32, #tpu.memory_space<vmem>> -> memref<128xi32, #tpu.memory_space<vmem>>
      %dma_start3A_20 = arith.constant 0 : i32
      %dma_start3A_21 = arith.constant 0 : i32
      %dma_start3A_22 = tpu.memref_slice %arg2[%dma_start3A_20, %dma_start3A_21] : memref<10000x64xf32, #tpu.memory_space<hbm>> -> memref<10000x64xf32, #tpu.memory_space<hbm>>
      tpu.enqueue_indirect_dma source(%dma_start3A_22 : memref<10000x64xf32, #tpu.memory_space<hbm>>) target(%arg9 : memref<128x64xf32, #tpu.memory_space<vmem>>) offsets(%dma_start3A_19 : memref<128xi32, #tpu.memory_space<vmem>>) semaphore(%arg17 : memref<!tpu.dma_semaphore, #tpu.memory_space<semaphore_mem>>)
      %add3A_23 = arith.constant 1 : i32
      %add3A_24 = arith.addi %add3A_15, %add3A_23 : i32
      %dma_start3A_25 = arith.constant 0 : i32
      %dma_start3A_26 = tpu.memref_slice %arg7[%add3A_24, %dma_start3A_25] : memref<80x128xi32, #tpu.memory_space<vmem>> -> memref<1x128xi32, #tpu.memory_space<vmem>>
      %dma_start3A_27 = tpu.memref_squeeze %dma_start3A_26 : memref<1x128xi32, #tpu.memory_space<vmem>> -> memref<128xi32, #tpu.memory_space<vmem>>
      %dma_start3A_28 = arith.constant 0 : i32
      %dma_start3A_29 = arith.constant 0 : i32
      %dma_start3A_30 = tpu.memref_slice %arg2[%dma_start3A_28, %dma_start3A_29] : memref<10000x64xf32, #tpu.memory_space<hbm>> -> memref<10000x64xf32, #tpu.memory_space<hbm>>
      tpu.enqueue_indirect_dma source(%dma_start3A_30 : memref<10000x64xf32, #tpu.memory_space<hbm>>) target(%arg10 : memref<128x64xf32, #tpu.memory_space<vmem>>) offsets(%dma_start3A_27 : memref<128xi32, #tpu.memory_space<vmem>>) semaphore(%arg18 : memref<!tpu.dma_semaphore, #tpu.memory_space<semaphore_mem>>)
      %add3A_31 = arith.constant 2 : i32
      %add3A_32 = arith.addi %add3A_15, %add3A_31 : i32
      %dma_start3A_33 = arith.constant 0 : i32
      %dma_start3A_34 = tpu.memref_slice %arg7[%add3A_32, %dma_start3A_33] : memref<80x128xi32, #tpu.memory_space<vmem>> -> memref<1x128xi32, #tpu.memory_space<vmem>>
      %dma_start3A_35 = tpu.memref_squeeze %dma_start3A_34 : memref<1x128xi32, #tpu.memory_space<vmem>> -> memref<128xi32, #tpu.memory_space<vmem>>
      %dma_start3A_36 = arith.constant 0 : i32
      %dma_start3A_37 = arith.constant 0 : i32
      %dma_start3A_38 = tpu.memref_slice %arg2[%dma_start3A_36, %dma_start3A_37] : memref<10000x64xf32, #tpu.memory_space<hbm>> -> memref<10000x64xf32, #tpu.memory_space<hbm>>
      tpu.enqueue_indirect_dma source(%dma_start3A_38 : memref<10000x64xf32, #tpu.memory_space<hbm>>) target(%arg11 : memref<128x64xf32, #tpu.memory_space<vmem>>) offsets(%dma_start3A_35 : memref<128xi32, #tpu.memory_space<vmem>>) semaphore(%arg19 : memref<!tpu.dma_semaphore, #tpu.memory_space<semaphore_mem>>)
      %add3A_39 = arith.constant 3 : i32
      %add3A_40 = arith.addi %add3A_15, %add3A_39 : i32
      %dma_start3A_41 = arith.constant 0 : i32
      %dma_start3A_42 = tpu.memref_slice %arg7[%add3A_40, %dma_start3A_41] : memref<80x128xi32, #tpu.memory_space<vmem>> -> memref<1x128xi32, #tpu.memory_space<vmem>>
      %dma_start3A_43 = tpu.memref_squeeze %dma_start3A_42 : memref<1x128xi32, #tpu.memory_space<vmem>> -> memref<128xi32, #tpu.memory_space<vmem>>
      %dma_start3A_44 = arith.constant 0 : i32
      %dma_start3A_45 = arith.constant 0 : i32
      %dma_start3A_46 = tpu.memref_slice %arg2[%dma_start3A_44, %dma_start3A_45] : memref<10000x64xf32, #tpu.memory_space<hbm>> -> memref<10000x64xf32, #tpu.memory_space<hbm>>
      tpu.enqueue_indirect_dma source(%dma_start3A_46 : memref<10000x64xf32, #tpu.memory_space<hbm>>) target(%arg12 : memref<128x64xf32, #tpu.memory_space<vmem>>) offsets(%dma_start3A_43 : memref<128xi32, #tpu.memory_space<vmem>>) semaphore(%arg20 : memref<!tpu.dma_semaphore, #tpu.memory_space<semaphore_mem>>)
      %add3A_47 = arith.constant 4 : i32
      %add3A_48 = arith.addi %add3A_15, %add3A_47 : i32
      %dma_start3A_49 = arith.constant 0 : i32
      %dma_start3A_50 = tpu.memref_slice %arg7[%add3A_48, %dma_start3A_49] : memref<80x128xi32, #tpu.memory_space<vmem>> -> memref<1x128xi32, #tpu.memory_space<vmem>>
      %dma_start3A_51 = tpu.memref_squeeze %dma_start3A_50 : memref<1x128xi32, #tpu.memory_space<vmem>> -> memref<128xi32, #tpu.memory_space<vmem>>
      %dma_start3A_52 = arith.constant 0 : i32
      %dma_start3A_53 = arith.constant 0 : i32
      %dma_start3A_54 = tpu.memref_slice %arg2[%dma_start3A_52, %dma_start3A_53] : memref<10000x64xf32, #tpu.memory_space<hbm>> -> memref<10000x64xf32, #tpu.memory_space<hbm>>
      tpu.enqueue_indirect_dma source(%dma_start3A_54 : memref<10000x64xf32, #tpu.memory_space<hbm>>) target(%arg13 : memref<128x64xf32, #tpu.memory_space<vmem>>) offsets(%dma_start3A_51 : memref<128xi32, #tpu.memory_space<vmem>>) semaphore(%arg21 : memref<!tpu.dma_semaphore, #tpu.memory_space<semaphore_mem>>)
      %add3A_55 = arith.constant 5 : i32
      %add3A_56 = arith.addi %add3A_15, %add3A_55 : i32
      %dma_start3A_57 = arith.constant 0 : i32
      %dma_start3A_58 = tpu.memref_slice %arg7[%add3A_56, %dma_start3A_57] : memref<80x128xi32, #tpu.memory_space<vmem>> -> memref<1x128xi32, #tpu.memory_space<vmem>>
      %dma_start3A_59 = tpu.memref_squeeze %dma_start3A_58 : memref<1x128xi32, #tpu.memory_space<vmem>> -> memref<128xi32, #tpu.memory_space<vmem>>
      %dma_start3A_60 = arith.constant 0 : i32
      %dma_start3A_61 = arith.constant 0 : i32
      %dma_start3A_62 = tpu.memref_slice %arg2[%dma_start3A_60, %dma_start3A_61] : memref<10000x64xf32, #tpu.memory_space<hbm>> -> memref<10000x64xf32, #tpu.memory_space<hbm>>
      tpu.enqueue_indirect_dma source(%dma_start3A_62 : memref<10000x64xf32, #tpu.memory_space<hbm>>) target(%arg14 : memref<128x64xf32, #tpu.memory_space<vmem>>) offsets(%dma_start3A_59 : memref<128xi32, #tpu.memory_space<vmem>>) semaphore(%arg22 : memref<!tpu.dma_semaphore, #tpu.memory_space<semaphore_mem>>)
      %add3A_63 = arith.constant 6 : i32
      %add3A_64 = arith.addi %add3A_15, %add3A_63 : i32
      %dma_start3A_65 = arith.constant 0 : i32
      %dma_start3A_66 = tpu.memref_slice %arg7[%add3A_64, %dma_start3A_65] : memref<80x128xi32, #tpu.memory_space<vmem>> -> memref<1x128xi32, #tpu.memory_space<vmem>>
      %dma_start3A_67 = tpu.memref_squeeze %dma_start3A_66 : memref<1x128xi32, #tpu.memory_space<vmem>> -> memref<128xi32, #tpu.memory_space<vmem>>
      %dma_start3A_68 = arith.constant 0 : i32
      %dma_start3A_69 = arith.constant 0 : i32
      %dma_start3A_70 = tpu.memref_slice %arg2[%dma_start3A_68, %dma_start3A_69] : memref<10000x64xf32, #tpu.memory_space<hbm>> -> memref<10000x64xf32, #tpu.memory_space<hbm>>
      tpu.enqueue_indirect_dma source(%dma_start3A_70 : memref<10000x64xf32, #tpu.memory_space<hbm>>) target(%arg15 : memref<128x64xf32, #tpu.memory_space<vmem>>) offsets(%dma_start3A_67 : memref<128xi32, #tpu.memory_space<vmem>>) semaphore(%arg23 : memref<!tpu.dma_semaphore, #tpu.memory_space<semaphore_mem>>)
      %add3A_71 = arith.constant 7 : i32
      %add3A_72 = arith.addi %add3A_15, %add3A_71 : i32
      %dma_start3A_73 = arith.constant 0 : i32
      %dma_start3A_74 = tpu.memref_slice %arg7[%add3A_72, %dma_start3A_73] : memref<80x128xi32, #tpu.memory_space<vmem>> -> memref<1x128xi32, #tpu.memory_space<vmem>>
      %dma_start3A_75 = tpu.memref_squeeze %dma_start3A_74 : memref<1x128xi32, #tpu.memory_space<vmem>> -> memref<128xi32, #tpu.memory_space<vmem>>
      %dma_start3A_76 = arith.constant 0 : i32
      %dma_start3A_77 = arith.constant 0 : i32
      %dma_start3A_78 = tpu.memref_slice %arg2[%dma_start3A_76, %dma_start3A_77] : memref<10000x64xf32, #tpu.memory_space<hbm>> -> memref<10000x64xf32, #tpu.memory_space<hbm>>
      tpu.enqueue_indirect_dma source(%dma_start3A_78 : memref<10000x64xf32, #tpu.memory_space<hbm>>) target(%arg16 : memref<128x64xf32, #tpu.memory_space<vmem>>) offsets(%dma_start3A_75 : memref<128xi32, #tpu.memory_space<vmem>>) semaphore(%arg24 : memref<!tpu.dma_semaphore, #tpu.memory_space<semaphore_mem>>)
      %dma_wait3A = arith.constant 0 : i32
      %dma_wait3A_79 = tpu.memref_slice %arg7[%add3A_17, %dma_wait3A] : memref<80x128xi32, #tpu.memory_space<vmem>> -> memref<1x128xi32, #tpu.memory_space<vmem>>
      %dma_wait3A_80 = tpu.memref_squeeze %dma_wait3A_79 : memref<1x128xi32, #tpu.memory_space<vmem>> -> memref<128xi32, #tpu.memory_space<vmem>>
      %dma_wait3A_81 = arith.constant 0 : i32
      %dma_wait3A_82 = arith.constant 0 : i32
      %dma_wait3A_83 = tpu.memref_slice %arg2[%dma_wait3A_81, %dma_wait3A_82] : memref<10000x64xf32, #tpu.memory_space<hbm>> -> memref<10000x64xf32, #tpu.memory_space<hbm>>
      tpu.wait_indirect_dma semaphore(%arg17 : memref<!tpu.dma_semaphore, #tpu.memory_space<semaphore_mem>>) src(%dma_wait3A_83 : memref<10000x64xf32, #tpu.memory_space<hbm>>) dst(%arg9 : memref<128x64xf32, #tpu.memory_space<vmem>>)
      %add3A_84 = arith.constant 0 : i32
      %add3A_85 = arith.addi %add3A_15, %add3A_84 : i32
      "tpu.region"() ({
        %run_scoped3A = tpu.sem_alloc : memref<!tpu.dma_semaphore, #tpu.memory_space<semaphore_mem>>
        %dma_start3A_142 = arith.constant 0 : i32
        %dma_start3A_143 = tpu.memref_slice %arg8[%add3A_85, %dma_start3A_142] : memref<80x128xi32, #tpu.memory_space<vmem>> -> memref<1x128xi32, #tpu.memory_space<vmem>>
        %dma_start3A_144 = tpu.memref_squeeze %dma_start3A_143 : memref<1x128xi32, #tpu.memory_space<vmem>> -> memref<128xi32, #tpu.memory_space<vmem>>
        %dma_start3A_145 = arith.constant 0 : i32
        %dma_start3A_146 = arith.constant 0 : i32
        %dma_start3A_147 = tpu.memref_slice %arg25[%dma_start3A_145, %dma_start3A_146] : memref<10240x64xf32, #tpu.memory_space<vmem_shared>> -> memref<10240x64xf32, #tpu.memory_space<vmem_shared>>
        tpu.enqueue_indirect_dma source(%arg9 : memref<128x64xf32, #tpu.memory_space<vmem>>) target(%dma_start3A_147 : memref<10240x64xf32, #tpu.memory_space<vmem_shared>>) offsets(%dma_start3A_144 : memref<128xi32, #tpu.memory_space<vmem>>) semaphore(%run_scoped3A : memref<!tpu.dma_semaphore, #tpu.memory_space<semaphore_mem>>) {add = true}
        %dma_wait3A_148 = arith.constant 0 : i32
        %dma_wait3A_149 = tpu.memref_slice %arg8[%add3A_85, %dma_wait3A_148] : memref<80x128xi32, #tpu.memory_space<vmem>> -> memref<1x128xi32, #tpu.memory_space<vmem>>
        %dma_wait3A_150 = tpu.memref_squeeze %dma_wait3A_149 : memref<1x128xi32, #tpu.memory_space<vmem>> -> memref<128xi32, #tpu.memory_space<vmem>>
        %dma_wait3A_151 = arith.constant 0 : i32
        %dma_wait3A_152 = arith.constant 0 : i32
        %dma_wait3A_153 = tpu.memref_slice %arg25[%dma_wait3A_151, %dma_wait3A_152] : memref<10240x64xf32, #tpu.memory_space<vmem_shared>> -> memref<10240x64xf32, #tpu.memory_space<vmem_shared>>
        tpu.wait_indirect_dma semaphore(%run_scoped3A : memref<!tpu.dma_semaphore, #tpu.memory_space<semaphore_mem>>) src(%arg9 : memref<128x64xf32, #tpu.memory_space<vmem>>) dst(%dma_wait3A_153 : memref<10240x64xf32, #tpu.memory_space<vmem_shared>>)
        tpu.yield
      }) : () -> ()
      %dma_wait3A_86 = arith.constant 0 : i32
      %dma_wait3A_87 = tpu.memref_slice %arg7[%add3A_24, %dma_wait3A_86] : memref<80x128xi32, #tpu.memory_space<vmem>> -> memref<1x128xi32, #tpu.memory_space<vmem>>
      %dma_wait3A_88 = tpu.memref_squeeze %dma_wait3A_87 : memref<1x128xi32, #tpu.memory_space<vmem>> -> memref<128xi32, #tpu.memory_space<vmem>>
      %dma_wait3A_89 = arith.constant 0 : i32
      %dma_wait3A_90 = arith.constant 0 : i32
      %dma_wait3A_91 = tpu.memref_slice %arg2[%dma_wait3A_89, %dma_wait3A_90] : memref<10000x64xf32, #tpu.memory_space<hbm>> -> memref<10000x64xf32, #tpu.memory_space<hbm>>
      tpu.wait_indirect_dma semaphore(%arg18 : memref<!tpu.dma_semaphore, #tpu.memory_space<semaphore_mem>>) src(%dma_wait3A_91 : memref<10000x64xf32, #tpu.memory_space<hbm>>) dst(%arg10 : memref<128x64xf32, #tpu.memory_space<vmem>>)
      %add3A_92 = arith.constant 1 : i32
      %add3A_93 = arith.addi %add3A_15, %add3A_92 : i32
      "tpu.region"() ({
        %run_scoped3A = tpu.sem_alloc : memref<!tpu.dma_semaphore, #tpu.memory_space<semaphore_mem>>
        %dma_start3A_142 = arith.constant 0 : i32
        %dma_start3A_143 = tpu.memref_slice %arg8[%add3A_93, %dma_start3A_142] : memref<80x128xi32, #tpu.memory_space<vmem>> -> memref<1x128xi32, #tpu.memory_space<vmem>>
        %dma_start3A_144 = tpu.memref_squeeze %dma_start3A_143 : memref<1x128xi32, #tpu.memory_space<vmem>> -> memref<128xi32, #tpu.memory_space<vmem>>
        %dma_start3A_145 = arith.constant 0 : i32
        %dma_start3A_146 = arith.constant 0 : i32
        %dma_start3A_147 = tpu.memref_slice %arg25[%dma_start3A_145, %dma_start3A_146] : memref<10240x64xf32, #tpu.memory_space<vmem_shared>> -> memref<10240x64xf32, #tpu.memory_space<vmem_shared>>
        tpu.enqueue_indirect_dma source(%arg10 : memref<128x64xf32, #tpu.memory_space<vmem>>) target(%dma_start3A_147 : memref<10240x64xf32, #tpu.memory_space<vmem_shared>>) offsets(%dma_start3A_144 : memref<128xi32, #tpu.memory_space<vmem>>) semaphore(%run_scoped3A : memref<!tpu.dma_semaphore, #tpu.memory_space<semaphore_mem>>) {add = true}
        %dma_wait3A_148 = arith.constant 0 : i32
        %dma_wait3A_149 = tpu.memref_slice %arg8[%add3A_93, %dma_wait3A_148] : memref<80x128xi32, #tpu.memory_space<vmem>> -> memref<1x128xi32, #tpu.memory_space<vmem>>
        %dma_wait3A_150 = tpu.memref_squeeze %dma_wait3A_149 : memref<1x128xi32, #tpu.memory_space<vmem>> -> memref<128xi32, #tpu.memory_space<vmem>>
        %dma_wait3A_151 = arith.constant 0 : i32
        %dma_wait3A_152 = arith.constant 0 : i32
        %dma_wait3A_153 = tpu.memref_slice %arg25[%dma_wait3A_151, %dma_wait3A_152] : memref<10240x64xf32, #tpu.memory_space<vmem_shared>> -> memref<10240x64xf32, #tpu.memory_space<vmem_shared>>
        tpu.wait_indirect_dma semaphore(%run_scoped3A : memref<!tpu.dma_semaphore, #tpu.memory_space<semaphore_mem>>) src(%arg10 : memref<128x64xf32, #tpu.memory_space<vmem>>) dst(%dma_wait3A_153 : memref<10240x64xf32, #tpu.memory_space<vmem_shared>>)
        tpu.yield
      }) : () -> ()
      %dma_wait3A_94 = arith.constant 0 : i32
      %dma_wait3A_95 = tpu.memref_slice %arg7[%add3A_32, %dma_wait3A_94] : memref<80x128xi32, #tpu.memory_space<vmem>> -> memref<1x128xi32, #tpu.memory_space<vmem>>
      %dma_wait3A_96 = tpu.memref_squeeze %dma_wait3A_95 : memref<1x128xi32, #tpu.memory_space<vmem>> -> memref<128xi32, #tpu.memory_space<vmem>>
      %dma_wait3A_97 = arith.constant 0 : i32
      %dma_wait3A_98 = arith.constant 0 : i32
      %dma_wait3A_99 = tpu.memref_slice %arg2[%dma_wait3A_97, %dma_wait3A_98] : memref<10000x64xf32, #tpu.memory_space<hbm>> -> memref<10000x64xf32, #tpu.memory_space<hbm>>
      tpu.wait_indirect_dma semaphore(%arg19 : memref<!tpu.dma_semaphore, #tpu.memory_space<semaphore_mem>>) src(%dma_wait3A_99 : memref<10000x64xf32, #tpu.memory_space<hbm>>) dst(%arg11 : memref<128x64xf32, #tpu.memory_space<vmem>>)
      %add3A_100 = arith.constant 2 : i32
      %add3A_101 = arith.addi %add3A_15, %add3A_100 : i32
      "tpu.region"() ({
        %run_scoped3A = tpu.sem_alloc : memref<!tpu.dma_semaphore, #tpu.memory_space<semaphore_mem>>
        %dma_start3A_142 = arith.constant 0 : i32
        %dma_start3A_143 = tpu.memref_slice %arg8[%add3A_101, %dma_start3A_142] : memref<80x128xi32, #tpu.memory_space<vmem>> -> memref<1x128xi32, #tpu.memory_space<vmem>>
        %dma_start3A_144 = tpu.memref_squeeze %dma_start3A_143 : memref<1x128xi32, #tpu.memory_space<vmem>> -> memref<128xi32, #tpu.memory_space<vmem>>
        %dma_start3A_145 = arith.constant 0 : i32
        %dma_start3A_146 = arith.constant 0 : i32
        %dma_start3A_147 = tpu.memref_slice %arg25[%dma_start3A_145, %dma_start3A_146] : memref<10240x64xf32, #tpu.memory_space<vmem_shared>> -> memref<10240x64xf32, #tpu.memory_space<vmem_shared>>
        tpu.enqueue_indirect_dma source(%arg11 : memref<128x64xf32, #tpu.memory_space<vmem>>) target(%dma_start3A_147 : memref<10240x64xf32, #tpu.memory_space<vmem_shared>>) offsets(%dma_start3A_144 : memref<128xi32, #tpu.memory_space<vmem>>) semaphore(%run_scoped3A : memref<!tpu.dma_semaphore, #tpu.memory_space<semaphore_mem>>) {add = true}
        %dma_wait3A_148 = arith.constant 0 : i32
        %dma_wait3A_149 = tpu.memref_slice %arg8[%add3A_101, %dma_wait3A_148] : memref<80x128xi32, #tpu.memory_space<vmem>> -> memref<1x128xi32, #tpu.memory_space<vmem>>
        %dma_wait3A_150 = tpu.memref_squeeze %dma_wait3A_149 : memref<1x128xi32, #tpu.memory_space<vmem>> -> memref<128xi32, #tpu.memory_space<vmem>>
        %dma_wait3A_151 = arith.constant 0 : i32
        %dma_wait3A_152 = arith.constant 0 : i32
        %dma_wait3A_153 = tpu.memref_slice %arg25[%dma_wait3A_151, %dma_wait3A_152] : memref<10240x64xf32, #tpu.memory_space<vmem_shared>> -> memref<10240x64xf32, #tpu.memory_space<vmem_shared>>
        tpu.wait_indirect_dma semaphore(%run_scoped3A : memref<!tpu.dma_semaphore, #tpu.memory_space<semaphore_mem>>) src(%arg11 : memref<128x64xf32, #tpu.memory_space<vmem>>) dst(%dma_wait3A_153 : memref<10240x64xf32, #tpu.memory_space<vmem_shared>>)
        tpu.yield
      }) : () -> ()
      %dma_wait3A_102 = arith.constant 0 : i32
      %dma_wait3A_103 = tpu.memref_slice %arg7[%add3A_40, %dma_wait3A_102] : memref<80x128xi32, #tpu.memory_space<vmem>> -> memref<1x128xi32, #tpu.memory_space<vmem>>
      %dma_wait3A_104 = tpu.memref_squeeze %dma_wait3A_103 : memref<1x128xi32, #tpu.memory_space<vmem>> -> memref<128xi32, #tpu.memory_space<vmem>>
      %dma_wait3A_105 = arith.constant 0 : i32
      %dma_wait3A_106 = arith.constant 0 : i32
      %dma_wait3A_107 = tpu.memref_slice %arg2[%dma_wait3A_105, %dma_wait3A_106] : memref<10000x64xf32, #tpu.memory_space<hbm>> -> memref<10000x64xf32, #tpu.memory_space<hbm>>
      tpu.wait_indirect_dma semaphore(%arg20 : memref<!tpu.dma_semaphore, #tpu.memory_space<semaphore_mem>>) src(%dma_wait3A_107 : memref<10000x64xf32, #tpu.memory_space<hbm>>) dst(%arg12 : memref<128x64xf32, #tpu.memory_space<vmem>>)
      %add3A_108 = arith.constant 3 : i32
      %add3A_109 = arith.addi %add3A_15, %add3A_108 : i32
      "tpu.region"() ({
        %run_scoped3A = tpu.sem_alloc : memref<!tpu.dma_semaphore, #tpu.memory_space<semaphore_mem>>
        %dma_start3A_142 = arith.constant 0 : i32
        %dma_start3A_143 = tpu.memref_slice %arg8[%add3A_109, %dma_start3A_142] : memref<80x128xi32, #tpu.memory_space<vmem>> -> memref<1x128xi32, #tpu.memory_space<vmem>>
        %dma_start3A_144 = tpu.memref_squeeze %dma_start3A_143 : memref<1x128xi32, #tpu.memory_space<vmem>> -> memref<128xi32, #tpu.memory_space<vmem>>
        %dma_start3A_145 = arith.constant 0 : i32
        %dma_start3A_146 = arith.constant 0 : i32
        %dma_start3A_147 = tpu.memref_slice %arg25[%dma_start3A_145, %dma_start3A_146] : memref<10240x64xf32, #tpu.memory_space<vmem_shared>> -> memref<10240x64xf32, #tpu.memory_space<vmem_shared>>
        tpu.enqueue_indirect_dma source(%arg12 : memref<128x64xf32, #tpu.memory_space<vmem>>) target(%dma_start3A_147 : memref<10240x64xf32, #tpu.memory_space<vmem_shared>>) offsets(%dma_start3A_144 : memref<128xi32, #tpu.memory_space<vmem>>) semaphore(%run_scoped3A : memref<!tpu.dma_semaphore, #tpu.memory_space<semaphore_mem>>) {add = true}
        %dma_wait3A_148 = arith.constant 0 : i32
        %dma_wait3A_149 = tpu.memref_slice %arg8[%add3A_109, %dma_wait3A_148] : memref<80x128xi32, #tpu.memory_space<vmem>> -> memref<1x128xi32, #tpu.memory_space<vmem>>
        %dma_wait3A_150 = tpu.memref_squeeze %dma_wait3A_149 : memref<1x128xi32, #tpu.memory_space<vmem>> -> memref<128xi32, #tpu.memory_space<vmem>>
        %dma_wait3A_151 = arith.constant 0 : i32
        %dma_wait3A_152 = arith.constant 0 : i32
        %dma_wait3A_153 = tpu.memref_slice %arg25[%dma_wait3A_151, %dma_wait3A_152] : memref<10240x64xf32, #tpu.memory_space<vmem_shared>> -> memref<10240x64xf32, #tpu.memory_space<vmem_shared>>
        tpu.wait_indirect_dma semaphore(%run_scoped3A : memref<!tpu.dma_semaphore, #tpu.memory_space<semaphore_mem>>) src(%arg12 : memref<128x64xf32, #tpu.memory_space<vmem>>) dst(%dma_wait3A_153 : memref<10240x64xf32, #tpu.memory_space<vmem_shared>>)
        tpu.yield
      }) : () -> ()
      %dma_wait3A_110 = arith.constant 0 : i32
      %dma_wait3A_111 = tpu.memref_slice %arg7[%add3A_48, %dma_wait3A_110] : memref<80x128xi32, #tpu.memory_space<vmem>> -> memref<1x128xi32, #tpu.memory_space<vmem>>
      %dma_wait3A_112 = tpu.memref_squeeze %dma_wait3A_111 : memref<1x128xi32, #tpu.memory_space<vmem>> -> memref<128xi32, #tpu.memory_space<vmem>>
      %dma_wait3A_113 = arith.constant 0 : i32
      %dma_wait3A_114 = arith.constant 0 : i32
      %dma_wait3A_115 = tpu.memref_slice %arg2[%dma_wait3A_113, %dma_wait3A_114] : memref<10000x64xf32, #tpu.memory_space<hbm>> -> memref<10000x64xf32, #tpu.memory_space<hbm>>
      tpu.wait_indirect_dma semaphore(%arg21 : memref<!tpu.dma_semaphore, #tpu.memory_space<semaphore_mem>>) src(%dma_wait3A_115 : memref<10000x64xf32, #tpu.memory_space<hbm>>) dst(%arg13 : memref<128x64xf32, #tpu.memory_space<vmem>>)
      %add3A_116 = arith.constant 4 : i32
      %add3A_117 = arith.addi %add3A_15, %add3A_116 : i32
      "tpu.region"() ({
        %run_scoped3A = tpu.sem_alloc : memref<!tpu.dma_semaphore, #tpu.memory_space<semaphore_mem>>
        %dma_start3A_142 = arith.constant 0 : i32
        %dma_start3A_143 = tpu.memref_slice %arg8[%add3A_117, %dma_start3A_142] : memref<80x128xi32, #tpu.memory_space<vmem>> -> memref<1x128xi32, #tpu.memory_space<vmem>>
        %dma_start3A_144 = tpu.memref_squeeze %dma_start3A_143 : memref<1x128xi32, #tpu.memory_space<vmem>> -> memref<128xi32, #tpu.memory_space<vmem>>
        %dma_start3A_145 = arith.constant 0 : i32
        %dma_start3A_146 = arith.constant 0 : i32
        %dma_start3A_147 = tpu.memref_slice %arg25[%dma_start3A_145, %dma_start3A_146] : memref<10240x64xf32, #tpu.memory_space<vmem_shared>> -> memref<10240x64xf32, #tpu.memory_space<vmem_shared>>
        tpu.enqueue_indirect_dma source(%arg13 : memref<128x64xf32, #tpu.memory_space<vmem>>) target(%dma_start3A_147 : memref<10240x64xf32, #tpu.memory_space<vmem_shared>>) offsets(%dma_start3A_144 : memref<128xi32, #tpu.memory_space<vmem>>) semaphore(%run_scoped3A : memref<!tpu.dma_semaphore, #tpu.memory_space<semaphore_mem>>) {add = true}
        %dma_wait3A_148 = arith.constant 0 : i32
        %dma_wait3A_149 = tpu.memref_slice %arg8[%add3A_117, %dma_wait3A_148] : memref<80x128xi32, #tpu.memory_space<vmem>> -> memref<1x128xi32, #tpu.memory_space<vmem>>
        %dma_wait3A_150 = tpu.memref_squeeze %dma_wait3A_149 : memref<1x128xi32, #tpu.memory_space<vmem>> -> memref<128xi32, #tpu.memory_space<vmem>>
        %dma_wait3A_151 = arith.constant 0 : i32
        %dma_wait3A_152 = arith.constant 0 : i32
        %dma_wait3A_153 = tpu.memref_slice %arg25[%dma_wait3A_151, %dma_wait3A_152] : memref<10240x64xf32, #tpu.memory_space<vmem_shared>> -> memref<10240x64xf32, #tpu.memory_space<vmem_shared>>
        tpu.wait_indirect_dma semaphore(%run_scoped3A : memref<!tpu.dma_semaphore, #tpu.memory_space<semaphore_mem>>) src(%arg13 : memref<128x64xf32, #tpu.memory_space<vmem>>) dst(%dma_wait3A_153 : memref<10240x64xf32, #tpu.memory_space<vmem_shared>>)
        tpu.yield
      }) : () -> ()
      %dma_wait3A_118 = arith.constant 0 : i32
      %dma_wait3A_119 = tpu.memref_slice %arg7[%add3A_56, %dma_wait3A_118] : memref<80x128xi32, #tpu.memory_space<vmem>> -> memref<1x128xi32, #tpu.memory_space<vmem>>
      %dma_wait3A_120 = tpu.memref_squeeze %dma_wait3A_119 : memref<1x128xi32, #tpu.memory_space<vmem>> -> memref<128xi32, #tpu.memory_space<vmem>>
      %dma_wait3A_121 = arith.constant 0 : i32
      %dma_wait3A_122 = arith.constant 0 : i32
      %dma_wait3A_123 = tpu.memref_slice %arg2[%dma_wait3A_121, %dma_wait3A_122] : memref<10000x64xf32, #tpu.memory_space<hbm>> -> memref<10000x64xf32, #tpu.memory_space<hbm>>
      tpu.wait_indirect_dma semaphore(%arg22 : memref<!tpu.dma_semaphore, #tpu.memory_space<semaphore_mem>>) src(%dma_wait3A_123 : memref<10000x64xf32, #tpu.memory_space<hbm>>) dst(%arg14 : memref<128x64xf32, #tpu.memory_space<vmem>>)
      %add3A_124 = arith.constant 5 : i32
      %add3A_125 = arith.addi %add3A_15, %add3A_124 : i32
      "tpu.region"() ({
        %run_scoped3A = tpu.sem_alloc : memref<!tpu.dma_semaphore, #tpu.memory_space<semaphore_mem>>
        %dma_start3A_142 = arith.constant 0 : i32
        %dma_start3A_143 = tpu.memref_slice %arg8[%add3A_125, %dma_start3A_142] : memref<80x128xi32, #tpu.memory_space<vmem>> -> memref<1x128xi32, #tpu.memory_space<vmem>>
        %dma_start3A_144 = tpu.memref_squeeze %dma_start3A_143 : memref<1x128xi32, #tpu.memory_space<vmem>> -> memref<128xi32, #tpu.memory_space<vmem>>
        %dma_start3A_145 = arith.constant 0 : i32
        %dma_start3A_146 = arith.constant 0 : i32
        %dma_start3A_147 = tpu.memref_slice %arg25[%dma_start3A_145, %dma_start3A_146] : memref<10240x64xf32, #tpu.memory_space<vmem_shared>> -> memref<10240x64xf32, #tpu.memory_space<vmem_shared>>
        tpu.enqueue_indirect_dma source(%arg14 : memref<128x64xf32, #tpu.memory_space<vmem>>) target(%dma_start3A_147 : memref<10240x64xf32, #tpu.memory_space<vmem_shared>>) offsets(%dma_start3A_144 : memref<128xi32, #tpu.memory_space<vmem>>) semaphore(%run_scoped3A : memref<!tpu.dma_semaphore, #tpu.memory_space<semaphore_mem>>) {add = true}
        %dma_wait3A_148 = arith.constant 0 : i32
        %dma_wait3A_149 = tpu.memref_slice %arg8[%add3A_125, %dma_wait3A_148] : memref<80x128xi32, #tpu.memory_space<vmem>> -> memref<1x128xi32, #tpu.memory_space<vmem>>
        %dma_wait3A_150 = tpu.memref_squeeze %dma_wait3A_149 : memref<1x128xi32, #tpu.memory_space<vmem>> -> memref<128xi32, #tpu.memory_space<vmem>>
        %dma_wait3A_151 = arith.constant 0 : i32
        %dma_wait3A_152 = arith.constant 0 : i32
        %dma_wait3A_153 = tpu.memref_slice %arg25[%dma_wait3A_151, %dma_wait3A_152] : memref<10240x64xf32, #tpu.memory_space<vmem_shared>> -> memref<10240x64xf32, #tpu.memory_space<vmem_shared>>
        tpu.wait_indirect_dma semaphore(%run_scoped3A : memref<!tpu.dma_semaphore, #tpu.memory_space<semaphore_mem>>) src(%arg14 : memref<128x64xf32, #tpu.memory_space<vmem>>) dst(%dma_wait3A_153 : memref<10240x64xf32, #tpu.memory_space<vmem_shared>>)
        tpu.yield
      }) : () -> ()
      %dma_wait3A_126 = arith.constant 0 : i32
      %dma_wait3A_127 = tpu.memref_slice %arg7[%add3A_64, %dma_wait3A_126] : memref<80x128xi32, #tpu.memory_space<vmem>> -> memref<1x128xi32, #tpu.memory_space<vmem>>
      %dma_wait3A_128 = tpu.memref_squeeze %dma_wait3A_127 : memref<1x128xi32, #tpu.memory_space<vmem>> -> memref<128xi32, #tpu.memory_space<vmem>>
      %dma_wait3A_129 = arith.constant 0 : i32
      %dma_wait3A_130 = arith.constant 0 : i32
      %dma_wait3A_131 = tpu.memref_slice %arg2[%dma_wait3A_129, %dma_wait3A_130] : memref<10000x64xf32, #tpu.memory_space<hbm>> -> memref<10000x64xf32, #tpu.memory_space<hbm>>
      tpu.wait_indirect_dma semaphore(%arg23 : memref<!tpu.dma_semaphore, #tpu.memory_space<semaphore_mem>>) src(%dma_wait3A_131 : memref<10000x64xf32, #tpu.memory_space<hbm>>) dst(%arg15 : memref<128x64xf32, #tpu.memory_space<vmem>>)
      %add3A_132 = arith.constant 6 : i32
      %add3A_133 = arith.addi %add3A_15, %add3A_132 : i32
      "tpu.region"() ({
        %run_scoped3A = tpu.sem_alloc : memref<!tpu.dma_semaphore, #tpu.memory_space<semaphore_mem>>
        %dma_start3A_142 = arith.constant 0 : i32
        %dma_start3A_143 = tpu.memref_slice %arg8[%add3A_133, %dma_start3A_142] : memref<80x128xi32, #tpu.memory_space<vmem>> -> memref<1x128xi32, #tpu.memory_space<vmem>>
        %dma_start3A_144 = tpu.memref_squeeze %dma_start3A_143 : memref<1x128xi32, #tpu.memory_space<vmem>> -> memref<128xi32, #tpu.memory_space<vmem>>
        %dma_start3A_145 = arith.constant 0 : i32
        %dma_start3A_146 = arith.constant 0 : i32
        %dma_start3A_147 = tpu.memref_slice %arg25[%dma_start3A_145, %dma_start3A_146] : memref<10240x64xf32, #tpu.memory_space<vmem_shared>> -> memref<10240x64xf32, #tpu.memory_space<vmem_shared>>
        tpu.enqueue_indirect_dma source(%arg15 : memref<128x64xf32, #tpu.memory_space<vmem>>) target(%dma_start3A_147 : memref<10240x64xf32, #tpu.memory_space<vmem_shared>>) offsets(%dma_start3A_144 : memref<128xi32, #tpu.memory_space<vmem>>) semaphore(%run_scoped3A : memref<!tpu.dma_semaphore, #tpu.memory_space<semaphore_mem>>) {add = true}
        %dma_wait3A_148 = arith.constant 0 : i32
        %dma_wait3A_149 = tpu.memref_slice %arg8[%add3A_133, %dma_wait3A_148] : memref<80x128xi32, #tpu.memory_space<vmem>> -> memref<1x128xi32, #tpu.memory_space<vmem>>
        %dma_wait3A_150 = tpu.memref_squeeze %dma_wait3A_149 : memref<1x128xi32, #tpu.memory_space<vmem>> -> memref<128xi32, #tpu.memory_space<vmem>>
        %dma_wait3A_151 = arith.constant 0 : i32
        %dma_wait3A_152 = arith.constant 0 : i32
        %dma_wait3A_153 = tpu.memref_slice %arg25[%dma_wait3A_151, %dma_wait3A_152] : memref<10240x64xf32, #tpu.memory_space<vmem_shared>> -> memref<10240x64xf32, #tpu.memory_space<vmem_shared>>
        tpu.wait_indirect_dma semaphore(%run_scoped3A : memref<!tpu.dma_semaphore, #tpu.memory_space<semaphore_mem>>) src(%arg15 : memref<128x64xf32, #tpu.memory_space<vmem>>) dst(%dma_wait3A_153 : memref<10240x64xf32, #tpu.memory_space<vmem_shared>>)
        tpu.yield
      }) : () -> ()
      %dma_wait3A_134 = arith.constant 0 : i32
      %dma_wait3A_135 = tpu.memref_slice %arg7[%add3A_72, %dma_wait3A_134] : memref<80x128xi32, #tpu.memory_space<vmem>> -> memref<1x128xi32, #tpu.memory_space<vmem>>
      %dma_wait3A_136 = tpu.memref_squeeze %dma_wait3A_135 : memref<1x128xi32, #tpu.memory_space<vmem>> -> memref<128xi32, #tpu.memory_space<vmem>>
      %dma_wait3A_137 = arith.constant 0 : i32
      %dma_wait3A_138 = arith.constant 0 : i32
      %dma_wait3A_139 = tpu.memref_slice %arg2[%dma_wait3A_137, %dma_wait3A_138] : memref<10000x64xf32, #tpu.memory_space<hbm>> -> memref<10000x64xf32, #tpu.memory_space<hbm>>
      tpu.wait_indirect_dma semaphore(%arg24 : memref<!tpu.dma_semaphore, #tpu.memory_space<semaphore_mem>>) src(%dma_wait3A_139 : memref<10000x64xf32, #tpu.memory_space<hbm>>) dst(%arg16 : memref<128x64xf32, #tpu.memory_space<vmem>>)
      %add3A_140 = arith.constant 7 : i32
      %add3A_141 = arith.addi %add3A_15, %add3A_140 : i32
      "tpu.region"() ({
        %run_scoped3A = tpu.sem_alloc : memref<!tpu.dma_semaphore, #tpu.memory_space<semaphore_mem>>
        %dma_start3A_142 = arith.constant 0 : i32
        %dma_start3A_143 = tpu.memref_slice %arg8[%add3A_141, %dma_start3A_142] : memref<80x128xi32, #tpu.memory_space<vmem>> -> memref<1x128xi32, #tpu.memory_space<vmem>>
        %dma_start3A_144 = tpu.memref_squeeze %dma_start3A_143 : memref<1x128xi32, #tpu.memory_space<vmem>> -> memref<128xi32, #tpu.memory_space<vmem>>
        %dma_start3A_145 = arith.constant 0 : i32
        %dma_start3A_146 = arith.constant 0 : i32
        %dma_start3A_147 = tpu.memref_slice %arg25[%dma_start3A_145, %dma_start3A_146] : memref<10240x64xf32, #tpu.memory_space<vmem_shared>> -> memref<10240x64xf32, #tpu.memory_space<vmem_shared>>
        tpu.enqueue_indirect_dma source(%arg16 : memref<128x64xf32, #tpu.memory_space<vmem>>) target(%dma_start3A_147 : memref<10240x64xf32, #tpu.memory_space<vmem_shared>>) offsets(%dma_start3A_144 : memref<128xi32, #tpu.memory_space<vmem>>) semaphore(%run_scoped3A : memref<!tpu.dma_semaphore, #tpu.memory_space<semaphore_mem>>) {add = true}
        %dma_wait3A_148 = arith.constant 0 : i32
        %dma_wait3A_149 = tpu.memref_slice %arg8[%add3A_141, %dma_wait3A_148] : memref<80x128xi32, #tpu.memory_space<vmem>> -> memref<1x128xi32, #tpu.memory_space<vmem>>
        %dma_wait3A_150 = tpu.memref_squeeze %dma_wait3A_149 : memref<1x128xi32, #tpu.memory_space<vmem>> -> memref<128xi32, #tpu.memory_space<vmem>>
        %dma_wait3A_151 = arith.constant 0 : i32
        %dma_wait3A_152 = arith.constant 0 : i32
        %dma_wait3A_153 = tpu.memref_slice %arg25[%dma_wait3A_151, %dma_wait3A_152] : memref<10240x64xf32, #tpu.memory_space<vmem_shared>> -> memref<10240x64xf32, #tpu.memory_space<vmem_shared>>
        tpu.wait_indirect_dma semaphore(%run_scoped3A : memref<!tpu.dma_semaphore, #tpu.memory_space<semaphore_mem>>) src(%arg16 : memref<128x64xf32, #tpu.memory_space<vmem>>) dst(%dma_wait3A_153 : memref<10240x64xf32, #tpu.memory_space<vmem_shared>>)
        tpu.yield
      }) : () -> ()
    }
    %scan3A_6 = arith.constant 10 : i32
    %barrier3A_7 = arith.constant 0 : index
    tpu.barrier barrier_id(%barrier3A_7)
    %mul3A_8 = arith.constant 640 : i32
    %mul3A_9 = arith.muli %arg1, %mul3A_8 : i32
    %mul3A_10 = arith.constant 640 : i32
    %mul3A_11 = arith.muli %arg1, %mul3A_10 : i32
    "tpu.region"() ({
      %run_scoped3A = tpu.sem_alloc : memref<!tpu.dma_semaphore, #tpu.memory_space<semaphore_mem>>
      %dma_start3A = arith.constant 0 : i32
      %dma_start3A_12 = tpu.memref_slice %arg6[%arg0, %mul3A_11, %dma_start3A] : memref<2x10240x64xf32, #tpu.memory_space<hbm>> -> memref<1x640x64xf32, #tpu.memory_space<hbm>>
      %dma_start3A_13 = tpu.memref_squeeze %dma_start3A_12 : memref<1x640x64xf32, #tpu.memory_space<hbm>> -> memref<640x64xf32, #tpu.memory_space<hbm>>
      %dma_start3A_14 = arith.constant 0 : i32
      %dma_start3A_15 = tpu.memref_slice %arg25[%mul3A_9, %dma_start3A_14] : memref<10240x64xf32, #tpu.memory_space<vmem_shared>> -> memref<640x64xf32, #tpu.memory_space<vmem_shared>>
      tpu.enqueue_dma source(%dma_start3A_15 : memref<640x64xf32, #tpu.memory_space<vmem_shared>>) target(%dma_start3A_13 : memref<640x64xf32, #tpu.memory_space<hbm>>) target_semaphore(%run_scoped3A : memref<!tpu.dma_semaphore, #tpu.memory_space<semaphore_mem>>)
      %dma_wait3A = arith.constant 0 : i32
      %dma_wait3A_16 = tpu.memref_slice %arg6[%arg0, %mul3A_11, %dma_wait3A] : memref<2x10240x64xf32, #tpu.memory_space<hbm>> -> memref<1x640x64xf32, #tpu.memory_space<hbm>>
      %dma_wait3A_17 = tpu.memref_squeeze %dma_wait3A_16 : memref<1x640x64xf32, #tpu.memory_space<hbm>> -> memref<640x64xf32, #tpu.memory_space<hbm>>
      %dma_wait3A_18 = arith.constant 0 : i32
      %dma_wait3A_19 = tpu.memref_slice %arg25[%mul3A_9, %dma_wait3A_18] : memref<10240x64xf32, #tpu.memory_space<vmem_shared>> -> memref<640x64xf32, #tpu.memory_space<vmem_shared>>
      tpu.wait_dma2 semaphore(%run_scoped3A : memref<!tpu.dma_semaphore, #tpu.memory_space<semaphore_mem>>) src(%dma_wait3A_19 : memref<640x64xf32, #tpu.memory_space<vmem_shared>>) dst(%dma_wait3A_17 : memref<640x64xf32, #tpu.memory_space<hbm>>)
      tpu.yield
    }) : () -> ()
    return
  }
}

#map = affine_map<(d0, d1) -> (0, 0)>
#map1 = affine_map<(d0, d1) -> (0, 0, 0, 0)>
#map2 = affine_map<(d0, d1) -> (0, 0, 0)>
module attributes {stable_mosaic.version = 14 : i64} {
  func.func @_scat(%arg0: i32, %arg1: i32, %arg2: memref<10000x64xf32, #tpu.memory_space<hbm>>, %arg3: memref<2x16x80x128xi32, #tpu.memory_space<hbm>>, %arg4: memref<2x16x80x128xi32, #tpu.memory_space<hbm>>, %arg5: memref<10240x64xf32, #tpu.memory_space<hbm>>, %arg6: memref<2x10240x64xf32, #tpu.memory_space<hbm>>, %arg7: memref<80x128xi32, #tpu.memory_space<vmem>>, %arg8: memref<80x128xi32, #tpu.memory_space<vmem>>, %arg9: memref<128x64xf32, #tpu.memory_space<vmem>>, %arg10: memref<128x64xf32, #tpu.memory_space<vmem>>, %arg11: memref<128x64xf32, #tpu.memory_space<vmem>>, %arg12: memref<128x64xf32, #tpu.memory_space<vmem>>, %arg13: memref<128x64xf32, #tpu.memory_space<vmem>>, %arg14: memref<128x64xf32, #tpu.memory_space<vmem>>, %arg15: memref<128x64xf32, #tpu.memory_space<vmem>>, %arg16: memref<128x64xf32, #tpu.memory_space<vmem>>, %arg17: memref<!tpu.dma_semaphore, #tpu.memory_space<semaphore_mem>>, %arg18: memref<!tpu.dma_semaphore, #tpu.memory_space<semaphore_mem>>, %arg19: memref<!tpu.dma_semaphore, #tpu.memory_space<semaphore_mem>>, %arg20: memref<!tpu.dma_semaphore, #tpu.memory_space<semaphore_mem>>, %arg21: memref<!tpu.dma_semaphore, #tpu.memory_space<semaphore_mem>>, %arg22: memref<!tpu.dma_semaphore, #tpu.memory_space<semaphore_mem>>, %arg23: memref<!tpu.dma_semaphore, #tpu.memory_space<semaphore_mem>>, %arg24: memref<!tpu.dma_semaphore, #tpu.memory_space<semaphore_mem>>, %arg25: memref<10240x64xf32, #tpu.memory_space<vmem_shared>>) attributes {dimension_semantics = [#tpu.dimension_semantics<core_parallel>, #tpu.dimension_semantics<subcore_parallel>], iteration_bounds = array<i64: 2, 16>, scalar_prefetch = 0 : i64, scratch_operands = 19 : i64, tpu.core_type = #tpu.core_type<sc_vector_subcore>, window_params = [{transform_indices = #map}, {transform_indices = #map1}, {transform_indices = #map1}, {transform_indices = #map}, {transform_indices = #map2}]} {
    %mul3A = arith.constant 640 : i32
    %mul3A_0 = arith.muli %arg1, %mul3A : i32
    %mul3A_1 = arith.constant 640 : i32
    %mul3A_2 = arith.muli %arg1, %mul3A_1 : i32
    "tpu.region"() ({
      %run_scoped3A = tpu.sem_alloc : memref<!tpu.dma_semaphore, #tpu.memory_space<semaphore_mem>>
      %dma_start3A = arith.constant 0 : i32
      %dma_start3A_12 = tpu.memref_slice %arg25[%mul3A_2, %dma_start3A] : memref<10240x64xf32, #tpu.memory_space<vmem_shared>> -> memref<640x64xf32, #tpu.memory_space<vmem_shared>>
      %dma_start3A_13 = arith.constant 0 : i32
      %dma_start3A_14 = tpu.memref_slice %arg5[%mul3A_0, %dma_start3A_13] : memref<10240x64xf32, #tpu.memory_space<hbm>> -> memref<640x64xf32, #tpu.memory_space<hbm>>
      tpu.enqueue_dma source(%dma_start3A_14 : memref<640x64xf32, #tpu.memory_space<hbm>>) target(%dma_start3A_12 : memref<640x64xf32, #tpu.memory_space<vmem_shared>>) target_semaphore(%run_scoped3A : memref<!tpu.dma_semaphore, #tpu.memory_space<semaphore_mem>>)
      %dma_wait3A = arith.constant 0 : i32
      %dma_wait3A_15 = tpu.memref_slice %arg25[%mul3A_2, %dma_wait3A] : memref<10240x64xf32, #tpu.memory_space<vmem_shared>> -> memref<640x64xf32, #tpu.memory_space<vmem_shared>>
      %dma_wait3A_16 = arith.constant 0 : i32
      %dma_wait3A_17 = tpu.memref_slice %arg5[%mul3A_0, %dma_wait3A_16] : memref<10240x64xf32, #tpu.memory_space<hbm>> -> memref<640x64xf32, #tpu.memory_space<hbm>>
      tpu.wait_dma2 semaphore(%run_scoped3A : memref<!tpu.dma_semaphore, #tpu.memory_space<semaphore_mem>>) src(%dma_wait3A_17 : memref<640x64xf32, #tpu.memory_space<hbm>>) dst(%dma_wait3A_15 : memref<640x64xf32, #tpu.memory_space<vmem_shared>>)
      tpu.yield
    }) : () -> ()
    "tpu.region"() ({
      %run_scoped3A = tpu.sem_alloc : memref<!tpu.dma_semaphore, #tpu.memory_space<semaphore_mem>>
      %dma_start3A = arith.constant 0 : i32
      %dma_start3A_12 = arith.constant 0 : i32
      %dma_start3A_13 = tpu.memref_slice %arg3[%arg0, %arg1, %dma_start3A, %dma_start3A_12] : memref<2x16x80x128xi32, #tpu.memory_space<hbm>> -> memref<1x1x80x128xi32, #tpu.memory_space<hbm>>
      %dma_start3A_14 = tpu.memref_squeeze %dma_start3A_13 : memref<1x1x80x128xi32, #tpu.memory_space<hbm>> -> memref<80x128xi32, #tpu.memory_space<hbm>>
      %dma_start3A_15 = arith.constant 0 : i32
      %dma_start3A_16 = arith.constant 0 : i32
      %dma_start3A_17 = tpu.memref_slice %arg3[%arg0, %arg1, %dma_start3A_15, %dma_start3A_16] : memref<2x16x80x128xi32, #tpu.memory_space<hbm>> -> memref<1x1x80x128xi32, #tpu.memory_space<hbm>>
      %dma_start3A_18 = tpu.memref_squeeze %dma_start3A_17 : memref<1x1x80x128xi32, #tpu.memory_space<hbm>> -> memref<80x128xi32, #tpu.memory_space<hbm>>
      tpu.enqueue_dma source(%dma_start3A_18 : memref<80x128xi32, #tpu.memory_space<hbm>>) target(%arg7 : memref<80x128xi32, #tpu.memory_space<vmem>>) target_semaphore(%run_scoped3A : memref<!tpu.dma_semaphore, #tpu.memory_space<semaphore_mem>>)
      %dma_wait3A = arith.constant 0 : i32
      %dma_wait3A_19 = arith.constant 0 : i32
      %dma_wait3A_20 = tpu.memref_slice %arg3[%arg0, %arg1, %dma_wait3A, %dma_wait3A_19] : memref<2x16x80x128xi32, #tpu.memory_space<hbm>> -> memref<1x1x80x128xi32, #tpu.memory_space<hbm>>
      %dma_wait3A_21 = tpu.memref_squeeze %dma_wait3A_20 : memref<1x1x80x128xi32, #tpu.memory_space<hbm>> -> memref<80x128xi32, #tpu.memory_space<hbm>>
      %dma_wait3A_22 = arith.constant 0 : i32
      %dma_wait3A_23 = arith.constant 0 : i32
      %dma_wait3A_24 = tpu.memref_slice %arg3[%arg0, %arg1, %dma_wait3A_22, %dma_wait3A_23] : memref<2x16x80x128xi32, #tpu.memory_space<hbm>> -> memref<1x1x80x128xi32, #tpu.memory_space<hbm>>
      %dma_wait3A_25 = tpu.memref_squeeze %dma_wait3A_24 : memref<1x1x80x128xi32, #tpu.memory_space<hbm>> -> memref<80x128xi32, #tpu.memory_space<hbm>>
      tpu.wait_dma2 semaphore(%run_scoped3A : memref<!tpu.dma_semaphore, #tpu.memory_space<semaphore_mem>>) src(%dma_wait3A_25 : memref<80x128xi32, #tpu.memory_space<hbm>>) dst(%arg7 : memref<80x128xi32, #tpu.memory_space<vmem>>)
      tpu.yield
    }) : () -> ()
    "tpu.region"() ({
      %run_scoped3A = tpu.sem_alloc : memref<!tpu.dma_semaphore, #tpu.memory_space<semaphore_mem>>
      %dma_start3A = arith.constant 0 : i32
      %dma_start3A_12 = arith.constant 0 : i32
      %dma_start3A_13 = tpu.memref_slice %arg4[%arg0, %arg1, %dma_start3A, %dma_start3A_12] : memref<2x16x80x128xi32, #tpu.memory_space<hbm>> -> memref<1x1x80x128xi32, #tpu.memory_space<hbm>>
      %dma_start3A_14 = tpu.memref_squeeze %dma_start3A_13 : memref<1x1x80x128xi32, #tpu.memory_space<hbm>> -> memref<80x128xi32, #tpu.memory_space<hbm>>
      %dma_start3A_15 = arith.constant 0 : i32
      %dma_start3A_16 = arith.constant 0 : i32
      %dma_start3A_17 = tpu.memref_slice %arg4[%arg0, %arg1, %dma_start3A_15, %dma_start3A_16] : memref<2x16x80x128xi32, #tpu.memory_space<hbm>> -> memref<1x1x80x128xi32, #tpu.memory_space<hbm>>
      %dma_start3A_18 = tpu.memref_squeeze %dma_start3A_17 : memref<1x1x80x128xi32, #tpu.memory_space<hbm>> -> memref<80x128xi32, #tpu.memory_space<hbm>>
      tpu.enqueue_dma source(%dma_start3A_18 : memref<80x128xi32, #tpu.memory_space<hbm>>) target(%arg8 : memref<80x128xi32, #tpu.memory_space<vmem>>) target_semaphore(%run_scoped3A : memref<!tpu.dma_semaphore, #tpu.memory_space<semaphore_mem>>)
      %dma_wait3A = arith.constant 0 : i32
      %dma_wait3A_19 = arith.constant 0 : i32
      %dma_wait3A_20 = tpu.memref_slice %arg4[%arg0, %arg1, %dma_wait3A, %dma_wait3A_19] : memref<2x16x80x128xi32, #tpu.memory_space<hbm>> -> memref<1x1x80x128xi32, #tpu.memory_space<hbm>>
      %dma_wait3A_21 = tpu.memref_squeeze %dma_wait3A_20 : memref<1x1x80x128xi32, #tpu.memory_space<hbm>> -> memref<80x128xi32, #tpu.memory_space<hbm>>
      %dma_wait3A_22 = arith.constant 0 : i32
      %dma_wait3A_23 = arith.constant 0 : i32
      %dma_wait3A_24 = tpu.memref_slice %arg4[%arg0, %arg1, %dma_wait3A_22, %dma_wait3A_23] : memref<2x16x80x128xi32, #tpu.memory_space<hbm>> -> memref<1x1x80x128xi32, #tpu.memory_space<hbm>>
      %dma_wait3A_25 = tpu.memref_squeeze %dma_wait3A_24 : memref<1x1x80x128xi32, #tpu.memory_space<hbm>> -> memref<80x128xi32, #tpu.memory_space<hbm>>
      tpu.wait_dma2 semaphore(%run_scoped3A : memref<!tpu.dma_semaphore, #tpu.memory_space<semaphore_mem>>) src(%dma_wait3A_25 : memref<80x128xi32, #tpu.memory_space<hbm>>) dst(%arg8 : memref<80x128xi32, #tpu.memory_space<vmem>>)
      tpu.yield
    }) : () -> ()
    %barrier3A = arith.constant 0 : index
    tpu.barrier barrier_id(%barrier3A)
    %scan3A = arith.constant 0 : i32
    %scan3A_3 = arith.constant 10 : i32
    %scan3A_4 = arith.addi %scan3A, %scan3A_3 : i32
    %scan3A_5 = arith.constant 1 : i32
    scf.for %scan3A_12 = %scan3A to %scan3A_4 step %scan3A_5  : i32 {
      %mul3A_13 = arith.constant 8 : i32
      %mul3A_14 = arith.muli %scan3A_12, %mul3A_13 : i32
      %add3A = arith.constant 0 : i32
      %add3A_15 = arith.addi %add3A, %mul3A_14 : i32
      %add3A_16 = arith.constant 0 : i32
      %add3A_17 = arith.addi %add3A_15, %add3A_16 : i32
      %dma_start3A = arith.constant 0 : i32
      %dma_start3A_18 = tpu.memref_slice %arg7[%add3A_17, %dma_start3A] : memref<80x128xi32, #tpu.memory_space<vmem>> -> memref<1x128xi32, #tpu.memory_space<vmem>>
      %dma_start3A_19 = tpu.memref_squeeze %dma_start3A_18 : memref<1x128xi32, #tpu.memory_space<vmem>> -> memref<128xi32, #tpu.memory_space<vmem>>
      %dma_start3A_20 = arith.constant 0 : i32
      %dma_start3A_21 = arith.constant 0 : i32
      %dma_start3A_22 = tpu.memref_slice %arg2[%dma_start3A_20, %dma_start3A_21] : memref<10000x64xf32, #tpu.memory_space<hbm>> -> memref<10000x64xf32, #tpu.memory_space<hbm>>
      tpu.enqueue_indirect_dma source(%dma_start3A_22 : memref<10000x64xf32, #tpu.memory_space<hbm>>) target(%arg9 : memref<128x64xf32, #tpu.memory_space<vmem>>) offsets(%dma_start3A_19 : memref<128xi32, #tpu.memory_space<vmem>>) semaphore(%arg17 : memref<!tpu.dma_semaphore, #tpu.memory_space<semaphore_mem>>)
      %add3A_23 = arith.constant 1 : i32
      %add3A_24 = arith.addi %add3A_15, %add3A_23 : i32
      %dma_start3A_25 = arith.constant 0 : i32
      %dma_start3A_26 = tpu.memref_slice %arg7[%add3A_24, %dma_start3A_25] : memref<80x128xi32, #tpu.memory_space<vmem>> -> memref<1x128xi32, #tpu.memory_space<vmem>>
      %dma_start3A_27 = tpu.memref_squeeze %dma_start3A_26 : memref<1x128xi32, #tpu.memory_space<vmem>> -> memref<128xi32, #tpu.memory_space<vmem>>
      %dma_start3A_28 = arith.constant 0 : i32
      %dma_start3A_29 = arith.constant 0 : i32
      %dma_start3A_30 = tpu.memref_slice %arg2[%dma_start3A_28, %dma_start3A_29] : memref<10000x64xf32, #tpu.memory_space<hbm>> -> memref<10000x64xf32, #tpu.memory_space<hbm>>
      tpu.enqueue_indirect_dma source(%dma_start3A_30 : memref<10000x64xf32, #tpu.memory_space<hbm>>) target(%arg10 : memref<128x64xf32, #tpu.memory_space<vmem>>) offsets(%dma_start3A_27 : memref<128xi32, #tpu.memory_space<vmem>>) semaphore(%arg18 : memref<!tpu.dma_semaphore, #tpu.memory_space<semaphore_mem>>)
      %add3A_31 = arith.constant 2 : i32
      %add3A_32 = arith.addi %add3A_15, %add3A_31 : i32
      %dma_start3A_33 = arith.constant 0 : i32
      %dma_start3A_34 = tpu.memref_slice %arg7[%add3A_32, %dma_start3A_33] : memref<80x128xi32, #tpu.memory_space<vmem>> -> memref<1x128xi32, #tpu.memory_space<vmem>>
      %dma_start3A_35 = tpu.memref_squeeze %dma_start3A_34 : memref<1x128xi32, #tpu.memory_space<vmem>> -> memref<128xi32, #tpu.memory_space<vmem>>
      %dma_start3A_36 = arith.constant 0 : i32
      %dma_start3A_37 = arith.constant 0 : i32
      %dma_start3A_38 = tpu.memref_slice %arg2[%dma_start3A_36, %dma_start3A_37] : memref<10000x64xf32, #tpu.memory_space<hbm>> -> memref<10000x64xf32, #tpu.memory_space<hbm>>
      tpu.enqueue_indirect_dma source(%dma_start3A_38 : memref<10000x64xf32, #tpu.memory_space<hbm>>) target(%arg11 : memref<128x64xf32, #tpu.memory_space<vmem>>) offsets(%dma_start3A_35 : memref<128xi32, #tpu.memory_space<vmem>>) semaphore(%arg19 : memref<!tpu.dma_semaphore, #tpu.memory_space<semaphore_mem>>)
      %add3A_39 = arith.constant 3 : i32
      %add3A_40 = arith.addi %add3A_15, %add3A_39 : i32
      %dma_start3A_41 = arith.constant 0 : i32
      %dma_start3A_42 = tpu.memref_slice %arg7[%add3A_40, %dma_start3A_41] : memref<80x128xi32, #tpu.memory_space<vmem>> -> memref<1x128xi32, #tpu.memory_space<vmem>>
      %dma_start3A_43 = tpu.memref_squeeze %dma_start3A_42 : memref<1x128xi32, #tpu.memory_space<vmem>> -> memref<128xi32, #tpu.memory_space<vmem>>
      %dma_start3A_44 = arith.constant 0 : i32
      %dma_start3A_45 = arith.constant 0 : i32
      %dma_start3A_46 = tpu.memref_slice %arg2[%dma_start3A_44, %dma_start3A_45] : memref<10000x64xf32, #tpu.memory_space<hbm>> -> memref<10000x64xf32, #tpu.memory_space<hbm>>
      tpu.enqueue_indirect_dma source(%dma_start3A_46 : memref<10000x64xf32, #tpu.memory_space<hbm>>) target(%arg12 : memref<128x64xf32, #tpu.memory_space<vmem>>) offsets(%dma_start3A_43 : memref<128xi32, #tpu.memory_space<vmem>>) semaphore(%arg20 : memref<!tpu.dma_semaphore, #tpu.memory_space<semaphore_mem>>)
      %add3A_47 = arith.constant 4 : i32
      %add3A_48 = arith.addi %add3A_15, %add3A_47 : i32
      %dma_start3A_49 = arith.constant 0 : i32
      %dma_start3A_50 = tpu.memref_slice %arg7[%add3A_48, %dma_start3A_49] : memref<80x128xi32, #tpu.memory_space<vmem>> -> memref<1x128xi32, #tpu.memory_space<vmem>>
      %dma_start3A_51 = tpu.memref_squeeze %dma_start3A_50 : memref<1x128xi32, #tpu.memory_space<vmem>> -> memref<128xi32, #tpu.memory_space<vmem>>
      %dma_start3A_52 = arith.constant 0 : i32
      %dma_start3A_53 = arith.constant 0 : i32
      %dma_start3A_54 = tpu.memref_slice %arg2[%dma_start3A_52, %dma_start3A_53] : memref<10000x64xf32, #tpu.memory_space<hbm>> -> memref<10000x64xf32, #tpu.memory_space<hbm>>
      tpu.enqueue_indirect_dma source(%dma_start3A_54 : memref<10000x64xf32, #tpu.memory_space<hbm>>) target(%arg13 : memref<128x64xf32, #tpu.memory_space<vmem>>) offsets(%dma_start3A_51 : memref<128xi32, #tpu.memory_space<vmem>>) semaphore(%arg21 : memref<!tpu.dma_semaphore, #tpu.memory_space<semaphore_mem>>)
      %add3A_55 = arith.constant 5 : i32
      %add3A_56 = arith.addi %add3A_15, %add3A_55 : i32
      %dma_start3A_57 = arith.constant 0 : i32
      %dma_start3A_58 = tpu.memref_slice %arg7[%add3A_56, %dma_start3A_57] : memref<80x128xi32, #tpu.memory_space<vmem>> -> memref<1x128xi32, #tpu.memory_space<vmem>>
      %dma_start3A_59 = tpu.memref_squeeze %dma_start3A_58 : memref<1x128xi32, #tpu.memory_space<vmem>> -> memref<128xi32, #tpu.memory_space<vmem>>
      %dma_start3A_60 = arith.constant 0 : i32
      %dma_start3A_61 = arith.constant 0 : i32
      %dma_start3A_62 = tpu.memref_slice %arg2[%dma_start3A_60, %dma_start3A_61] : memref<10000x64xf32, #tpu.memory_space<hbm>> -> memref<10000x64xf32, #tpu.memory_space<hbm>>
      tpu.enqueue_indirect_dma source(%dma_start3A_62 : memref<10000x64xf32, #tpu.memory_space<hbm>>) target(%arg14 : memref<128x64xf32, #tpu.memory_space<vmem>>) offsets(%dma_start3A_59 : memref<128xi32, #tpu.memory_space<vmem>>) semaphore(%arg22 : memref<!tpu.dma_semaphore, #tpu.memory_space<semaphore_mem>>)
      %add3A_63 = arith.constant 6 : i32
      %add3A_64 = arith.addi %add3A_15, %add3A_63 : i32
      %dma_start3A_65 = arith.constant 0 : i32
      %dma_start3A_66 = tpu.memref_slice %arg7[%add3A_64, %dma_start3A_65] : memref<80x128xi32, #tpu.memory_space<vmem>> -> memref<1x128xi32, #tpu.memory_space<vmem>>
      %dma_start3A_67 = tpu.memref_squeeze %dma_start3A_66 : memref<1x128xi32, #tpu.memory_space<vmem>> -> memref<128xi32, #tpu.memory_space<vmem>>
      %dma_start3A_68 = arith.constant 0 : i32
      %dma_start3A_69 = arith.constant 0 : i32
      %dma_start3A_70 = tpu.memref_slice %arg2[%dma_start3A_68, %dma_start3A_69] : memref<10000x64xf32, #tpu.memory_space<hbm>> -> memref<10000x64xf32, #tpu.memory_space<hbm>>
      tpu.enqueue_indirect_dma source(%dma_start3A_70 : memref<10000x64xf32, #tpu.memory_space<hbm>>) target(%arg15 : memref<128x64xf32, #tpu.memory_space<vmem>>) offsets(%dma_start3A_67 : memref<128xi32, #tpu.memory_space<vmem>>) semaphore(%arg23 : memref<!tpu.dma_semaphore, #tpu.memory_space<semaphore_mem>>)
      %add3A_71 = arith.constant 7 : i32
      %add3A_72 = arith.addi %add3A_15, %add3A_71 : i32
      %dma_start3A_73 = arith.constant 0 : i32
      %dma_start3A_74 = tpu.memref_slice %arg7[%add3A_72, %dma_start3A_73] : memref<80x128xi32, #tpu.memory_space<vmem>> -> memref<1x128xi32, #tpu.memory_space<vmem>>
      %dma_start3A_75 = tpu.memref_squeeze %dma_start3A_74 : memref<1x128xi32, #tpu.memory_space<vmem>> -> memref<128xi32, #tpu.memory_space<vmem>>
      %dma_start3A_76 = arith.constant 0 : i32
      %dma_start3A_77 = arith.constant 0 : i32
      %dma_start3A_78 = tpu.memref_slice %arg2[%dma_start3A_76, %dma_start3A_77] : memref<10000x64xf32, #tpu.memory_space<hbm>> -> memref<10000x64xf32, #tpu.memory_space<hbm>>
      tpu.enqueue_indirect_dma source(%dma_start3A_78 : memref<10000x64xf32, #tpu.memory_space<hbm>>) target(%arg16 : memref<128x64xf32, #tpu.memory_space<vmem>>) offsets(%dma_start3A_75 : memref<128xi32, #tpu.memory_space<vmem>>) semaphore(%arg24 : memref<!tpu.dma_semaphore, #tpu.memory_space<semaphore_mem>>)
      %dma_wait3A = arith.constant 0 : i32
      %dma_wait3A_79 = tpu.memref_slice %arg7[%add3A_17, %dma_wait3A] : memref<80x128xi32, #tpu.memory_space<vmem>> -> memref<1x128xi32, #tpu.memory_space<vmem>>
      %dma_wait3A_80 = tpu.memref_squeeze %dma_wait3A_79 : memref<1x128xi32, #tpu.memory_space<vmem>> -> memref<128xi32, #tpu.memory_space<vmem>>
      %dma_wait3A_81 = arith.constant 0 : i32
      %dma_wait3A_82 = arith.constant 0 : i32
      %dma_wait3A_83 = tpu.memref_slice %arg2[%dma_wait3A_81, %dma_wait3A_82] : memref<10000x64xf32, #tpu.memory_space<hbm>> -> memref<10000x64xf32, #tpu.memory_space<hbm>>
      tpu.wait_indirect_dma semaphore(%arg17 : memref<!tpu.dma_semaphore, #tpu.memory_space<semaphore_mem>>) src(%dma_wait3A_83 : memref<10000x64xf32, #tpu.memory_space<hbm>>) dst(%arg9 : memref<128x64xf32, #tpu.memory_space<vmem>>)
      %add3A_84 = arith.constant 0 : i32
      %add3A_85 = arith.addi %add3A_15, %add3A_84 : i32
      "tpu.region"() ({
        %run_scoped3A = tpu.sem_alloc : memref<!tpu.dma_semaphore, #tpu.memory_space<semaphore_mem>>
        %dma_start3A_142 = arith.constant 0 : i32
        %dma_start3A_143 = tpu.memref_slice %arg8[%add3A_85, %dma_start3A_142] : memref<80x128xi32, #tpu.memory_space<vmem>> -> memref<1x128xi32, #tpu.memory_space<vmem>>
        %dma_start3A_144 = tpu.memref_squeeze %dma_start3A_143 : memref<1x128xi32, #tpu.memory_space<vmem>> -> memref<128xi32, #tpu.memory_space<vmem>>
        %dma_start3A_145 = arith.constant 0 : i32
        %dma_start3A_146 = arith.constant 0 : i32
        %dma_start3A_147 = tpu.memref_slice %arg25[%dma_start3A_145, %dma_start3A_146] : memref<10240x64xf32, #tpu.memory_space<vmem_shared>> -> memref<10240x64xf32, #tpu.memory_space<vmem_shared>>
        tpu.enqueue_indirect_dma source(%arg9 : memref<128x64xf32, #tpu.memory_space<vmem>>) target(%dma_start3A_147 : memref<10240x64xf32, #tpu.memory_space<vmem_shared>>) offsets(%dma_start3A_144 : memref<128xi32, #tpu.memory_space<vmem>>) semaphore(%run_scoped3A : memref<!tpu.dma_semaphore, #tpu.memory_space<semaphore_mem>>) {add = true}
        %dma_wait3A_148 = arith.constant 0 : i32
        %dma_wait3A_149 = tpu.memref_slice %arg8[%add3A_85, %dma_wait3A_148] : memref<80x128xi32, #tpu.memory_space<vmem>> -> memref<1x128xi32, #tpu.memory_space<vmem>>
        %dma_wait3A_150 = tpu.memref_squeeze %dma_wait3A_149 : memref<1x128xi32, #tpu.memory_space<vmem>> -> memref<128xi32, #tpu.memory_space<vmem>>
        %dma_wait3A_151 = arith.constant 0 : i32
        %dma_wait3A_152 = arith.constant 0 : i32
        %dma_wait3A_153 = tpu.memref_slice %arg25[%dma_wait3A_151, %dma_wait3A_152] : memref<10240x64xf32, #tpu.memory_space<vmem_shared>> -> memref<10240x64xf32, #tpu.memory_space<vmem_shared>>
        tpu.wait_indirect_dma semaphore(%run_scoped3A : memref<!tpu.dma_semaphore, #tpu.memory_space<semaphore_mem>>) src(%arg9 : memref<128x64xf32, #tpu.memory_space<vmem>>) dst(%dma_wait3A_153 : memref<10240x64xf32, #tpu.memory_space<vmem_shared>>)
        tpu.yield
      }) : () -> ()
      %dma_wait3A_86 = arith.constant 0 : i32
      %dma_wait3A_87 = tpu.memref_slice %arg7[%add3A_24, %dma_wait3A_86] : memref<80x128xi32, #tpu.memory_space<vmem>> -> memref<1x128xi32, #tpu.memory_space<vmem>>
      %dma_wait3A_88 = tpu.memref_squeeze %dma_wait3A_87 : memref<1x128xi32, #tpu.memory_space<vmem>> -> memref<128xi32, #tpu.memory_space<vmem>>
      %dma_wait3A_89 = arith.constant 0 : i32
      %dma_wait3A_90 = arith.constant 0 : i32
      %dma_wait3A_91 = tpu.memref_slice %arg2[%dma_wait3A_89, %dma_wait3A_90] : memref<10000x64xf32, #tpu.memory_space<hbm>> -> memref<10000x64xf32, #tpu.memory_space<hbm>>
      tpu.wait_indirect_dma semaphore(%arg18 : memref<!tpu.dma_semaphore, #tpu.memory_space<semaphore_mem>>) src(%dma_wait3A_91 : memref<10000x64xf32, #tpu.memory_space<hbm>>) dst(%arg10 : memref<128x64xf32, #tpu.memory_space<vmem>>)
      %add3A_92 = arith.constant 1 : i32
      %add3A_93 = arith.addi %add3A_15, %add3A_92 : i32
      "tpu.region"() ({
        %run_scoped3A = tpu.sem_alloc : memref<!tpu.dma_semaphore, #tpu.memory_space<semaphore_mem>>
        %dma_start3A_142 = arith.constant 0 : i32
        %dma_start3A_143 = tpu.memref_slice %arg8[%add3A_93, %dma_start3A_142] : memref<80x128xi32, #tpu.memory_space<vmem>> -> memref<1x128xi32, #tpu.memory_space<vmem>>
        %dma_start3A_144 = tpu.memref_squeeze %dma_start3A_143 : memref<1x128xi32, #tpu.memory_space<vmem>> -> memref<128xi32, #tpu.memory_space<vmem>>
        %dma_start3A_145 = arith.constant 0 : i32
        %dma_start3A_146 = arith.constant 0 : i32
        %dma_start3A_147 = tpu.memref_slice %arg25[%dma_start3A_145, %dma_start3A_146] : memref<10240x64xf32, #tpu.memory_space<vmem_shared>> -> memref<10240x64xf32, #tpu.memory_space<vmem_shared>>
        tpu.enqueue_indirect_dma source(%arg10 : memref<128x64xf32, #tpu.memory_space<vmem>>) target(%dma_start3A_147 : memref<10240x64xf32, #tpu.memory_space<vmem_shared>>) offsets(%dma_start3A_144 : memref<128xi32, #tpu.memory_space<vmem>>) semaphore(%run_scoped3A : memref<!tpu.dma_semaphore, #tpu.memory_space<semaphore_mem>>) {add = true}
        %dma_wait3A_148 = arith.constant 0 : i32
        %dma_wait3A_149 = tpu.memref_slice %arg8[%add3A_93, %dma_wait3A_148] : memref<80x128xi32, #tpu.memory_space<vmem>> -> memref<1x128xi32, #tpu.memory_space<vmem>>
        %dma_wait3A_150 = tpu.memref_squeeze %dma_wait3A_149 : memref<1x128xi32, #tpu.memory_space<vmem>> -> memref<128xi32, #tpu.memory_space<vmem>>
        %dma_wait3A_151 = arith.constant 0 : i32
        %dma_wait3A_152 = arith.constant 0 : i32
        %dma_wait3A_153 = tpu.memref_slice %arg25[%dma_wait3A_151, %dma_wait3A_152] : memref<10240x64xf32, #tpu.memory_space<vmem_shared>> -> memref<10240x64xf32, #tpu.memory_space<vmem_shared>>
        tpu.wait_indirect_dma semaphore(%run_scoped3A : memref<!tpu.dma_semaphore, #tpu.memory_space<semaphore_mem>>) src(%arg10 : memref<128x64xf32, #tpu.memory_space<vmem>>) dst(%dma_wait3A_153 : memref<10240x64xf32, #tpu.memory_space<vmem_shared>>)
        tpu.yield
      }) : () -> ()
      %dma_wait3A_94 = arith.constant 0 : i32
      %dma_wait3A_95 = tpu.memref_slice %arg7[%add3A_32, %dma_wait3A_94] : memref<80x128xi32, #tpu.memory_space<vmem>> -> memref<1x128xi32, #tpu.memory_space<vmem>>
      %dma_wait3A_96 = tpu.memref_squeeze %dma_wait3A_95 : memref<1x128xi32, #tpu.memory_space<vmem>> -> memref<128xi32, #tpu.memory_space<vmem>>
      %dma_wait3A_97 = arith.constant 0 : i32
      %dma_wait3A_98 = arith.constant 0 : i32
      %dma_wait3A_99 = tpu.memref_slice %arg2[%dma_wait3A_97, %dma_wait3A_98] : memref<10000x64xf32, #tpu.memory_space<hbm>> -> memref<10000x64xf32, #tpu.memory_space<hbm>>
      tpu.wait_indirect_dma semaphore(%arg19 : memref<!tpu.dma_semaphore, #tpu.memory_space<semaphore_mem>>) src(%dma_wait3A_99 : memref<10000x64xf32, #tpu.memory_space<hbm>>) dst(%arg11 : memref<128x64xf32, #tpu.memory_space<vmem>>)
      %add3A_100 = arith.constant 2 : i32
      %add3A_101 = arith.addi %add3A_15, %add3A_100 : i32
      "tpu.region"() ({
        %run_scoped3A = tpu.sem_alloc : memref<!tpu.dma_semaphore, #tpu.memory_space<semaphore_mem>>
        %dma_start3A_142 = arith.constant 0 : i32
        %dma_start3A_143 = tpu.memref_slice %arg8[%add3A_101, %dma_start3A_142] : memref<80x128xi32, #tpu.memory_space<vmem>> -> memref<1x128xi32, #tpu.memory_space<vmem>>
        %dma_start3A_144 = tpu.memref_squeeze %dma_start3A_143 : memref<1x128xi32, #tpu.memory_space<vmem>> -> memref<128xi32, #tpu.memory_space<vmem>>
        %dma_start3A_145 = arith.constant 0 : i32
        %dma_start3A_146 = arith.constant 0 : i32
        %dma_start3A_147 = tpu.memref_slice %arg25[%dma_start3A_145, %dma_start3A_146] : memref<10240x64xf32, #tpu.memory_space<vmem_shared>> -> memref<10240x64xf32, #tpu.memory_space<vmem_shared>>
        tpu.enqueue_indirect_dma source(%arg11 : memref<128x64xf32, #tpu.memory_space<vmem>>) target(%dma_start3A_147 : memref<10240x64xf32, #tpu.memory_space<vmem_shared>>) offsets(%dma_start3A_144 : memref<128xi32, #tpu.memory_space<vmem>>) semaphore(%run_scoped3A : memref<!tpu.dma_semaphore, #tpu.memory_space<semaphore_mem>>) {add = true}
        %dma_wait3A_148 = arith.constant 0 : i32
        %dma_wait3A_149 = tpu.memref_slice %arg8[%add3A_101, %dma_wait3A_148] : memref<80x128xi32, #tpu.memory_space<vmem>> -> memref<1x128xi32, #tpu.memory_space<vmem>>
        %dma_wait3A_150 = tpu.memref_squeeze %dma_wait3A_149 : memref<1x128xi32, #tpu.memory_space<vmem>> -> memref<128xi32, #tpu.memory_space<vmem>>
        %dma_wait3A_151 = arith.constant 0 : i32
        %dma_wait3A_152 = arith.constant 0 : i32
        %dma_wait3A_153 = tpu.memref_slice %arg25[%dma_wait3A_151, %dma_wait3A_152] : memref<10240x64xf32, #tpu.memory_space<vmem_shared>> -> memref<10240x64xf32, #tpu.memory_space<vmem_shared>>
        tpu.wait_indirect_dma semaphore(%run_scoped3A : memref<!tpu.dma_semaphore, #tpu.memory_space<semaphore_mem>>) src(%arg11 : memref<128x64xf32, #tpu.memory_space<vmem>>) dst(%dma_wait3A_153 : memref<10240x64xf32, #tpu.memory_space<vmem_shared>>)
        tpu.yield
      }) : () -> ()
      %dma_wait3A_102 = arith.constant 0 : i32
      %dma_wait3A_103 = tpu.memref_slice %arg7[%add3A_40, %dma_wait3A_102] : memref<80x128xi32, #tpu.memory_space<vmem>> -> memref<1x128xi32, #tpu.memory_space<vmem>>
      %dma_wait3A_104 = tpu.memref_squeeze %dma_wait3A_103 : memref<1x128xi32, #tpu.memory_space<vmem>> -> memref<128xi32, #tpu.memory_space<vmem>>
      %dma_wait3A_105 = arith.constant 0 : i32
      %dma_wait3A_106 = arith.constant 0 : i32
      %dma_wait3A_107 = tpu.memref_slice %arg2[%dma_wait3A_105, %dma_wait3A_106] : memref<10000x64xf32, #tpu.memory_space<hbm>> -> memref<10000x64xf32, #tpu.memory_space<hbm>>
      tpu.wait_indirect_dma semaphore(%arg20 : memref<!tpu.dma_semaphore, #tpu.memory_space<semaphore_mem>>) src(%dma_wait3A_107 : memref<10000x64xf32, #tpu.memory_space<hbm>>) dst(%arg12 : memref<128x64xf32, #tpu.memory_space<vmem>>)
      %add3A_108 = arith.constant 3 : i32
      %add3A_109 = arith.addi %add3A_15, %add3A_108 : i32
      "tpu.region"() ({
        %run_scoped3A = tpu.sem_alloc : memref<!tpu.dma_semaphore, #tpu.memory_space<semaphore_mem>>
        %dma_start3A_142 = arith.constant 0 : i32
        %dma_start3A_143 = tpu.memref_slice %arg8[%add3A_109, %dma_start3A_142] : memref<80x128xi32, #tpu.memory_space<vmem>> -> memref<1x128xi32, #tpu.memory_space<vmem>>
        %dma_start3A_144 = tpu.memref_squeeze %dma_start3A_143 : memref<1x128xi32, #tpu.memory_space<vmem>> -> memref<128xi32, #tpu.memory_space<vmem>>
        %dma_start3A_145 = arith.constant 0 : i32
        %dma_start3A_146 = arith.constant 0 : i32
        %dma_start3A_147 = tpu.memref_slice %arg25[%dma_start3A_145, %dma_start3A_146] : memref<10240x64xf32, #tpu.memory_space<vmem_shared>> -> memref<10240x64xf32, #tpu.memory_space<vmem_shared>>
        tpu.enqueue_indirect_dma source(%arg12 : memref<128x64xf32, #tpu.memory_space<vmem>>) target(%dma_start3A_147 : memref<10240x64xf32, #tpu.memory_space<vmem_shared>>) offsets(%dma_start3A_144 : memref<128xi32, #tpu.memory_space<vmem>>) semaphore(%run_scoped3A : memref<!tpu.dma_semaphore, #tpu.memory_space<semaphore_mem>>) {add = true}
        %dma_wait3A_148 = arith.constant 0 : i32
        %dma_wait3A_149 = tpu.memref_slice %arg8[%add3A_109, %dma_wait3A_148] : memref<80x128xi32, #tpu.memory_space<vmem>> -> memref<1x128xi32, #tpu.memory_space<vmem>>
        %dma_wait3A_150 = tpu.memref_squeeze %dma_wait3A_149 : memref<1x128xi32, #tpu.memory_space<vmem>> -> memref<128xi32, #tpu.memory_space<vmem>>
        %dma_wait3A_151 = arith.constant 0 : i32
        %dma_wait3A_152 = arith.constant 0 : i32
        %dma_wait3A_153 = tpu.memref_slice %arg25[%dma_wait3A_151, %dma_wait3A_152] : memref<10240x64xf32, #tpu.memory_space<vmem_shared>> -> memref<10240x64xf32, #tpu.memory_space<vmem_shared>>
        tpu.wait_indirect_dma semaphore(%run_scoped3A : memref<!tpu.dma_semaphore, #tpu.memory_space<semaphore_mem>>) src(%arg12 : memref<128x64xf32, #tpu.memory_space<vmem>>) dst(%dma_wait3A_153 : memref<10240x64xf32, #tpu.memory_space<vmem_shared>>)
        tpu.yield
      }) : () -> ()
      %dma_wait3A_110 = arith.constant 0 : i32
      %dma_wait3A_111 = tpu.memref_slice %arg7[%add3A_48, %dma_wait3A_110] : memref<80x128xi32, #tpu.memory_space<vmem>> -> memref<1x128xi32, #tpu.memory_space<vmem>>
      %dma_wait3A_112 = tpu.memref_squeeze %dma_wait3A_111 : memref<1x128xi32, #tpu.memory_space<vmem>> -> memref<128xi32, #tpu.memory_space<vmem>>
      %dma_wait3A_113 = arith.constant 0 : i32
      %dma_wait3A_114 = arith.constant 0 : i32
      %dma_wait3A_115 = tpu.memref_slice %arg2[%dma_wait3A_113, %dma_wait3A_114] : memref<10000x64xf32, #tpu.memory_space<hbm>> -> memref<10000x64xf32, #tpu.memory_space<hbm>>
      tpu.wait_indirect_dma semaphore(%arg21 : memref<!tpu.dma_semaphore, #tpu.memory_space<semaphore_mem>>) src(%dma_wait3A_115 : memref<10000x64xf32, #tpu.memory_space<hbm>>) dst(%arg13 : memref<128x64xf32, #tpu.memory_space<vmem>>)
      %add3A_116 = arith.constant 4 : i32
      %add3A_117 = arith.addi %add3A_15, %add3A_116 : i32
      "tpu.region"() ({
        %run_scoped3A = tpu.sem_alloc : memref<!tpu.dma_semaphore, #tpu.memory_space<semaphore_mem>>
        %dma_start3A_142 = arith.constant 0 : i32
        %dma_start3A_143 = tpu.memref_slice %arg8[%add3A_117, %dma_start3A_142] : memref<80x128xi32, #tpu.memory_space<vmem>> -> memref<1x128xi32, #tpu.memory_space<vmem>>
        %dma_start3A_144 = tpu.memref_squeeze %dma_start3A_143 : memref<1x128xi32, #tpu.memory_space<vmem>> -> memref<128xi32, #tpu.memory_space<vmem>>
        %dma_start3A_145 = arith.constant 0 : i32
        %dma_start3A_146 = arith.constant 0 : i32
        %dma_start3A_147 = tpu.memref_slice %arg25[%dma_start3A_145, %dma_start3A_146] : memref<10240x64xf32, #tpu.memory_space<vmem_shared>> -> memref<10240x64xf32, #tpu.memory_space<vmem_shared>>
        tpu.enqueue_indirect_dma source(%arg13 : memref<128x64xf32, #tpu.memory_space<vmem>>) target(%dma_start3A_147 : memref<10240x64xf32, #tpu.memory_space<vmem_shared>>) offsets(%dma_start3A_144 : memref<128xi32, #tpu.memory_space<vmem>>) semaphore(%run_scoped3A : memref<!tpu.dma_semaphore, #tpu.memory_space<semaphore_mem>>) {add = true}
        %dma_wait3A_148 = arith.constant 0 : i32
        %dma_wait3A_149 = tpu.memref_slice %arg8[%add3A_117, %dma_wait3A_148] : memref<80x128xi32, #tpu.memory_space<vmem>> -> memref<1x128xi32, #tpu.memory_space<vmem>>
        %dma_wait3A_150 = tpu.memref_squeeze %dma_wait3A_149 : memref<1x128xi32, #tpu.memory_space<vmem>> -> memref<128xi32, #tpu.memory_space<vmem>>
        %dma_wait3A_151 = arith.constant 0 : i32
        %dma_wait3A_152 = arith.constant 0 : i32
        %dma_wait3A_153 = tpu.memref_slice %arg25[%dma_wait3A_151, %dma_wait3A_152] : memref<10240x64xf32, #tpu.memory_space<vmem_shared>> -> memref<10240x64xf32, #tpu.memory_space<vmem_shared>>
        tpu.wait_indirect_dma semaphore(%run_scoped3A : memref<!tpu.dma_semaphore, #tpu.memory_space<semaphore_mem>>) src(%arg13 : memref<128x64xf32, #tpu.memory_space<vmem>>) dst(%dma_wait3A_153 : memref<10240x64xf32, #tpu.memory_space<vmem_shared>>)
        tpu.yield
      }) : () -> ()
      %dma_wait3A_118 = arith.constant 0 : i32
      %dma_wait3A_119 = tpu.memref_slice %arg7[%add3A_56, %dma_wait3A_118] : memref<80x128xi32, #tpu.memory_space<vmem>> -> memref<1x128xi32, #tpu.memory_space<vmem>>
      %dma_wait3A_120 = tpu.memref_squeeze %dma_wait3A_119 : memref<1x128xi32, #tpu.memory_space<vmem>> -> memref<128xi32, #tpu.memory_space<vmem>>
      %dma_wait3A_121 = arith.constant 0 : i32
      %dma_wait3A_122 = arith.constant 0 : i32
      %dma_wait3A_123 = tpu.memref_slice %arg2[%dma_wait3A_121, %dma_wait3A_122] : memref<10000x64xf32, #tpu.memory_space<hbm>> -> memref<10000x64xf32, #tpu.memory_space<hbm>>
      tpu.wait_indirect_dma semaphore(%arg22 : memref<!tpu.dma_semaphore, #tpu.memory_space<semaphore_mem>>) src(%dma_wait3A_123 : memref<10000x64xf32, #tpu.memory_space<hbm>>) dst(%arg14 : memref<128x64xf32, #tpu.memory_space<vmem>>)
      %add3A_124 = arith.constant 5 : i32
      %add3A_125 = arith.addi %add3A_15, %add3A_124 : i32
      "tpu.region"() ({
        %run_scoped3A = tpu.sem_alloc : memref<!tpu.dma_semaphore, #tpu.memory_space<semaphore_mem>>
        %dma_start3A_142 = arith.constant 0 : i32
        %dma_start3A_143 = tpu.memref_slice %arg8[%add3A_125, %dma_start3A_142] : memref<80x128xi32, #tpu.memory_space<vmem>> -> memref<1x128xi32, #tpu.memory_space<vmem>>
        %dma_start3A_144 = tpu.memref_squeeze %dma_start3A_143 : memref<1x128xi32, #tpu.memory_space<vmem>> -> memref<128xi32, #tpu.memory_space<vmem>>
        %dma_start3A_145 = arith.constant 0 : i32
        %dma_start3A_146 = arith.constant 0 : i32
        %dma_start3A_147 = tpu.memref_slice %arg25[%dma_start3A_145, %dma_start3A_146] : memref<10240x64xf32, #tpu.memory_space<vmem_shared>> -> memref<10240x64xf32, #tpu.memory_space<vmem_shared>>
        tpu.enqueue_indirect_dma source(%arg14 : memref<128x64xf32, #tpu.memory_space<vmem>>) target(%dma_start3A_147 : memref<10240x64xf32, #tpu.memory_space<vmem_shared>>) offsets(%dma_start3A_144 : memref<128xi32, #tpu.memory_space<vmem>>) semaphore(%run_scoped3A : memref<!tpu.dma_semaphore, #tpu.memory_space<semaphore_mem>>) {add = true}
        %dma_wait3A_148 = arith.constant 0 : i32
        %dma_wait3A_149 = tpu.memref_slice %arg8[%add3A_125, %dma_wait3A_148] : memref<80x128xi32, #tpu.memory_space<vmem>> -> memref<1x128xi32, #tpu.memory_space<vmem>>
        %dma_wait3A_150 = tpu.memref_squeeze %dma_wait3A_149 : memref<1x128xi32, #tpu.memory_space<vmem>> -> memref<128xi32, #tpu.memory_space<vmem>>
        %dma_wait3A_151 = arith.constant 0 : i32
        %dma_wait3A_152 = arith.constant 0 : i32
        %dma_wait3A_153 = tpu.memref_slice %arg25[%dma_wait3A_151, %dma_wait3A_152] : memref<10240x64xf32, #tpu.memory_space<vmem_shared>> -> memref<10240x64xf32, #tpu.memory_space<vmem_shared>>
        tpu.wait_indirect_dma semaphore(%run_scoped3A : memref<!tpu.dma_semaphore, #tpu.memory_space<semaphore_mem>>) src(%arg14 : memref<128x64xf32, #tpu.memory_space<vmem>>) dst(%dma_wait3A_153 : memref<10240x64xf32, #tpu.memory_space<vmem_shared>>)
        tpu.yield
      }) : () -> ()
      %dma_wait3A_126 = arith.constant 0 : i32
      %dma_wait3A_127 = tpu.memref_slice %arg7[%add3A_64, %dma_wait3A_126] : memref<80x128xi32, #tpu.memory_space<vmem>> -> memref<1x128xi32, #tpu.memory_space<vmem>>
      %dma_wait3A_128 = tpu.memref_squeeze %dma_wait3A_127 : memref<1x128xi32, #tpu.memory_space<vmem>> -> memref<128xi32, #tpu.memory_space<vmem>>
      %dma_wait3A_129 = arith.constant 0 : i32
      %dma_wait3A_130 = arith.constant 0 : i32
      %dma_wait3A_131 = tpu.memref_slice %arg2[%dma_wait3A_129, %dma_wait3A_130] : memref<10000x64xf32, #tpu.memory_space<hbm>> -> memref<10000x64xf32, #tpu.memory_space<hbm>>
      tpu.wait_indirect_dma semaphore(%arg23 : memref<!tpu.dma_semaphore, #tpu.memory_space<semaphore_mem>>) src(%dma_wait3A_131 : memref<10000x64xf32, #tpu.memory_space<hbm>>) dst(%arg15 : memref<128x64xf32, #tpu.memory_space<vmem>>)
      %add3A_132 = arith.constant 6 : i32
      %add3A_133 = arith.addi %add3A_15, %add3A_132 : i32
      "tpu.region"() ({
        %run_scoped3A = tpu.sem_alloc : memref<!tpu.dma_semaphore, #tpu.memory_space<semaphore_mem>>
        %dma_start3A_142 = arith.constant 0 : i32
        %dma_start3A_143 = tpu.memref_slice %arg8[%add3A_133, %dma_start3A_142] : memref<80x128xi32, #tpu.memory_space<vmem>> -> memref<1x128xi32, #tpu.memory_space<vmem>>
        %dma_start3A_144 = tpu.memref_squeeze %dma_start3A_143 : memref<1x128xi32, #tpu.memory_space<vmem>> -> memref<128xi32, #tpu.memory_space<vmem>>
        %dma_start3A_145 = arith.constant 0 : i32
        %dma_start3A_146 = arith.constant 0 : i32
        %dma_start3A_147 = tpu.memref_slice %arg25[%dma_start3A_145, %dma_start3A_146] : memref<10240x64xf32, #tpu.memory_space<vmem_shared>> -> memref<10240x64xf32, #tpu.memory_space<vmem_shared>>
        tpu.enqueue_indirect_dma source(%arg15 : memref<128x64xf32, #tpu.memory_space<vmem>>) target(%dma_start3A_147 : memref<10240x64xf32, #tpu.memory_space<vmem_shared>>) offsets(%dma_start3A_144 : memref<128xi32, #tpu.memory_space<vmem>>) semaphore(%run_scoped3A : memref<!tpu.dma_semaphore, #tpu.memory_space<semaphore_mem>>) {add = true}
        %dma_wait3A_148 = arith.constant 0 : i32
        %dma_wait3A_149 = tpu.memref_slice %arg8[%add3A_133, %dma_wait3A_148] : memref<80x128xi32, #tpu.memory_space<vmem>> -> memref<1x128xi32, #tpu.memory_space<vmem>>
        %dma_wait3A_150 = tpu.memref_squeeze %dma_wait3A_149 : memref<1x128xi32, #tpu.memory_space<vmem>> -> memref<128xi32, #tpu.memory_space<vmem>>
        %dma_wait3A_151 = arith.constant 0 : i32
        %dma_wait3A_152 = arith.constant 0 : i32
        %dma_wait3A_153 = tpu.memref_slice %arg25[%dma_wait3A_151, %dma_wait3A_152] : memref<10240x64xf32, #tpu.memory_space<vmem_shared>> -> memref<10240x64xf32, #tpu.memory_space<vmem_shared>>
        tpu.wait_indirect_dma semaphore(%run_scoped3A : memref<!tpu.dma_semaphore, #tpu.memory_space<semaphore_mem>>) src(%arg15 : memref<128x64xf32, #tpu.memory_space<vmem>>) dst(%dma_wait3A_153 : memref<10240x64xf32, #tpu.memory_space<vmem_shared>>)
        tpu.yield
      }) : () -> ()
      %dma_wait3A_134 = arith.constant 0 : i32
      %dma_wait3A_135 = tpu.memref_slice %arg7[%add3A_72, %dma_wait3A_134] : memref<80x128xi32, #tpu.memory_space<vmem>> -> memref<1x128xi32, #tpu.memory_space<vmem>>
      %dma_wait3A_136 = tpu.memref_squeeze %dma_wait3A_135 : memref<1x128xi32, #tpu.memory_space<vmem>> -> memref<128xi32, #tpu.memory_space<vmem>>
      %dma_wait3A_137 = arith.constant 0 : i32
      %dma_wait3A_138 = arith.constant 0 : i32
      %dma_wait3A_139 = tpu.memref_slice %arg2[%dma_wait3A_137, %dma_wait3A_138] : memref<10000x64xf32, #tpu.memory_space<hbm>> -> memref<10000x64xf32, #tpu.memory_space<hbm>>
      tpu.wait_indirect_dma semaphore(%arg24 : memref<!tpu.dma_semaphore, #tpu.memory_space<semaphore_mem>>) src(%dma_wait3A_139 : memref<10000x64xf32, #tpu.memory_space<hbm>>) dst(%arg16 : memref<128x64xf32, #tpu.memory_space<vmem>>)
      %add3A_140 = arith.constant 7 : i32
      %add3A_141 = arith.addi %add3A_15, %add3A_140 : i32
      "tpu.region"() ({
        %run_scoped3A = tpu.sem_alloc : memref<!tpu.dma_semaphore, #tpu.memory_space<semaphore_mem>>
        %dma_start3A_142 = arith.constant 0 : i32
        %dma_start3A_143 = tpu.memref_slice %arg8[%add3A_141, %dma_start3A_142] : memref<80x128xi32, #tpu.memory_space<vmem>> -> memref<1x128xi32, #tpu.memory_space<vmem>>
        %dma_start3A_144 = tpu.memref_squeeze %dma_start3A_143 : memref<1x128xi32, #tpu.memory_space<vmem>> -> memref<128xi32, #tpu.memory_space<vmem>>
        %dma_start3A_145 = arith.constant 0 : i32
        %dma_start3A_146 = arith.constant 0 : i32
        %dma_start3A_147 = tpu.memref_slice %arg25[%dma_start3A_145, %dma_start3A_146] : memref<10240x64xf32, #tpu.memory_space<vmem_shared>> -> memref<10240x64xf32, #tpu.memory_space<vmem_shared>>
        tpu.enqueue_indirect_dma source(%arg16 : memref<128x64xf32, #tpu.memory_space<vmem>>) target(%dma_start3A_147 : memref<10240x64xf32, #tpu.memory_space<vmem_shared>>) offsets(%dma_start3A_144 : memref<128xi32, #tpu.memory_space<vmem>>) semaphore(%run_scoped3A : memref<!tpu.dma_semaphore, #tpu.memory_space<semaphore_mem>>) {add = true}
        %dma_wait3A_148 = arith.constant 0 : i32
        %dma_wait3A_149 = tpu.memref_slice %arg8[%add3A_141, %dma_wait3A_148] : memref<80x128xi32, #tpu.memory_space<vmem>> -> memref<1x128xi32, #tpu.memory_space<vmem>>
        %dma_wait3A_150 = tpu.memref_squeeze %dma_wait3A_149 : memref<1x128xi32, #tpu.memory_space<vmem>> -> memref<128xi32, #tpu.memory_space<vmem>>
        %dma_wait3A_151 = arith.constant 0 : i32
        %dma_wait3A_152 = arith.constant 0 : i32
        %dma_wait3A_153 = tpu.memref_slice %arg25[%dma_wait3A_151, %dma_wait3A_152] : memref<10240x64xf32, #tpu.memory_space<vmem_shared>> -> memref<10240x64xf32, #tpu.memory_space<vmem_shared>>
        tpu.wait_indirect_dma semaphore(%run_scoped3A : memref<!tpu.dma_semaphore, #tpu.memory_space<semaphore_mem>>) src(%arg16 : memref<128x64xf32, #tpu.memory_space<vmem>>) dst(%dma_wait3A_153 : memref<10240x64xf32, #tpu.memory_space<vmem_shared>>)
        tpu.yield
      }) : () -> ()
    }
    %scan3A_6 = arith.constant 10 : i32
    %barrier3A_7 = arith.constant 0 : index
    tpu.barrier barrier_id(%barrier3A_7)
    %mul3A_8 = arith.constant 640 : i32
    %mul3A_9 = arith.muli %arg1, %mul3A_8 : i32
    %mul3A_10 = arith.constant 640 : i32
    %mul3A_11 = arith.muli %arg1, %mul3A_10 : i32
    "tpu.region"() ({
      %run_scoped3A = tpu.sem_alloc : memref<!tpu.dma_semaphore, #tpu.memory_space<semaphore_mem>>
      %dma_start3A = arith.constant 0 : i32
      %dma_start3A_12 = tpu.memref_slice %arg6[%arg0, %mul3A_11, %dma_start3A] : memref<2x10240x64xf32, #tpu.memory_space<hbm>> -> memref<1x640x64xf32, #tpu.memory_space<hbm>>
      %dma_start3A_13 = tpu.memref_squeeze %dma_start3A_12 : memref<1x640x64xf32, #tpu.memory_space<hbm>> -> memref<640x64xf32, #tpu.memory_space<hbm>>
      %dma_start3A_14 = arith.constant 0 : i32
      %dma_start3A_15 = tpu.memref_slice %arg25[%mul3A_9, %dma_start3A_14] : memref<10240x64xf32, #tpu.memory_space<vmem_shared>> -> memref<640x64xf32, #tpu.memory_space<vmem_shared>>
      tpu.enqueue_dma source(%dma_start3A_15 : memref<640x64xf32, #tpu.memory_space<vmem_shared>>) target(%dma_start3A_13 : memref<640x64xf32, #tpu.memory_space<hbm>>) target_semaphore(%run_scoped3A : memref<!tpu.dma_semaphore, #tpu.memory_space<semaphore_mem>>)
      %dma_wait3A = arith.constant 0 : i32
      %dma_wait3A_16 = tpu.memref_slice %arg6[%arg0, %mul3A_11, %dma_wait3A] : memref<2x10240x64xf32, #tpu.memory_space<hbm>> -> memref<1x640x64xf32, #tpu.memory_space<hbm>>
      %dma_wait3A_17 = tpu.memref_squeeze %dma_wait3A_16 : memref<1x640x64xf32, #tpu.memory_space<hbm>> -> memref<640x64xf32, #tpu.memory_space<hbm>>
      %dma_wait3A_18 = arith.constant 0 : i32
      %dma_wait3A_19 = tpu.memref_slice %arg25[%mul3A_9, %dma_wait3A_18] : memref<10240x64xf32, #tpu.memory_space<vmem_shared>> -> memref<640x64xf32, #tpu.memory_space<vmem_shared>>
      tpu.wait_dma2 semaphore(%run_scoped3A : memref<!tpu.dma_semaphore, #tpu.memory_space<semaphore_mem>>) src(%dma_wait3A_19 : memref<640x64xf32, #tpu.memory_space<vmem_shared>>) dst(%dma_wait3A_17 : memref<640x64xf32, #tpu.memory_space<hbm>>)
      tpu.yield
    }) : () -> ()
    return
  }
}

module attributes {stable_mosaic.version = 14 : i64} {
  func.func @_mm1_body(%arg0: i32, %arg1: memref<400x128xf32, #tpu.memory_space<vmem>>, %arg2: memref<128x64xf32, #tpu.memory_space<vmem>>, %arg3: memref<400x64xf32, #tpu.memory_space<vmem>>) attributes {dimension_semantics = [#tpu.dimension_semantics<arbitrary>], iteration_bounds = array<i64: 25>, scalar_prefetch = 0 : i64, scratch_operands = 0 : i64, tpu.core_type = #tpu.core_type<tc>, window_params = [{transform_indices = @transform_0, window_bounds = array<i64: 400, 128>}, {pipeline_mode = #tpu.pipeline_mode<synchronous>, transform_indices = @transform_1, window_bounds = array<i64: 128, 64>}, {transform_indices = @transform_2, window_bounds = array<i64: 400, 64>}]} {
    %get3A = arith.constant 0 : index
    %get3A_0 = arith.constant 0 : index
    %get3A_1 = vector.load %arg1[%get3A, %get3A_0] : memref<400x128xf32, #tpu.memory_space<vmem>>, vector<400x128xf32>
    %get3A_2 = arith.constant 0 : index
    %get3A_3 = arith.constant 0 : index
    %get3A_4 = vector.load %arg2[%get3A_2, %get3A_3] : memref<128x64xf32, #tpu.memory_space<vmem>>, vector<128x64xf32>
    %dot_general3A = arith.constant dense<0.000000e+00> : vector<400x64xf32>
    %dot_general3A_5 = tpu.matmul %get3A_1, %get3A_4, %dot_general3A {dimension_numbers = #tpu.dot_dimension_numbers<[1], [0], [0], [1], [0, 0, 1, 1], [], []>, precision = #tpu.contract_precision<fp32>, transpose_lhs_hint = false} : vector<400x128xf32>, vector<128x64xf32>, vector<400x64xf32> -> vector<400x64xf32>
    %swap3A = arith.constant 0 : index
    %swap3A_6 = arith.constant 0 : index
    %swap3A_7 = vector.load %arg3[%swap3A, %swap3A_6] : memref<400x64xf32, #tpu.memory_space<vmem>>, vector<400x64xf32>
    tpu.vector_store %arg3[%swap3A, %swap3A_6], %dot_general3A_5 {strides = array<i32>} : memref<400x64xf32, #tpu.memory_space<vmem>>, vector<400x64xf32>,
    return
  }
  func.func @transform_0(%arg0: i32) -> (i32, i32) {
    %c0_i32 = arith.constant 0 : i32
    %c0_i32_0 = arith.constant 0 : i32
    return %arg0, %c0_i32 : i32, i32
  }
  func.func @transform_1(%arg0: i32) -> (i32, i32) {
    %c0_i32 = arith.constant 0 : i32
    %c0_i32_0 = arith.constant 0 : i32
    %c0_i32_1 = arith.constant 0 : i32
    return %c0_i32, %c0_i32_0 : i32, i32
  }
  func.func @transform_2(%arg0: i32) -> (i32, i32) {
    %c0_i32 = arith.constant 0 : i32
    %c0_i32_0 = arith.constant 0 : i32
    return %arg0, %c0_i32 : i32, i32
  }
}

module attributes {stable_mosaic.version = 14 : i64} {
  func.func @_scale_body(%arg0: i32, %arg1: memref<1x400x16xf32, #tpu.memory_space<vmem>>, %arg2: memref<1x400x16xf32, #tpu.memory_space<vmem>>, %arg3: memref<400x64xf32, #tpu.memory_space<vmem>>, %arg4: memref<400x64xf32, #tpu.memory_space<vmem>>, %arg5: memref<400x1xf32, #tpu.memory_space<vmem>>) attributes {dimension_semantics = [#tpu.dimension_semantics<arbitrary>], iteration_bounds = array<i64: 25>, scalar_prefetch = 0 : i64, scratch_operands = 0 : i64, tpu.core_type = #tpu.core_type<tc>, window_params = [{transform_indices = @transform_0, window_bounds = array<i64: 1, 400, 16>}, {transform_indices = @transform_1, window_bounds = array<i64: 1, 400, 16>}, {transform_indices = @transform_2, window_bounds = array<i64: 400, 64>}, {transform_indices = @transform_3, window_bounds = array<i64: 400, 64>}, {transform_indices = @transform_4, window_bounds = array<i64: 400, 1>}]} {
    %get3A = arith.constant 0 : index
    %get3A_0 = arith.constant 0 : index
    %get3A_1 = arith.constant 0 : index
    %get3A_2 = vector.load %arg1[%get3A, %get3A_0, %get3A_1] : memref<1x400x16xf32, #tpu.memory_space<vmem>>, vector<1x400x1xf32>
    %get3A_3 = vector.shape_cast %get3A_2 : vector<1x400x1xf32> to vector<400x1xf32>
    %get3A_4 = arith.constant 0 : index
    %get3A_5 = arith.constant 0 : index
    %get3A_6 = arith.constant 0 : index
    %get3A_7 = vector.load %arg2[%get3A_4, %get3A_5, %get3A_6] : memref<1x400x16xf32, #tpu.memory_space<vmem>>, vector<1x400x1xf32>
    %get3A_8 = vector.shape_cast %get3A_7 : vector<1x400x1xf32> to vector<400x1xf32>
    %add3A = arith.addf %get3A_3, %get3A_8 : vector<400x1xf32>
    %add3A_9 = arith.constant 1.000000e+00 : f32
    %add3A_10 = vector.broadcast %add3A_9 : f32 to vector<400x1xf32>
    %add3A_11 = arith.addf %add3A, %add3A_10 : vector<400x1xf32>
    %rsqrt3A = math.rsqrt %add3A_11 : vector<400x1xf32>
    %swap3A = arith.constant 0 : index
    %swap3A_12 = arith.constant 0 : index
    %swap3A_13 = vector.load %arg5[%swap3A, %swap3A_12] : memref<400x1xf32, #tpu.memory_space<vmem>>, vector<400x1xf32>
    tpu.vector_store %arg5[%swap3A, %swap3A_12], %rsqrt3A {strides = array<i32>} : memref<400x1xf32, #tpu.memory_space<vmem>>, vector<400x1xf32>,
    %get3A_14 = arith.constant 0 : index
    %get3A_15 = arith.constant 0 : index
    %get3A_16 = vector.load %arg3[%get3A_14, %get3A_15] : memref<400x64xf32, #tpu.memory_space<vmem>>, vector<400x64xf32>
    %mul3A = vector.broadcast %rsqrt3A : vector<400x1xf32> to vector<400x64xf32>
    %mul3A_17 = arith.mulf %get3A_16, %mul3A : vector<400x64xf32>
    %swap3A_18 = arith.constant 0 : index
    %swap3A_19 = arith.constant 0 : index
    %swap3A_20 = vector.load %arg4[%swap3A_18, %swap3A_19] : memref<400x64xf32, #tpu.memory_space<vmem>>, vector<400x64xf32>
    tpu.vector_store %arg4[%swap3A_18, %swap3A_19], %mul3A_17 {strides = array<i32>} : memref<400x64xf32, #tpu.memory_space<vmem>>, vector<400x64xf32>,
    return
  }
  func.func @transform_0(%arg0: i32) -> (i32, i32, i32) {
    %c0_i32 = arith.constant 0 : i32
    %c0_i32_0 = arith.constant 0 : i32
    %c0_i32_1 = arith.constant 0 : i32
    return %c0_i32, %arg0, %c0_i32_0 : i32, i32, i32
  }
  func.func @transform_1(%arg0: i32) -> (i32, i32, i32) {
    %c1_i32 = arith.constant 1 : i32
    %c0_i32 = arith.constant 0 : i32
    %c0_i32_0 = arith.constant 0 : i32
    return %c1_i32, %arg0, %c0_i32 : i32, i32, i32
  }
  func.func @transform_2(%arg0: i32) -> (i32, i32) {
    %c0_i32 = arith.constant 0 : i32
    %c0_i32_0 = arith.constant 0 : i32
    return %arg0, %c0_i32 : i32, i32
  }
  func.func @transform_3(%arg0: i32) -> (i32, i32) {
    %c0_i32 = arith.constant 0 : i32
    %c0_i32_0 = arith.constant 0 : i32
    return %arg0, %c0_i32 : i32, i32
  }
  func.func @transform_4(%arg0: i32) -> (i32, i32) {
    %c0_i32 = arith.constant 0 : i32
    %c0_i32_0 = arith.constant 0 : i32
    return %arg0, %c0_i32 : i32, i32
  }
}

module attributes {stable_mosaic.version = 14 : i64} {
  func.func @_layer_body(%arg0: i32, %arg1: memref<1x400x64xf32, #tpu.memory_space<vmem>>, %arg2: memref<1x400x64xf32, #tpu.memory_space<vmem>>, %arg3: memref<400x64xf32, #tpu.memory_space<vmem>>, %arg4: memref<400x1xf32, #tpu.memory_space<vmem>>, %arg5: memref<1x64xf32, #tpu.memory_space<vmem>>, %arg6: memref<64x64xf32, #tpu.memory_space<vmem>>, %arg7: memref<400x64xf32, #tpu.memory_space<vmem>>) attributes {dimension_semantics = [#tpu.dimension_semantics<arbitrary>], iteration_bounds = array<i64: 25>, scalar_prefetch = 0 : i64, scratch_operands = 0 : i64, tpu.core_type = #tpu.core_type<tc>, window_params = [{transform_indices = @transform_0, window_bounds = array<i64: 1, 400, 64>}, {transform_indices = @transform_1, window_bounds = array<i64: 1, 400, 64>}, {transform_indices = @transform_2, window_bounds = array<i64: 400, 64>}, {transform_indices = @transform_3, window_bounds = array<i64: 400, 1>}, {pipeline_mode = #tpu.pipeline_mode<synchronous>, transform_indices = @transform_4, window_bounds = array<i64: 1, 64>}, {pipeline_mode = #tpu.pipeline_mode<synchronous>, transform_indices = @transform_5, window_bounds = array<i64: 64, 64>}, {transform_indices = @transform_6, window_bounds = array<i64: 400, 64>}]} {
    %get3A = arith.constant 0 : index
    %get3A_0 = arith.constant 0 : index
    %get3A_1 = vector.load %arg4[%get3A, %get3A_0] : memref<400x1xf32, #tpu.memory_space<vmem>>, vector<400x1xf32>
    %get3A_2 = arith.constant 0 : index
    %get3A_3 = arith.constant 0 : index
    %get3A_4 = arith.constant 0 : index
    %get3A_5 = vector.load %arg1[%get3A_2, %get3A_3, %get3A_4] : memref<1x400x64xf32, #tpu.memory_space<vmem>>, vector<1x400x64xf32>
    %get3A_6 = vector.shape_cast %get3A_5 : vector<1x400x64xf32> to vector<400x64xf32>
    %get3A_7 = arith.constant 0 : index
    %get3A_8 = arith.constant 0 : index
    %get3A_9 = arith.constant 0 : index
    %get3A_10 = vector.load %arg2[%get3A_7, %get3A_8, %get3A_9] : memref<1x400x64xf32, #tpu.memory_space<vmem>>, vector<1x400x64xf32>
    %get3A_11 = vector.shape_cast %get3A_10 : vector<1x400x64xf32> to vector<400x64xf32>
    %add3A = arith.addf %get3A_6, %get3A_11 : vector<400x64xf32>
    %get3A_12 = arith.constant 0 : index
    %get3A_13 = arith.constant 0 : index
    %get3A_14 = vector.load %arg3[%get3A_12, %get3A_13] : memref<400x64xf32, #tpu.memory_space<vmem>>, vector<400x64xf32>
    %add3A_15 = arith.addf %add3A, %get3A_14 : vector<400x64xf32>
    %mul3A = vector.broadcast %get3A_1 : vector<400x1xf32> to vector<400x64xf32>
    %mul3A_16 = arith.mulf %add3A_15, %mul3A : vector<400x64xf32>
    %get3A_17 = arith.constant 0 : index
    %get3A_18 = arith.constant 0 : index
    %get3A_19 = vector.load %arg5[%get3A_17, %get3A_18] : memref<1x64xf32, #tpu.memory_space<vmem>>, vector<1x64xf32>
    %add3A_20 = vector.broadcast %get3A_19 : vector<1x64xf32> to vector<400x64xf32>
    %add3A_21 = arith.addf %mul3A_16, %add3A_20 : vector<400x64xf32>
    %max3A = arith.constant 0.000000e+00 : f32
    %max3A_22 = vector.broadcast %max3A : f32 to vector<400x64xf32>
    %max3A_23 = arith.maximumf %add3A_21, %max3A_22 : vector<400x64xf32>
    %get3A_24 = arith.constant 0 : index
    %get3A_25 = arith.constant 0 : index
    %get3A_26 = vector.load %arg6[%get3A_24, %get3A_25] : memref<64x64xf32, #tpu.memory_space<vmem>>, vector<64x64xf32>
    %dot_general3A = arith.constant dense<0.000000e+00> : vector<400x64xf32>
    %dot_general3A_27 = tpu.matmul %max3A_23, %get3A_26, %dot_general3A {dimension_numbers = #tpu.dot_dimension_numbers<[1], [0], [0], [1], [0, 0, 1, 1], [], []>, precision = #tpu.contract_precision<fp32>, transpose_lhs_hint = false} : vector<400x64xf32>, vector<64x64xf32>, vector<400x64xf32> -> vector<400x64xf32>
    %mul3A_28 = vector.broadcast %get3A_1 : vector<400x1xf32> to vector<400x64xf32>
    %mul3A_29 = arith.mulf %dot_general3A_27, %mul3A_28 : vector<400x64xf32>
    %swap3A = arith.constant 0 : index
    %swap3A_30 = arith.constant 0 : index
    %swap3A_31 = vector.load %arg7[%swap3A, %swap3A_30] : memref<400x64xf32, #tpu.memory_space<vmem>>, vector<400x64xf32>
    tpu.vector_store %arg7[%swap3A, %swap3A_30], %mul3A_29 {strides = array<i32>} : memref<400x64xf32, #tpu.memory_space<vmem>>, vector<400x64xf32>,
    return
  }
  func.func @transform_0(%arg0: i32) -> (i32, i32, i32) {
    %c0_i32 = arith.constant 0 : i32
    %c0_i32_0 = arith.constant 0 : i32
    %c0_i32_1 = arith.constant 0 : i32
    return %c0_i32, %arg0, %c0_i32_0 : i32, i32, i32
  }
  func.func @transform_1(%arg0: i32) -> (i32, i32, i32) {
    %c1_i32 = arith.constant 1 : i32
    %c0_i32 = arith.constant 0 : i32
    %c0_i32_0 = arith.constant 0 : i32
    return %c1_i32, %arg0, %c0_i32 : i32, i32, i32
  }
  func.func @transform_2(%arg0: i32) -> (i32, i32) {
    %c0_i32 = arith.constant 0 : i32
    %c0_i32_0 = arith.constant 0 : i32
    return %arg0, %c0_i32 : i32, i32
  }
  func.func @transform_3(%arg0: i32) -> (i32, i32) {
    %c0_i32 = arith.constant 0 : i32
    %c0_i32_0 = arith.constant 0 : i32
    return %arg0, %c0_i32 : i32, i32
  }
  func.func @transform_4(%arg0: i32) -> (i32, i32) {
    %c0_i32 = arith.constant 0 : i32
    %c0_i32_0 = arith.constant 0 : i32
    %c0_i32_1 = arith.constant 0 : i32
    return %c0_i32, %c0_i32_0 : i32, i32
  }
  func.func @transform_5(%arg0: i32) -> (i32, i32) {
    %c0_i32 = arith.constant 0 : i32
    %c0_i32_0 = arith.constant 0 : i32
    %c0_i32_1 = arith.constant 0 : i32
    return %c0_i32, %c0_i32_0 : i32, i32
  }
  func.func @transform_6(%arg0: i32) -> (i32, i32) {
    %c0_i32 = arith.constant 0 : i32
    %c0_i32_0 = arith.constant 0 : i32
    return %arg0, %c0_i32 : i32, i32
  }
}

module attributes {stable_mosaic.version = 14 : i64} {
  func.func @_pool_body(%arg0: i32, %arg1: memref<1x400x64xf32, #tpu.memory_space<vmem>>, %arg2: memref<1x400x64xf32, #tpu.memory_space<vmem>>, %arg3: memref<400x64xf32, #tpu.memory_space<vmem>>, %arg4: memref<400x1xf32, #tpu.memory_space<vmem>>, %arg5: memref<1x64xf32, #tpu.memory_space<vmem>>, %arg6: memref<64x64xf32, #tpu.memory_space<vmem>>, %arg7: memref<1x64xf32, #tpu.memory_space<vmem>>, %arg8: memref<1x64xf32, #tpu.memory_space<vmem>>, %arg9: memref<1x64xf32, #tpu.memory_space<vmem>>) attributes {dimension_semantics = [#tpu.dimension_semantics<arbitrary>], iteration_bounds = array<i64: 25>, scalar_prefetch = 0 : i64, scratch_operands = 1 : i64, tpu.core_type = #tpu.core_type<tc>, window_params = [{transform_indices = @transform_0, window_bounds = array<i64: 1, 400, 64>}, {transform_indices = @transform_1, window_bounds = array<i64: 1, 400, 64>}, {transform_indices = @transform_2, window_bounds = array<i64: 400, 64>}, {transform_indices = @transform_3, window_bounds = array<i64: 400, 1>}, {pipeline_mode = #tpu.pipeline_mode<synchronous>, transform_indices = @transform_4, window_bounds = array<i64: 1, 64>}, {pipeline_mode = #tpu.pipeline_mode<synchronous>, transform_indices = @transform_5, window_bounds = array<i64: 64, 64>}, {pipeline_mode = #tpu.pipeline_mode<synchronous>, transform_indices = @transform_6, window_bounds = array<i64: 1, 64>}, {pipeline_mode = #tpu.pipeline_mode<synchronous>, transform_indices = @transform_7, window_bounds = array<i64: 1, 64>}]} {
    %get3A = arith.constant 0 : index
    %get3A_0 = arith.constant 0 : index
    %get3A_1 = arith.constant 0 : index
    %get3A_2 = vector.load %arg1[%get3A, %get3A_0, %get3A_1] : memref<1x400x64xf32, #tpu.memory_space<vmem>>, vector<1x400x64xf32>
    %get3A_3 = vector.shape_cast %get3A_2 : vector<1x400x64xf32> to vector<400x64xf32>
    %get3A_4 = arith.constant 0 : index
    %get3A_5 = arith.constant 0 : index
    %get3A_6 = arith.constant 0 : index
    %get3A_7 = vector.load %arg2[%get3A_4, %get3A_5, %get3A_6] : memref<1x400x64xf32, #tpu.memory_space<vmem>>, vector<1x400x64xf32>
    %get3A_8 = vector.shape_cast %get3A_7 : vector<1x400x64xf32> to vector<400x64xf32>
    %add3A = arith.addf %get3A_3, %get3A_8 : vector<400x64xf32>
    %get3A_9 = arith.constant 0 : index
    %get3A_10 = arith.constant 0 : index
    %get3A_11 = vector.load %arg3[%get3A_9, %get3A_10] : memref<400x64xf32, #tpu.memory_space<vmem>>, vector<400x64xf32>
    %add3A_12 = arith.addf %add3A, %get3A_11 : vector<400x64xf32>
    %get3A_13 = arith.constant 0 : index
    %get3A_14 = arith.constant 0 : index
    %get3A_15 = vector.load %arg4[%get3A_13, %get3A_14] : memref<400x1xf32, #tpu.memory_space<vmem>>, vector<400x1xf32>
    %mul3A = vector.broadcast %get3A_15 : vector<400x1xf32> to vector<400x64xf32>
    %mul3A_16 = arith.mulf %add3A_12, %mul3A : vector<400x64xf32>
    %get3A_17 = arith.constant 0 : index
    %get3A_18 = arith.constant 0 : index
    %get3A_19 = vector.load %arg5[%get3A_17, %get3A_18] : memref<1x64xf32, #tpu.memory_space<vmem>>, vector<1x64xf32>
    %add3A_20 = vector.broadcast %get3A_19 : vector<1x64xf32> to vector<400x64xf32>
    %add3A_21 = arith.addf %mul3A_16, %add3A_20 : vector<400x64xf32>
    %max3A = arith.constant 0.000000e+00 : f32
    %max3A_22 = vector.broadcast %max3A : f32 to vector<400x64xf32>
    %max3A_23 = arith.maximumf %add3A_21, %max3A_22 : vector<400x64xf32>
    %reduce_sum3A = arith.constant dense<0.000000e+00> : vector<64xf32>
    %reduce_sum3A_24 = vector.multi_reduction <add>, %max3A_23, %reduce_sum3A [0] : vector<400x64xf32> to vector<64xf32>
    %broadcast_in_dim3A = vector.shape_cast %reduce_sum3A_24 : vector<64xf32> to vector<1x64xf32>
    %eq3A = arith.constant 0 : i32
    %eq3A_25 = arith.cmpi eq, %arg0, %eq3A : i32
    %convert_element_type3A = arith.extui %eq3A_25 : i1 to i32
    %cond3A = arith.constant 0 : i32
    %cond3A_26 = arith.cmpi ne, %convert_element_type3A, %cond3A : i32
    scf.if %cond3A_26 {
      %swap3A = arith.constant 0 : index
      %swap3A_36 = arith.constant 0 : index
      %swap3A_37 = vector.load %arg9[%swap3A, %swap3A_36] : memref<1x64xf32, #tpu.memory_space<vmem>>, vector<1x64xf32>
      tpu.vector_store %arg9[%swap3A, %swap3A_36], %broadcast_in_dim3A {strides = array<i32>} : memref<1x64xf32, #tpu.memory_space<vmem>>, vector<1x64xf32>,
    } else {
    }
    %gt3A = arith.constant 0 : i32
    %gt3A_27 = arith.cmpi sgt, %arg0, %gt3A : i32
    %convert_element_type3A_28 = arith.extui %gt3A_27 : i1 to i32
    %cond3A_29 = arith.constant 0 : i32
    %cond3A_30 = arith.cmpi ne, %convert_element_type3A_28, %cond3A_29 : i32
    scf.if %cond3A_30 {
      %get3A_36 = arith.constant 0 : index
      %get3A_37 = arith.constant 0 : index
      %get3A_38 = vector.load %arg9[%get3A_36, %get3A_37] : memref<1x64xf32, #tpu.memory_space<vmem>>, vector<1x64xf32>
      %add3A_39 = arith.addf %get3A_38, %broadcast_in_dim3A : vector<1x64xf32>
      %swap3A = arith.constant 0 : index
      %swap3A_40 = arith.constant 0 : index
      %swap3A_41 = vector.load %arg9[%swap3A, %swap3A_40] : memref<1x64xf32, #tpu.memory_space<vmem>>, vector<1x64xf32>
      tpu.vector_store %arg9[%swap3A, %swap3A_40], %add3A_39 {strides = array<i32>} : memref<1x64xf32, #tpu.memory_space<vmem>>, vector<1x64xf32>,
    } else {
    }
    %eq3A_31 = arith.constant 24 : i32
    %eq3A_32 = arith.cmpi eq, %arg0, %eq3A_31 : i32
    %convert_element_type3A_33 = arith.extui %eq3A_32 : i1 to i32
    %cond3A_34 = arith.constant 0 : i32
    %cond3A_35 = arith.cmpi ne, %convert_element_type3A_33, %cond3A_34 : i32
    scf.if %cond3A_35 {
      %get3A_36 = arith.constant 0 : index
      %get3A_37 = arith.constant 0 : index
      %get3A_38 = vector.load %arg9[%get3A_36, %get3A_37] : memref<1x64xf32, #tpu.memory_space<vmem>>, vector<1x64xf32>
      %mul3A_39 = arith.constant 9.99999974E-5 : f32
      %mul3A_40 = vector.broadcast %mul3A_39 : f32 to vector<1x64xf32>
      %mul3A_41 = arith.mulf %get3A_38, %mul3A_40 : vector<1x64xf32>
      %get3A_42 = arith.constant 0 : index
      %get3A_43 = arith.constant 0 : index
      %get3A_44 = vector.load %arg6[%get3A_42, %get3A_43] : memref<64x64xf32, #tpu.memory_space<vmem>>, vector<64x64xf32>
      %dot_general3A = arith.constant dense<0.000000e+00> : vector<1x64xf32>
      %dot_general3A_45 = tpu.matmul %mul3A_41, %get3A_44, %dot_general3A {dimension_numbers = #tpu.dot_dimension_numbers<[1], [0], [0], [1], [0, 0, 1, 1], [], []>, precision = #tpu.contract_precision<fp32>, transpose_lhs_hint = false} : vector<1x64xf32>, vector<64x64xf32>, vector<1x64xf32> -> vector<1x64xf32>
      %get3A_46 = arith.constant 0 : index
      %get3A_47 = arith.constant 0 : index
      %get3A_48 = vector.load %arg7[%get3A_46, %get3A_47] : memref<1x64xf32, #tpu.memory_space<vmem>>, vector<1x64xf32>
      %add3A_49 = arith.addf %dot_general3A_45, %get3A_48 : vector<1x64xf32>
      %swap3A = arith.constant 0 : index
      %swap3A_50 = arith.constant 0 : index
      %swap3A_51 = vector.load %arg8[%swap3A, %swap3A_50] : memref<1x64xf32, #tpu.memory_space<vmem>>, vector<1x64xf32>
      tpu.vector_store %arg8[%swap3A, %swap3A_50], %add3A_49 {strides = array<i32>} : memref<1x64xf32, #tpu.memory_space<vmem>>, vector<1x64xf32>,
    } else {
    }
    return
  }
  func.func @transform_0(%arg0: i32) -> (i32, i32, i32) {
    %c0_i32 = arith.constant 0 : i32
    %c0_i32_0 = arith.constant 0 : i32
    %c0_i32_1 = arith.constant 0 : i32
    return %c0_i32, %arg0, %c0_i32_0 : i32, i32, i32
  }
  func.func @transform_1(%arg0: i32) -> (i32, i32, i32) {
    %c1_i32 = arith.constant 1 : i32
    %c0_i32 = arith.constant 0 : i32
    %c0_i32_0 = arith.constant 0 : i32
    return %c1_i32, %arg0, %c0_i32 : i32, i32, i32
  }
  func.func @transform_2(%arg0: i32) -> (i32, i32) {
    %c0_i32 = arith.constant 0 : i32
    %c0_i32_0 = arith.constant 0 : i32
    return %arg0, %c0_i32 : i32, i32
  }
  func.func @transform_3(%arg0: i32) -> (i32, i32) {
    %c0_i32 = arith.constant 0 : i32
    %c0_i32_0 = arith.constant 0 : i32
    return %arg0, %c0_i32 : i32, i32
  }
  func.func @transform_4(%arg0: i32) -> (i32, i32) {
    %c0_i32 = arith.constant 0 : i32
    %c0_i32_0 = arith.constant 0 : i32
    %c0_i32_1 = arith.constant 0 : i32
    return %c0_i32, %c0_i32_0 : i32, i32
  }
  func.func @transform_5(%arg0: i32) -> (i32, i32) {
    %c0_i32 = arith.constant 0 : i32
    %c0_i32_0 = arith.constant 0 : i32
    %c0_i32_1 = arith.constant 0 : i32
    return %c0_i32, %c0_i32_0 : i32, i32
  }
  func.func @transform_6(%arg0: i32) -> (i32, i32) {
    %c0_i32 = arith.constant 0 : i32
    %c0_i32_0 = arith.constant 0 : i32
    %c0_i32_1 = arith.constant 0 : i32
    return %c0_i32, %c0_i32_0 : i32, i32
  }
  func.func @transform_7(%arg0: i32) -> (i32, i32) {
    %c0_i32 = arith.constant 0 : i32
    %c0_i32_0 = arith.constant 0 : i32
    %c0_i32_1 = arith.constant 0 : i32
    return %c0_i32, %c0_i32_0 : i32, i32
  }
}

</mosaic_0001>

<sc_bundles>
// kernel: kernel.12.cloned.1.call-start
scs
__scs_entry_jumppad:
0x0: {  	(pc) =	sbr.rel $0x88, $3  }
0x1: {  	(tag) =	ssettag $0x0;
	lr =	simm.s32 $0x1  }
0x2: {  	[smem:$0x3F99] =	sst lr;
	_ =	strace $0xD0000000  }
0x3: {  	_ = 	snop  }
0x4: {  	_ = 	snop  }
0x5: {  	_ = 	snop  }
0x6: {  	_ = 	snop  }
0x7: {  	_ = 	snop  }
__scs_overlays_trampoline_lowered:
0x8: {  	[smem:$0x3FA8] =	sst s0  }
0x9: {  	[smem:$0x3FA9] =	sst s1  }
0xa: {  	[smem:$0x3FAA] =	sst s2  }
0xb: {  	[smem:$0x3FAB] =	sst s3  }
0xc: {  	[smem:$0x3FAC] =	sst s4  }
0xd: {  	[smem:$0x3FAD] =	sst s5  }
0xe: {  	[smem:$0x3FAE] =	sst s6  }
0xf: {  	[smem:$0x3FAF] =	sst s7  }
0x10: {  	[smem:$0x3FB0] =	sst s8  }
0x11: {  	[smem:$0x3FB1] =	sst s9;
	s0 =	simm.s32 @!p0 $0x0  }
0x12: {  	s1 =	sld [smem:$0x3F97];
	s0 =	simm.s32 @p0 $0x1  }
0x13: {  	[smem:$0x3FB2] =	sst s0;
	s0 =	simm.s32 @!p1 $0x0  }
0x14: {  	s2 =	sld [smem:$0x3F96];
	s0 =	simm.s32 @p1 $0x1  }
0x15: {  	[smem:$0x3FB3] =	sst s0;
	s0 =	simm.s32 @!p2 $0x0  }
0x16: {  	s3 =	sld [smem:$0x3FDB];
	s0 =	simm.s32 @p2 $0x1  }
0x17: {  	s4 =	simm.s32 $0x1BF5;
	[smem:$0x3FB5] =	sst s0  }
0x18: {  	s0 =	sld [smem:$0x3F98];
	_ =	swait.ge [sflag:s4], $0x0  }
0x19: {  	s7 =	sld [smem:$0x3F99]  }
0x1a: {  	s8 =	sadd.s32 $0xFFFFE003, lr  }
0x1b: {  	s9 =	sadd.s32 $0xFFFFFEF7, lr;
	s5 =	simm.s32 $0xFFFFFFFF;
	p2 =	slt.u32 s8, $0xFFFFF086  }
0x1c: {  	p1 =	slt.u32 s9, $0xF7A;
	s5 =	simm.s32 @!p2 $0x0  }
0x1d: {  	s5 =	simm.s32 @p1 $0x1;
	p0 =	seq.s32 s7, s2  }
0x1e: {  	s7 =	smul.u32 @!p0 $0xF7A, s2;
	p2 =	seq.s32 @!p0 s5, $0x0  }
0x1f: {  	s9 =	smul.u32 $0xF7A, s1;
	s8 =	simm.s32 @!p0 $0x1BF5;
	p2 =	por !p2, p0  }
0x20: {  	[sflag:s8] =	ssyncset.s32 @!p0 $0xFFFFF086;
	s6 =	sadd.s32 @!p0 s3, s7;
	s7 =	simm.s32 @!p0 $0x108  }
0x21: {  	s3 =	sadd.s32 s3, s9;
	s6 =	sadd.s32 @!p0 $0x88, s6;
	s7 =	simm.s32 @p2 $0x1082  }
0x22: {  	[simem:s7], [sflag:s8] =	dma.local @!p0 [hbm:s6], $0xF7A  }
0x23: {  	s9 =	sor.u32 $0xD0000000, s2;
	s6 =	simm.s32 $0x108;
	_ =	swait.ge @!p0 [sflag:s8], $0x0  }
0x24: {  	s3 =	sadd.s32 $0x88, s3;
	s6 =	simm.s32 @!p1 $0x1082;
	[sflag:s4] =	ssyncset.s32 $0xFFFFF086  }
0x25: {  	[simem:s6], [sflag:s4] =	dma.local [hbm:s3], $0xF7A  }
0x26: {  	[smem:$0x3F99] =	sst s1;
	(tag) =	ssettag s2;
	_ =	strace s9  }
0x27: {  	s1 =	sld [smem:$0x3FA9]  }
0x28: {  	s2 =	sld [smem:$0x3FAA]  }
0x29: {  	s4 =	sld [smem:$0x3FAC]  }
0x2a: {  	p0 =	seq.s32 s5, $0x0;
	s5 =	sld [smem:$0x3FAD]  }
0x2b: {  	s6 =	sld [smem:$0x3FAE]  }
0x2c: {  	s7 =	sld [smem:$0x3FAF]  }
0x2d: {  	s3 =	simm.s32 $0x108;
	s8 =	sld [smem:$0x3FB0]  }
0x2e: {  	s3 =	simm.s32 @!p0 $0x1082;
	s9 =	sld [smem:$0x3FB1]  }
0x2f: {  	lr =	sadd.s32 s0, s3;
	s0 =	sld [smem:$0x3FA8]  }
0x30: {  	s3 =	sld [smem:$0x3FAB]  }
0x31: {  	[smem:$0x3FB4] =	sst s10  }
0x32: {  	s10 =	sld [smem:$0x3FB2];
	_ =	sdelay $0x3  }
0x33: {  	p0 =	seq.s32 s10, $0x1;
	s10 =	sld [smem:$0x3FB4];
	_ =	sdelay $0x3  }
0x34: {  	[smem:$0x3FB4] =	sst s10  }
0x35: {  	s10 =	sld [smem:$0x3FB3];
	_ =	sdelay $0x3  }
0x36: {  	p1 =	seq.s32 s10, $0x1;
	s10 =	sld [smem:$0x3FB4];
	_ =	sdelay $0x3  }
0x37: {  	[smem:$0x3FB4] =	sst s10  }
0x38: {  	s10 =	sld [smem:$0x3FB5]  }
0x39: {  	_ = 	snop;
	(pc) =	sbr.ind lr, $3  }
0x3a: {  	_ = 	snop  }
0x3b: {  	_ = 	snop  }
0x3c: {  	p2 =	seq.s32 s10, $0x1;
	s10 =	sld [smem:$0x3FB4]  }
0x3d: {  	_ =	shalt  }
0x3e: {  	_ =	shalt  }
0x3f: {  	_ =	shalt  }
0x40: {  	_ =	shalt  }
0x41: {  	_ =	shalt  }
0x42: {  	_ =	shalt  }
0x43: {  	_ =	shalt  }
0x44: {  	_ =	shalt  }
0x45: {  	_ =	shalt  }
0x46: {  	_ =	shalt  }
0x47: {  	_ =	shalt  }
0x48: {  	_ =	shalt  }
0x49: {  	_ =	shalt  }
0x4a: {  	_ =	shalt  }
0x4b: {  	_ =	shalt  }
0x4c: {  	_ =	shalt  }
0x4d: {  	_ =	shalt  }
0x4e: {  	_ =	shalt  }
0x4f: {  	_ =	shalt  }
0x50: {  	_ =	shalt  }
0x51: {  	_ =	shalt  }
0x52: {  	_ =	shalt  }
0x53: {  	_ =	shalt  }
0x54: {  	_ =	shalt  }
0x55: {  	_ =	shalt  }
0x56: {  	_ =	shalt  }
0x57: {  	_ =	shalt  }
0x58: {  	_ =	shalt  }
0x59: {  	_ =	shalt  }
0x5a: {  	_ =	shalt  }
0x5b: {  	_ =	shalt  }
0x5c: {  	_ =	shalt  }
0x5d: {  	_ =	shalt  }
0x5e: {  	_ =	shalt  }
0x5f: {  	_ =	shalt  }
0x60: {  	_ =	shalt  }
0x61: {  	_ =	shalt  }
0x62: {  	_ =	shalt  }
0x63: {  	_ =	shalt  }
0x64: {  	_ =	shalt  }
0x65: {  	_ =	shalt  }
0x66: {  	_ =	shalt  }
0x67: {  	_ =	shalt  }
0x68: {  	_ =	shalt  }
0x69: {  	_ =	shalt  }
0x6a: {  	_ =	shalt  }
0x6b: {  	_ =	shalt  }
0x6c: {  	_ =	shalt  }
0x6d: {  	_ =	shalt  }
0x6e: {  	_ =	shalt  }
0x6f: {  	_ =	shalt  }
0x70: {  	_ =	shalt  }
0x71: {  	_ =	shalt  }
0x72: {  	_ =	shalt  }
0x73: {  	_ =	shalt  }
0x74: {  	_ =	shalt  }
0x75: {  	_ =	shalt  }
0x76: {  	_ =	shalt  }
0x77: {  	_ =	shalt  }
0x78: {  	_ =	shalt  }
0x79: {  	_ =	shalt  }
0x7a: {  	_ =	shalt  }
0x7b: {  	_ =	shalt  }
0x7c: {  	_ =	shalt  }
0x7d: {  	_ =	shalt  }
0x7e: {  	_ =	shalt  }
0x7f: {  	_ =	shalt  }
0x80: {  	_ =	shalt  }
0x81: {  	_ =	shalt  }
0x82: {  	_ =	shalt  }
0x83: {  	_ =	shalt  }
0x84: {  	_ =	shalt  }
0x85: {  	_ =	shalt  }
0x86: {  	_ =	shalt  }
0x87: {  	_ =	shalt  }
.Lfunc_end0:
.L_simem_size_0:
called_computation.1_lowered:
.L_overlay_start_0:
0x88: {  	s2 =	sld [smem:$0x3FD9]  }
0x89: {  	s3 =	sld [smem:$0x3FFE];
	_ =	sdelay $0x1  }
0x8a: {  	s1 =	srdreg.scid  }
0x8b: {  	s0 =	sand.u32 $0x1, s1  }
0x8c: {  	s16 =	sshll.u32 s0, $0xA;
	s2 =	sadd.s32 s3, s2  }
0x8d: {  	s2 =	sadd.s32 s2, s16  }
0x8e: {  	[smem:$0x3FC0] =	sst s2  }
0x8f: {  	_ = 	snop  }
0x90: {  	(tm) =	ssettm $0x1  }
0x91: {  	s17 =	sld [smem:$0x3FFB];
	_ =	sdelay $0x3  }
0x92: {  	_ =	strace s17  }
0x93: {  	s2 =	sld [smem:$0x3FFC];
	_ =	sdelay $0x3  }
0x94: {  	_ =	strace s2  }
0x95: {  	s2 =	sld [smem:$0x3FFD];
	_ =	sdelay $0x3  }
0x96: {  	_ =	strace s2  }
0x97: {  	_ =	strace $0x8FFFFFFF  }
0x98: {  	s18 =	sld [smem:$0x3FDB];
	_ =	sdelay $0x1  }
0x99: {  	s19 =	simm.s32 $_scs_section_size  }
0x9a: {  	s4 =	simm.s32 $_size__tile_overlayer_lowered;
	s5 =	simm.s32 $_tile_overlayer_lowered  }
0x9b: {  	s22 =	simm.s32 $0x1BFF;
	s21 =	sshll.u32 s5, $0x1;
	s2 =	sadd.s32 s19, s18  }
0x9c: {  	s6 =	simm.s32 $0x0;
	s20 =	sshll.u32 s4, $0x1;
	s4 =	sadd.s32 s21, s2  }
0x9d: {  	[timem:s6], [sflag:s22] =	dma.local [hbm:s4], s20  }
0x9e: {  	_ =	swait.ge [sflag:s22], s20  }
0x9f: {  	s3 =	ssub.s32 $0x0, s20;
	[sflag:s22] =	ssyncset.done $0x0  }
0xa0: {  	[sflag:s22] =	ssyncadd.s32 s3;
	_ =	sdelay $0x1  }
0xa1: {  	s23 =	simm.s32 $0x1B8B  }
0xa2: {  	_ =	swait.ge [sflag:s23], $0x1  }
0xa3: {  	[sflag:s23] =	ssyncset.done $0x0  }
0xa4: {  	s25 =	simm.s32 $0x1B8E;
	s24 =	sld [smem:$0x3FFE];
	[sflag:s23] =	ssyncadd.s32 $0xFFFFFFFF  }
0xa5: {  	s26 =	simm.s32 $execute0_lowered;
	[smem:$0x3FD2] =	sst s25  }
0xa6: {  	s4 =	sshll.u32 s26, $0x1;
	_ =	strace $0x80000049;
	[dreg:$0x1] =	wrdreg $0xFFFFFFFF  }
0xa7: {  	s28 =	simm.s32 $_size_execute0_lowered;
	s2 =	sadd.s32 s2, s4;
	[dreg:$0x0] =	wrdreg $0x0  }
0xa8: {  	s4 =	sshll.u32 s28, $0x1;
	[dreg:$0x2] =	wrdreg s2  }
0xa9: {  	[dreg:$0x3] =	wrdreg s4  }
0xaa: {  	[dreg:$0x4] =	wrdreg $0xC0  }
0xab: {  	_ =	task [dreg:s6], $0x5FFFF  }
0xac: {  	[dreg:$0x1] =	wrdreg $0xFFFFFFFF  }
0xad: {  	[dreg:$0x0] =	wrdreg $0x60  }
0xae: {  	[dreg:$0x2] =	wrdreg s24  }
0xaf: {  	[dreg:$0x3] =	wrdreg $0x150000  }
0xb0: {  	[dreg:$0x4] =	wrdreg $0x9  }
0xb1: {  	_ =	task.clear_ibuf [dreg:s6], $0x5FFFF;
	_ =	strace $0x90000049  }
0xb2: {  	s29 =	simm.s32 $0x9;
	_ =	strace $0x8000004B  }
0xb3: {  	_ =	swait.ge [sflag:s29], $0x1  }
0xb4: {  	[sflag:s29] =	ssyncadd.s32 $0xFFFFFFFF  }
0xb5: {  	_ =	strace $0x9000004B  }
0xb6: {  	_ =	sfence  }
0xb7: {  	s30 =	sld [smem:$0x0];
	_ =	sdelay $0x2  }
0xb8: {  	s31 =	sshll.u32 s1, $0xD;
	s1 =	sshrl.u32 s1, $0x2  }
0xb9: {  	s3 =	sand.u32 $0x4000, s31;
	s1 =	sadd.s32 s1, s30  }
0xba: {  	s0 =	sor.u32 s3, s0;
	s1 =	sshll.u32 s1, $0x11  }
0xbb: {  	s0 =	sor.u32 s1, s0  }
0xbc: {  	s0 =	sadd.s32 $0x8F2B, s0  }
0xbd: {  	[sflag:s0] =	ssyncadd.remote.s32 $0x1  }
0xbe: {  	_ =	sfence.sel $0xFFFF  }
0xbf: {  	[dreg:$0x0] =	wrdreg $0xFFFFFFFF;
	(pc) =	sbr.abs _section_cstart, $3  }
0xc0: {  	[dreg:$0x1] =	wrdreg $0xFFFFFFFF  }
0xc1: {  	_ =	task.clear_ibuf [dreg:s6], $0x2FFFF;
	_ =	strace $0x9FFFFFFF  }
0xc2: {  	(tm) =	ssettm $0x7FFFFFFF  }
0xc3: {  	_ =	shalt  }
tec
execute0_lowered:
.L_overlay_start_1:
0x0: {  	(tag) =	ssettag $0x1  }
0x1: {  	s0 =	srdreg.scid;
	s1 =	rddreg [dreg:$0x0]  }
0x2: {  	s8 =	stileid.u32;
	s2 =	rddreg [dreg:$0x1];
	s6 =	simm.s32 $0x0  }
0x3: {  	s12 =	simm.s32 $0x9;
	s14 =	simm.s32 $0x80;
	s15 =	simm.s32 $0x5000  }
0x4: {  	s16 =	simm.s32 $0x7000;
	s17 =	simm.s32 $0x9000;
	s18 =	simm.s32 $0xB000  }
0x5: {  	s19 =	simm.s32 $0xD000;
	s20 =	simm.s32 $0xF000;
	s21 =	simm.s32 $0x11000  }
0x6: {  	s22 =	simm.s32 $0x13000;
	s23 =	simm.s32 $0x1;
	s28 =	simm.s32 $0x5  }
0x7: {  	s29 =	simm.s32 $0x6;
	s30 =	simm.s32 $0x7;
	s4 =	smul.u32 $0x2800, s8  }
0x8: {  	s31 =	simm.s32 $0x8;
	s0 =	sand.u32 $0x1, s0;
	s5 =	smul.u32 $0xA000, s8  }
0x9: {  	[smem:$0x7FF] =	sst s6;
	s26 =	sshll.u32 s8, $0x6;
	s3 =	smul.u32 $0x28000, s0  }
0xa: {  	s24 =	smul.u32 $0xA0000, s0;
	_ =	strace $0x8000004A;
	s0 =	ssub.s32 $0x2, s0  }
0xb: {  	s7 =	sshrl.u32 s5, $0x3;
	s25 =	sshrl.u32 s0, $0x1;
	s3 =	sadd.s32 s4, s3  }
0xc: {  	s4 =	sadd.s32 $0x24C00, s1;
	s6 =	sadd.s32 s5, s24;
	s7 =	sadd.s32 s7, s1  }
0xd: {  	s0 =	ssub.s32 s0, s25;
	s5 =	sadd.s32 s5, s2;
	s24 =	simm.s32 $0x2  }
0xe: {  	s25 =	simm.s32 $0x3;
	s3 =	sshrl.u32 s3, $0x3;
	s6 =	sshrl.u32 s6, $0x3  }
0xf: {  	s7 =	sadd.s32 $0x38600, s7;
	s10 =	smax.u32 s0, $0x1;
	s11 =	sshrl.u32 s5, $0x3  }
0x10: {  	s3 =	sadd.s32 s3, s1;
	s1 =	sadd.s32 s6, s1;
	[dreg:$0x3] =	wrdreg s7  }
0x11: {  	s6 =	sor.u32 $0x1C09, s26;
	s26 =	simm.s32 $0x4;
	s7 =	sadd.s32 $0x1AC00, s3  }
0x12: {  	s8 =	sadd.s32 $0x1A00, s3;
	s9 =	sadd.s32 $0x4C600, s1;
	s1 =	simm.s32 $0x0  }
.LBB2_1:
0x13: {  	s0 =	rddreg [dreg:$0x3]  }
0x14: {  	[spmem:s11], [sflag:s6] =	dma.local [hbm:s0], $0x1400  }
0x15: {  	_ =	swait.ge [sflag:s12], $0x1400  }
0x16: {  	[sflag:s12] =	ssyncset.done $0x0  }
0x17: {  	s5 =	simm.s32 $0x0;
	[sflag:s12] =	ssyncadd.s32 $0xFFFFEC00  }
0x18: {  	[tilespmem:s5], [sflag:$0x9] =	stream.linear.gather [hbm4b:s7+s5], $0x2800, $0x38;
	[tilespmem:$0x1F000] =	vst v63  }
0x19: {  	_ =	swait.ge [sflag:s12], $0x2800  }
0x1a: {  	[sflag:s12] =	ssyncset.done $0x0  }
0x1b: {  	s3 =	simm.s32 $0x2800;
	[sflag:s12] =	ssyncadd.s32 $0xFFFFD800  }
0x1c: {  	[tilespmem:s3], [sflag:$0x9] =	stream.linear.gather [hbm4b:s8+s5], $0x2800, $0x38;
	[tilespmem:$0x1F000] =	vst v63  }
0x1d: {  	_ =	swait.ge [sflag:s12], $0x2800  }
0x1e: {  	[sflag:s12] =	ssyncset.done $0x0  }
0x1f: {  	[sflag:s12] =	ssyncadd.s32 $0xFFFFD800  }
0x20: {  	s13 =	simm.s32 $0x0;
	[bflag:$0x0] =	sbarrier.arrive $0xFFFF  }
0x21: {  	[tilespmem:s15], [sflag:$0x1] =	stream.indirect.gather [hbm4b:s4+s14], $0x40, s13, s14, $0xb8;
	[tilespmem:$0x1F000] =	vst v63  }
0x22: {  	s3 =	simm.s32 $0x80  }
0x23: {  	[tilespmem:s16], [sflag:$0x2] =	stream.indirect.gather [hbm4b:s4+s14], $0x40, s3, s14, $0xb8;
	[tilespmem:$0x1F000] =	vst v63  }
0x24: {  	s5 =	simm.s32 $0x100  }
0x25: {  	[tilespmem:s17], [sflag:$0x3] =	stream.indirect.gather [hbm4b:s4+s14], $0x40, s5, s14, $0xb8;
	[tilespmem:$0x1F000] =	vst v63  }
0x26: {  	s13 =	simm.s32 $0x180  }
0x27: {  	[tilespmem:s18], [sflag:$0x4] =	stream.indirect.gather [hbm4b:s4+s14], $0x40, s13, s14, $0xb8;
	[tilespmem:$0x1F000] =	vst v63  }
0x28: {  	s3 =	simm.s32 $0x200  }
0x29: {  	[tilespmem:s19], [sflag:$0x5] =	stream.indirect.gather [hbm4b:s4+s14], $0x40, s3, s14, $0xb8;
	[tilespmem:$0x1F000] =	vst v63  }
0x2a: {  	s5 =	simm.s32 $0x280  }
0x2b: {  	[tilespmem:s20], [sflag:$0x6] =	stream.indirect.gather [hbm4b:s4+s14], $0x40, s5, s14, $0xb8;
	[tilespmem:$0x1F000] =	vst v63  }
0x2c: {  	s13 =	simm.s32 $0x300  }
0x2d: {  	[tilespmem:s21], [sflag:$0x7] =	stream.indirect.gather [hbm4b:s4+s14], $0x40, s13, s14, $0xb8;
	[tilespmem:$0x1F000] =	vst v63  }
0x2e: {  	s3 =	simm.s32 $0x380  }
0x2f: {  	[tilespmem:s22], [sflag:$0x8] =	stream.indirect.gather [hbm4b:s4+s14], $0x40, s3, s14, $0xb8;
	[tilespmem:$0x1F000] =	vst v63  }
0x30: {  	_ =	swait.ge [sflag:s23], $0x2000  }
0x31: {  	[sflag:s23] =	ssyncset.done $0x0  }
0x32: {  	s5 =	simm.s32 $0x2800;
	[sflag:s23] =	ssyncadd.s32 $0xFFFFE000  }
0x33: {  	[spmem:s2] =	stream.indirect.scatter.add.f32 [tilespmem:s15], [sflag:$0x9], $0x40, s5, s14, $0xb8;
	[tilespmem:$0x1F000] =	vst v63  }
0x34: {  	_ =	swait.ge [sflag:s12], $0x2000  }
0x35: {  	[sflag:s12] =	ssyncset.done $0x0  }
0x36: {  	[sflag:s12] =	ssyncadd.s32 $0xFFFFE000  }
0x37: {  	_ =	swait.ge [sflag:s24], $0x2000  }
0x38: {  	[sflag:s24] =	ssyncset.done $0x0  }
0x39: {  	s13 =	simm.s32 $0x2880;
	[sflag:s24] =	ssyncadd.s32 $0xFFFFE000  }
0x3a: {  	[spmem:s2] =	stream.indirect.scatter.add.f32 [tilespmem:s16], [sflag:$0x9], $0x40, s13, s14, $0xb8;
	[tilespmem:$0x1F000] =	vst v63  }
0x3b: {  	_ =	swait.ge [sflag:s12], $0x2000  }
0x3c: {  	[sflag:s12] =	ssyncset.done $0x0  }
0x3d: {  	[sflag:s12] =	ssyncadd.s32 $0xFFFFE000  }
0x3e: {  	_ =	swait.ge [sflag:s25], $0x2000  }
0x3f: {  	[sflag:s25] =	ssyncset.done $0x0  }
0x40: {  	s3 =	simm.s32 $0x2900;
	[sflag:s25] =	ssyncadd.s32 $0xFFFFE000  }
0x41: {  	[spmem:s2] =	stream.indirect.scatter.add.f32 [tilespmem:s17], [sflag:$0x9], $0x40, s3, s14, $0xb8;
	[tilespmem:$0x1F000] =	vst v63  }
0x42: {  	_ =	swait.ge [sflag:s12], $0x2000  }
0x43: {  	[sflag:s12] =	ssyncset.done $0x0  }
0x44: {  	[sflag:s12] =	ssyncadd.s32 $0xFFFFE000  }
0x45: {  	_ =	swait.ge [sflag:s26], $0x2000  }
0x46: {  	[sflag:s26] =	ssyncset.done $0x0  }
0x47: {  	s5 =	simm.s32 $0x2980;
	[sflag:s26] =	ssyncadd.s32 $0xFFFFE000  }
0x48: {  	[spmem:s2] =	stream.indirect.scatter.add.f32 [tilespmem:s18], [sflag:$0x9], $0x40, s5, s14, $0xb8;
	[tilespmem:$0x1F000] =	vst v63  }
0x49: {  	_ =	swait.ge [sflag:s12], $0x2000  }
0x4a: {  	[sflag:s12] =	ssyncset.done $0x0  }
0x4b: {  	[sflag:s12] =	ssyncadd.s32 $0xFFFFE000  }
0x4c: {  	_ =	swait.ge [sflag:s28], $0x2000  }
0x4d: {  	[sflag:s28] =	ssyncset.done $0x0  }
0x4e: {  	s13 =	simm.s32 $0x2A00;
	[sflag:s28] =	ssyncadd.s32 $0xFFFFE000  }
0x4f: {  	[spmem:s2] =	stream.indirect.scatter.add.f32 [tilespmem:s19], [sflag:$0x9], $0x40, s13, s14, $0xb8;
	[tilespmem:$0x1F000] =	vst v63  }
0x50: {  	_ =	swait.ge [sflag:s12], $0x2000  }
0x51: {  	[sflag:s12] =	ssyncset.done $0x0  }
0x52: {  	[sflag:s12] =	ssyncadd.s32 $0xFFFFE000  }
0x53: {  	_ =	swait.ge [sflag:s29], $0x2000  }
0x54: {  	[sflag:s29] =	ssyncset.done $0x0  }
0x55: {  	s3 =	simm.s32 $0x2A80;
	[sflag:s29] =	ssyncadd.s32 $0xFFFFE000  }
0x56: {  	[spmem:s2] =	stream.indirect.scatter.add.f32 [tilespmem:s20], [sflag:$0x9], $0x40, s3, s14, $0xb8;
	[tilespmem:$0x1F000] =	vst v63  }
0x57: {  	_ =	swait.ge [sflag:s12], $0x2000  }
0x58: {  	[sflag:s12] =	ssyncset.done $0x0  }
0x59: {  	[sflag:s12] =	ssyncadd.s32 $0xFFFFE000  }
0x5a: {  	_ =	swait.ge [sflag:s30], $0x2000  }
0x5b: {  	[sflag:s30] =	ssyncset.done $0x0  }
0x5c: {  	s5 =	simm.s32 $0x2B00;
	[sflag:s30] =	ssyncadd.s32 $0xFFFFE000  }
0x5d: {  	[spmem:s2] =	stream.indirect.scatter.add.f32 [tilespmem:s21], [sflag:$0x9], $0x40, s5, s14, $0xb8;
	[tilespmem:$0x1F000] =	vst v63  }
0x5e: {  	_ =	swait.ge [sflag:s12], $0x2000  }
0x5f: {  	[sflag:s12] =	ssyncset.done $0x0  }
0x60: {  	[sflag:s12] =	ssyncadd.s32 $0xFFFFE000  }
0x61: {  	_ =	swait.ge [sflag:s31], $0x2000  }
0x62: {  	[sflag:s31] =	ssyncset.done $0x0  }
0x63: {  	s13 =	simm.s32 $0x2B80;
	[sflag:s31] =	ssyncadd.s32 $0xFFFFE000  }
0x64: {  	[spmem:s2] =	stream.indirect.scatter.add.f32 [tilespmem:s22], [sflag:$0x9], $0x40, s13, s14, $0xb8;
	[tilespmem:$0x1F000] =	vst v63  }
0x65: {  	_ =	swait.ge [sflag:s12], $0x2000  }
0x66: {  	s0 =	simm.s32 $0x1000;
	s13 =	simm.s32 $0x2000;
	[sflag:s12] =	ssyncset.done $0x0  }
.LBB2_2:
0x67: {  	s3 =	sshra.s32 s0, $0x2  }
0x68: {  	[sflag:s12] =	ssyncadd.s32 $0xFFFFE000;
	s0 =	smov.u32 s13;
	s5 =	sadd.s32 $0x1000, s13  }
0x69: {  	[tilespmem:s15], [sflag:$0x1] =	stream.indirect.gather [hbm4b:s4+s14], $0x40, s3, s14, $0xb8;
	[tilespmem:$0x1F000] =	vst v63  }
0x6a: {  	p0 =	sne.s32 s13, $0x9000;
	s13 =	sadd.s32 $0x80, s3  }
0x6b: {  	[tilespmem:s16], [sflag:$0x2] =	stream.indirect.gather [hbm4b:s4+s14], $0x40, s13, s14, $0xb8;
	[tilespmem:$0x1F000] =	vst v63  }
0x6c: {  	s13 =	sadd.s32 $0x100, s3  }
0x6d: {  	[tilespmem:s17], [sflag:$0x3] =	stream.indirect.gather [hbm4b:s4+s14], $0x40, s13, s14, $0xb8;
	[tilespmem:$0x1F000] =	vst v63  }
0x6e: {  	s13 =	sadd.s32 $0x180, s3  }
0x6f: {  	[tilespmem:s18], [sflag:$0x4] =	stream.indirect.gather [hbm4b:s4+s14], $0x40, s13, s14, $0xb8;
	[tilespmem:$0x1F000] =	vst v63  }
0x70: {  	s13 =	sadd.s32 $0x200, s3  }
0x71: {  	[tilespmem:s19], [sflag:$0x5] =	stream.indirect.gather [hbm4b:s4+s14], $0x40, s13, s14, $0xb8;
	[tilespmem:$0x1F000] =	vst v63  }
0x72: {  	s13 =	sadd.s32 $0x280, s3  }
0x73: {  	[tilespmem:s20], [sflag:$0x6] =	stream.indirect.gather [hbm4b:s4+s14], $0x40, s13, s14, $0xb8;
	[tilespmem:$0x1F000] =	vst v63  }
0x74: {  	s13 =	sadd.s32 $0x300, s3  }
0x75: {  	[tilespmem:s21], [sflag:$0x7] =	stream.indirect.gather [hbm4b:s4+s14], $0x40, s13, s14, $0xb8;
	[tilespmem:$0x1F000] =	vst v63  }
0x76: {  	s13 =	sadd.s32 $0x380, s3  }
0x77: {  	[tilespmem:s22], [sflag:$0x8] =	stream.indirect.gather [hbm4b:s4+s14], $0x40, s13, s14, $0xb8;
	[tilespmem:$0x1F000] =	vst v63  }
0x78: {  	_ =	swait.ge [sflag:s23], $0x2000  }
0x79: {  	[sflag:s23] =	ssyncset.done $0x0  }
0x7a: {  	s13 =	sadd.s32 $0x2800, s3;
	[sflag:s23] =	ssyncadd.s32 $0xFFFFE000  }
0x7b: {  	[spmem:s2] =	stream.indirect.scatter.add.f32 [tilespmem:s15], [sflag:$0x9], $0x40, s13, s14, $0xb8;
	[tilespmem:$0x1F000] =	vst v63  }
0x7c: {  	_ =	swait.ge [sflag:s12], $0x2000  }
0x7d: {  	[sflag:s12] =	ssyncset.done $0x0  }
0x7e: {  	[sflag:s12] =	ssyncadd.s32 $0xFFFFE000  }
0x7f: {  	_ =	swait.ge [sflag:s24], $0x2000  }
0x80: {  	[sflag:s24] =	ssyncset.done $0x0  }
0x81: {  	s13 =	sadd.s32 $0x2880, s3;
	[sflag:s24] =	ssyncadd.s32 $0xFFFFE000  }
0x82: {  	[spmem:s2] =	stream.indirect.scatter.add.f32 [tilespmem:s16], [sflag:$0x9], $0x40, s13, s14, $0xb8;
	[tilespmem:$0x1F000] =	vst v63  }
0x83: {  	_ =	swait.ge [sflag:s12], $0x2000  }
0x84: {  	[sflag:s12] =	ssyncset.done $0x0  }
0x85: {  	[sflag:s12] =	ssyncadd.s32 $0xFFFFE000  }
0x86: {  	_ =	swait.ge [sflag:s25], $0x2000  }
0x87: {  	[sflag:s25] =	ssyncset.done $0x0  }
0x88: {  	s13 =	sadd.s32 $0x2900, s3;
	[sflag:s25] =	ssyncadd.s32 $0xFFFFE000  }
0x89: {  	[spmem:s2] =	stream.indirect.scatter.add.f32 [tilespmem:s17], [sflag:$0x9], $0x40, s13, s14, $0xb8;
	[tilespmem:$0x1F000] =	vst v63  }
0x8a: {  	_ =	swait.ge [sflag:s12], $0x2000  }
0x8b: {  	[sflag:s12] =	ssyncset.done $0x0  }
0x8c: {  	[sflag:s12] =	ssyncadd.s32 $0xFFFFE000  }
0x8d: {  	_ =	swait.ge [sflag:s26], $0x2000  }
0x8e: {  	[sflag:s26] =	ssyncset.done $0x0  }
0x8f: {  	s13 =	sadd.s32 $0x2980, s3;
	[sflag:s26] =	ssyncadd.s32 $0xFFFFE000  }
0x90: {  	[spmem:s2] =	stream.indirect.scatter.add.f32 [tilespmem:s18], [sflag:$0x9], $0x40, s13, s14, $0xb8;
	[tilespmem:$0x1F000] =	vst v63  }
0x91: {  	_ =	swait.ge [sflag:s12], $0x2000  }
0x92: {  	[sflag:s12] =	ssyncset.done $0x0  }
0x93: {  	[sflag:s12] =	ssyncadd.s32 $0xFFFFE000  }
0x94: {  	_ =	swait.ge [sflag:s28], $0x2000  }
0x95: {  	[sflag:s28] =	ssyncset.done $0x0  }
0x96: {  	s13 =	sadd.s32 $0x2A00, s3;
	[sflag:s28] =	ssyncadd.s32 $0xFFFFE000  }
0x97: {  	[spmem:s2] =	stream.indirect.scatter.add.f32 [tilespmem:s19], [sflag:$0x9], $0x40, s13, s14, $0xb8;
	[tilespmem:$0x1F000] =	vst v63  }
0x98: {  	_ =	swait.ge [sflag:s12], $0x2000  }
0x99: {  	[sflag:s12] =	ssyncset.done $0x0  }
0x9a: {  	[sflag:s12] =	ssyncadd.s32 $0xFFFFE000  }
0x9b: {  	_ =	swait.ge [sflag:s29], $0x2000  }
0x9c: {  	[sflag:s29] =	ssyncset.done $0x0  }
0x9d: {  	s13 =	sadd.s32 $0x2A80, s3;
	[sflag:s29] =	ssyncadd.s32 $0xFFFFE000  }
0x9e: {  	[spmem:s2] =	stream.indirect.scatter.add.f32 [tilespmem:s20], [sflag:$0x9], $0x40, s13, s14, $0xb8;
	[tilespmem:$0x1F000] =	vst v63  }
0x9f: {  	_ =	swait.ge [sflag:s12], $0x2000  }
0xa0: {  	[sflag:s12] =	ssyncset.done $0x0  }
0xa1: {  	[sflag:s12] =	ssyncadd.s32 $0xFFFFE000  }
0xa2: {  	_ =	swait.ge [sflag:s30], $0x2000  }
0xa3: {  	[sflag:s30] =	ssyncset.done $0x0  }
0xa4: {  	s13 =	sadd.s32 $0x2B00, s3;
	[sflag:s30] =	ssyncadd.s32 $0xFFFFE000  }
0xa5: {  	[spmem:s2] =	stream.indirect.scatter.add.f32 [tilespmem:s21], [sflag:$0x9], $0x40, s13, s14, $0xb8;
	[tilespmem:$0x1F000] =	vst v63  }
0xa6: {  	_ =	swait.ge [sflag:s12], $0x2000  }
0xa7: {  	[sflag:s12] =	ssyncset.done $0x0  }
0xa8: {  	[sflag:s12] =	ssyncadd.s32 $0xFFFFE000  }
0xa9: {  	_ =	swait.ge [sflag:s31], $0x2000  }
.Ltmp0:
0xaa: {  	[sflag:s31] =	ssyncset.done $0x0;
	(pc) =	sbr.rel @p0 .LBB2_2-.Ltmp0, $4  }
0xab: {  	s3 =	sadd.s32 $0x2B80, s3;
	[sflag:s31] =	ssyncadd.s32 $0xFFFFE000  }
0xac: {  	[spmem:s2] =	stream.indirect.scatter.add.f32 [tilespmem:s22], [sflag:$0x9], $0x40, s3, s14, $0xb8;
	[tilespmem:$0x1F000] =	vst v63  }
0xad: {  	_ =	swait.ge [sflag:s12], $0x2000  }
0xae: {  	s13 =	smov.u32 s5;
	[sflag:s12] =	ssyncset.done $0x0  }
0xaf: {  	s0 =	sshra.s32 s0, $0x2;
	[sflag:s12] =	ssyncadd.s32 $0xFFFFE000  }
0xb0: {  	[tilespmem:s15], [sflag:$0x1] =	stream.indirect.gather [hbm4b:s4+s14], $0x40, s0, s14, $0xb8;
	[tilespmem:$0x1F000] =	vst v63  }
0xb1: {  	s3 =	sadd.s32 $0x80, s0  }
0xb2: {  	[tilespmem:s16], [sflag:$0x2] =	stream.indirect.gather [hbm4b:s4+s14], $0x40, s3, s14, $0xb8;
	[tilespmem:$0x1F000] =	vst v63  }
0xb3: {  	s13 =	sadd.s32 $0x100, s0  }
0xb4: {  	[tilespmem:s17], [sflag:$0x3] =	stream.indirect.gather [hbm4b:s4+s14], $0x40, s13, s14, $0xb8;
	[tilespmem:$0x1F000] =	vst v63  }
0xb5: {  	s5 =	sadd.s32 $0x180, s0  }
0xb6: {  	[tilespmem:s18], [sflag:$0x4] =	stream.indirect.gather [hbm4b:s4+s14], $0x40, s5, s14, $0xb8;
	[tilespmem:$0x1F000] =	vst v63  }
0xb7: {  	s13 =	sadd.s32 $0x200, s0  }
0xb8: {  	[tilespmem:s19], [sflag:$0x5] =	stream.indirect.gather [hbm4b:s4+s14], $0x40, s13, s14, $0xb8;
	[tilespmem:$0x1F000] =	vst v63  }
0xb9: {  	s5 =	sadd.s32 $0x280, s0  }
0xba: {  	[tilespmem:s20], [sflag:$0x6] =	stream.indirect.gather [hbm4b:s4+s14], $0x40, s5, s14, $0xb8;
	[tilespmem:$0x1F000] =	vst v63  }
0xbb: {  	s13 =	sadd.s32 $0x300, s0  }
0xbc: {  	[tilespmem:s21], [sflag:$0x7] =	stream.indirect.gather [hbm4b:s4+s14], $0x40, s13, s14, $0xb8;
	[tilespmem:$0x1F000] =	vst v63  }
0xbd: {  	s5 =	sadd.s32 $0x380, s0  }
0xbe: {  	[tilespmem:s22], [sflag:$0x8] =	stream.indirect.gather [hbm4b:s4+s14], $0x40, s5, s14, $0xb8;
	[tilespmem:$0x1F000] =	vst v63  }
0xbf: {  	_ =	swait.ge [sflag:s23], $0x2000  }
0xc0: {  	[sflag:s23] =	ssyncset.done $0x0  }
0xc1: {  	s13 =	sadd.s32 $0x2800, s0;
	[sflag:s23] =	ssyncadd.s32 $0xFFFFE000  }
0xc2: {  	[spmem:s2] =	stream.indirect.scatter.add.f32 [tilespmem:s15], [sflag:$0x9], $0x40, s13, s14, $0xb8;
	[tilespmem:$0x1F000] =	vst v63  }
0xc3: {  	_ =	swait.ge [sflag:s12], $0x2000  }
0xc4: {  	[sflag:s12] =	ssyncset.done $0x0  }
0xc5: {  	[sflag:s12] =	ssyncadd.s32 $0xFFFFE000  }
0xc6: {  	_ =	swait.ge [sflag:s24], $0x2000  }
0xc7: {  	[sflag:s24] =	ssyncset.done $0x0  }
0xc8: {  	s5 =	sadd.s32 $0x2880, s0;
	[sflag:s24] =	ssyncadd.s32 $0xFFFFE000  }
0xc9: {  	[spmem:s2] =	stream.indirect.scatter.add.f32 [tilespmem:s16], [sflag:$0x9], $0x40, s5, s14, $0xb8;
	[tilespmem:$0x1F000] =	vst v63  }
0xca: {  	_ =	swait.ge [sflag:s12], $0x2000  }
0xcb: {  	[sflag:s12] =	ssyncset.done $0x0  }
0xcc: {  	[sflag:s12] =	ssyncadd.s32 $0xFFFFE000  }
0xcd: {  	_ =	swait.ge [sflag:s25], $0x2000  }
0xce: {  	[sflag:s25] =	ssyncset.done $0x0  }
0xcf: {  	s13 =	sadd.s32 $0x2900, s0;
	[sflag:s25] =	ssyncadd.s32 $0xFFFFE000  }
0xd0: {  	[spmem:s2] =	stream.indirect.scatter.add.f32 [tilespmem:s17], [sflag:$0x9], $0x40, s13, s14, $0xb8;
	[tilespmem:$0x1F000] =	vst v63  }
0xd1: {  	_ =	swait.ge [sflag:s12], $0x2000  }
0xd2: {  	[sflag:s12] =	ssyncset.done $0x0  }
0xd3: {  	[sflag:s12] =	ssyncadd.s32 $0xFFFFE000  }
0xd4: {  	_ =	swait.ge [sflag:s26], $0x2000  }
0xd5: {  	[sflag:s26] =	ssyncset.done $0x0  }
0xd6: {  	s5 =	sadd.s32 $0x2980, s0;
	[sflag:s26] =	ssyncadd.s32 $0xFFFFE000  }
0xd7: {  	[spmem:s2] =	stream.indirect.scatter.add.f32 [tilespmem:s18], [sflag:$0x9], $0x40, s5, s14, $0xb8;
	[tilespmem:$0x1F000] =	vst v63  }
0xd8: {  	_ =	swait.ge [sflag:s12], $0x2000  }
0xd9: {  	[sflag:s12] =	ssyncset.done $0x0  }
0xda: {  	[sflag:s12] =	ssyncadd.s32 $0xFFFFE000  }
0xdb: {  	_ =	swait.ge [sflag:s28], $0x2000  }
0xdc: {  	[sflag:s28] =	ssyncset.done $0x0  }
0xdd: {  	s13 =	sadd.s32 $0x2A00, s0;
	[sflag:s28] =	ssyncadd.s32 $0xFFFFE000  }
0xde: {  	[spmem:s2] =	stream.indirect.scatter.add.f32 [tilespmem:s19], [sflag:$0x9], $0x40, s13, s14, $0xb8;
	[tilespmem:$0x1F000] =	vst v63  }
0xdf: {  	_ =	swait.ge [sflag:s12], $0x2000  }
0xe0: {  	[sflag:s12] =	ssyncset.done $0x0  }
0xe1: {  	[sflag:s12] =	ssyncadd.s32 $0xFFFFE000  }
0xe2: {  	_ =	swait.ge [sflag:s29], $0x2000  }
0xe3: {  	[sflag:s29] =	ssyncset.done $0x0  }
0xe4: {  	s5 =	sadd.s32 $0x2A80, s0;
	[sflag:s29] =	ssyncadd.s32 $0xFFFFE000  }
0xe5: {  	[spmem:s2] =	stream.indirect.scatter.add.f32 [tilespmem:s20], [sflag:$0x9], $0x40, s5, s14, $0xb8;
	[tilespmem:$0x1F000] =	vst v63  }
0xe6: {  	_ =	swait.ge [sflag:s12], $0x2000  }
0xe7: {  	[sflag:s12] =	ssyncset.done $0x0  }
0xe8: {  	[sflag:s12] =	ssyncadd.s32 $0xFFFFE000  }
0xe9: {  	_ =	swait.ge [sflag:s30], $0x2000  }
0xea: {  	[sflag:s30] =	ssyncset.done $0x0  }
0xeb: {  	s13 =	sadd.s32 $0x2B00, s0;
	[sflag:s30] =	ssyncadd.s32 $0xFFFFE000  }
0xec: {  	[spmem:s2] =	stream.indirect.scatter.add.f32 [tilespmem:s21], [sflag:$0x9], $0x40, s13, s14, $0xb8;
	[tilespmem:$0x1F000] =	vst v63  }
0xed: {  	_ =	swait.ge [sflag:s12], $0x2000  }
0xee: {  	[sflag:s12] =	ssyncset.done $0x0  }
0xef: {  	[sflag:s12] =	ssyncadd.s32 $0xFFFFE000  }
0xf0: {  	_ =	swait.ge [sflag:s31], $0x2000  }
0xf1: {  	[sflag:s31] =	ssyncset.done $0x0  }
0xf2: {  	s0 =	sadd.s32 $0x2B80, s0;
	[sflag:s31] =	ssyncadd.s32 $0xFFFFE000  }
0xf3: {  	[spmem:s2] =	stream.indirect.scatter.add.f32 [tilespmem:s22], [sflag:$0x9], $0x40, s0, s14, $0xb8;
	[tilespmem:$0x1F000] =	vst v63  }
0xf4: {  	_ =	swait.ge [sflag:s12], $0x2000  }
0xf5: {  	s1 =	sadd.s32 $0x1, s1;
	[sflag:s12] =	ssyncset.done $0x0  }
0xf6: {  	p0 =	sne.s32 s1, s10;
	[sflag:s12] =	ssyncadd.s32 $0xFFFFE000  }
.Ltmp1:
0xf7: {  	[bflag:$0x0] =	sbarrier.arrive $0xFFFF;
	(pc) =	sbr.rel @p0 .LBB2_1-.Ltmp1, $4  }
0xf8: {  	[hbm:s9], [sflag:s6] =	dma.local [spmem:s11], $0x1400  }
0xf9: {  	_ =	swait.ge [sflag:s12], $0x1400  }
0xfa: {  	[sflag:s12] =	ssyncset.done $0x0  }
0xfb: {  	[sflag:s12] =	ssyncadd.s32 $0xFFFFEC00  }
0xfc: {  	_ =	sfence.sel $0x180000  }
0xfd: {  	[bflag:$0x0] =	sbarrier.arrive $0xFFFF  }
0xfe: {  	_ =	strace $0x9000004A  }
0xff: {  	s0 =	stileid.u32;
	[bflag:$0x2] =	sbarrier.arrive $0xFFFF  }
0x100: {  	p0 =	sne.s32 s0, $0x0;
	s0 =	rddreg [dreg:$0x2]  }
0x101: {  	s0 =	sadd.s32 @!p0 $0x100000, s0  }
0x102: {  	[sflag:s0] =	ssyncadd.tile.s32 @!p0 $0x1;
	_ =	shalt  }
.Lfunc_end2:
_tile_overlayer_lowered:
.L_overlay_start_2:
0x103: {  	(tag) =	ssettag $0x2  }
0x104: {  	s0 =	rddreg [dreg:$0x0];
	s2 =	stileid.u32  }
0x105: {  	s1 =	rddreg [dreg:$0x1];
	p0 =	sne.s32 s2, $0x0  }
0x106: {  	s3 =	rddreg [dreg:$0x2];
	[bflag:$0x3] =	sbarrier.arrive $0xFFFF;
	s2 =	simm.s32 @!p0 $0x1C09  }
0x107: {  	[timem:s3], [sflag:s2] =	dma.local @!p0 [hbm:s0], s1  }
0x108: {  	s0 =	simm.s32 @!p0 $0x9  }
0x109: {  	_ =	swait.ge @!p0 [sflag:s0], s1  }
0x10a: {  	s1 =	ssub.s32 @!p0 $0x0, s1;
	[sflag:s0] =	ssyncset.done @!p0 $0x0  }
0x10b: {  	[sflag:s0] =	ssyncadd.s32 @!p0 s1  }
0x10c: {  	[bflag:$0x3] =	sbarrier.arrive $0xFFFF  }
0x10d: {  	_ =	shalt  }

// kernel: kernel.15.cloned.1.call-start
scs
__scs_entry_jumppad:
0x0: {  	(pc) =	sbr.rel $0x88, $3  }
0x1: {  	(tag) =	ssettag $0x0;
	lr =	simm.s32 $0x1  }
0x2: {  	[smem:$0x3F99] =	sst lr;
	_ =	strace $0xD0000000  }
0x3: {  	_ = 	snop  }
0x4: {  	_ = 	snop  }
0x5: {  	_ = 	snop  }
0x6: {  	_ = 	snop  }
0x7: {  	_ = 	snop  }
__scs_overlays_trampoline_lowered:
0x8: {  	[smem:$0x3FA8] =	sst s0  }
0x9: {  	[smem:$0x3FA9] =	sst s1  }
0xa: {  	[smem:$0x3FAA] =	sst s2  }
0xb: {  	[smem:$0x3FAB] =	sst s3  }
0xc: {  	[smem:$0x3FAC] =	sst s4  }
0xd: {  	[smem:$0x3FAD] =	sst s5  }
0xe: {  	[smem:$0x3FAE] =	sst s6  }
0xf: {  	[smem:$0x3FAF] =	sst s7  }
0x10: {  	[smem:$0x3FB0] =	sst s8  }
0x11: {  	[smem:$0x3FB1] =	sst s9;
	s0 =	simm.s32 @!p0 $0x0  }
0x12: {  	s1 =	sld [smem:$0x3F97];
	s0 =	simm.s32 @p0 $0x1  }
0x13: {  	[smem:$0x3FB2] =	sst s0;
	s0 =	simm.s32 @!p1 $0x0  }
0x14: {  	s2 =	sld [smem:$0x3F96];
	s0 =	simm.s32 @p1 $0x1  }
0x15: {  	[smem:$0x3FB3] =	sst s0;
	s0 =	simm.s32 @!p2 $0x0  }
0x16: {  	s3 =	sld [smem:$0x3FDB];
	s0 =	simm.s32 @p2 $0x1  }
0x17: {  	s4 =	simm.s32 $0x1BF5;
	[smem:$0x3FB5] =	sst s0  }
0x18: {  	s0 =	sld [smem:$0x3F98];
	_ =	swait.ge [sflag:s4], $0x0  }
0x19: {  	s7 =	sld [smem:$0x3F99]  }
0x1a: {  	s8 =	sadd.s32 $0xFFFFE003, lr  }
0x1b: {  	s9 =	sadd.s32 $0xFFFFFEF7, lr;
	s5 =	simm.s32 $0xFFFFFFFF;
	p2 =	slt.u32 s8, $0xFFFFF086  }
0x1c: {  	p1 =	slt.u32 s9, $0xF7A;
	s5 =	simm.s32 @!p2 $0x0  }
0x1d: {  	s5 =	simm.s32 @p1 $0x1;
	p0 =	seq.s32 s7, s2  }
0x1e: {  	s7 =	smul.u32 @!p0 $0xF7A, s2;
	p2 =	seq.s32 @!p0 s5, $0x0  }
0x1f: {  	s9 =	smul.u32 $0xF7A, s1;
	s8 =	simm.s32 @!p0 $0x1BF5;
	p2 =	por !p2, p0  }
0x20: {  	[sflag:s8] =	ssyncset.s32 @!p0 $0xFFFFF086;
	s6 =	sadd.s32 @!p0 s3, s7;
	s7 =	simm.s32 @!p0 $0x108  }
0x21: {  	s3 =	sadd.s32 s3, s9;
	s6 =	sadd.s32 @!p0 $0x88, s6;
	s7 =	simm.s32 @p2 $0x1082  }
0x22: {  	[simem:s7], [sflag:s8] =	dma.local @!p0 [hbm:s6], $0xF7A  }
0x23: {  	s9 =	sor.u32 $0xD0000000, s2;
	s6 =	simm.s32 $0x108;
	_ =	swait.ge @!p0 [sflag:s8], $0x0  }
0x24: {  	s3 =	sadd.s32 $0x88, s3;
	s6 =	simm.s32 @!p1 $0x1082;
	[sflag:s4] =	ssyncset.s32 $0xFFFFF086  }
0x25: {  	[simem:s6], [sflag:s4] =	dma.local [hbm:s3], $0xF7A  }
0x26: {  	[smem:$0x3F99] =	sst s1;
	(tag) =	ssettag s2;
	_ =	strace s9  }
0x27: {  	s1 =	sld [smem:$0x3FA9]  }
0x28: {  	s2 =	sld [smem:$0x3FAA]  }
0x29: {  	s4 =	sld [smem:$0x3FAC]  }
0x2a: {  	p0 =	seq.s32 s5, $0x0;
	s5 =	sld [smem:$0x3FAD]  }
0x2b: {  	s6 =	sld [smem:$0x3FAE]  }
0x2c: {  	s7 =	sld [smem:$0x3FAF]  }
0x2d: {  	s3 =	simm.s32 $0x108;
	s8 =	sld [smem:$0x3FB0]  }
0x2e: {  	s3 =	simm.s32 @!p0 $0x1082;
	s9 =	sld [smem:$0x3FB1]  }
0x2f: {  	lr =	sadd.s32 s0, s3;
	s0 =	sld [smem:$0x3FA8]  }
0x30: {  	s3 =	sld [smem:$0x3FAB]  }
0x31: {  	[smem:$0x3FB4] =	sst s10  }
0x32: {  	s10 =	sld [smem:$0x3FB2];
	_ =	sdelay $0x3  }
0x33: {  	p0 =	seq.s32 s10, $0x1;
	s10 =	sld [smem:$0x3FB4];
	_ =	sdelay $0x3  }
0x34: {  	[smem:$0x3FB4] =	sst s10  }
0x35: {  	s10 =	sld [smem:$0x3FB3];
	_ =	sdelay $0x3  }
0x36: {  	p1 =	seq.s32 s10, $0x1;
	s10 =	sld [smem:$0x3FB4];
	_ =	sdelay $0x3  }
0x37: {  	[smem:$0x3FB4] =	sst s10  }
0x38: {  	s10 =	sld [smem:$0x3FB5]  }
0x39: {  	_ = 	snop;
	(pc) =	sbr.ind lr, $3  }
0x3a: {  	_ = 	snop  }
0x3b: {  	_ = 	snop  }
0x3c: {  	p2 =	seq.s32 s10, $0x1;
	s10 =	sld [smem:$0x3FB4]  }
0x3d: {  	_ =	shalt  }
0x3e: {  	_ =	shalt  }
0x3f: {  	_ =	shalt  }
0x40: {  	_ =	shalt  }
0x41: {  	_ =	shalt  }
0x42: {  	_ =	shalt  }
0x43: {  	_ =	shalt  }
0x44: {  	_ =	shalt  }
0x45: {  	_ =	shalt  }
0x46: {  	_ =	shalt  }
0x47: {  	_ =	shalt  }
0x48: {  	_ =	shalt  }
0x49: {  	_ =	shalt  }
0x4a: {  	_ =	shalt  }
0x4b: {  	_ =	shalt  }
0x4c: {  	_ =	shalt  }
0x4d: {  	_ =	shalt  }
0x4e: {  	_ =	shalt  }
0x4f: {  	_ =	shalt  }
0x50: {  	_ =	shalt  }
0x51: {  	_ =	shalt  }
0x52: {  	_ =	shalt  }
0x53: {  	_ =	shalt  }
0x54: {  	_ =	shalt  }
0x55: {  	_ =	shalt  }
0x56: {  	_ =	shalt  }
0x57: {  	_ =	shalt  }
0x58: {  	_ =	shalt  }
0x59: {  	_ =	shalt  }
0x5a: {  	_ =	shalt  }
0x5b: {  	_ =	shalt  }
0x5c: {  	_ =	shalt  }
0x5d: {  	_ =	shalt  }
0x5e: {  	_ =	shalt  }
0x5f: {  	_ =	shalt  }
0x60: {  	_ =	shalt  }
0x61: {  	_ =	shalt  }
0x62: {  	_ =	shalt  }
0x63: {  	_ =	shalt  }
0x64: {  	_ =	shalt  }
0x65: {  	_ =	shalt  }
0x66: {  	_ =	shalt  }
0x67: {  	_ =	shalt  }
0x68: {  	_ =	shalt  }
0x69: {  	_ =	shalt  }
0x6a: {  	_ =	shalt  }
0x6b: {  	_ =	shalt  }
0x6c: {  	_ =	shalt  }
0x6d: {  	_ =	shalt  }
0x6e: {  	_ =	shalt  }
0x6f: {  	_ =	shalt  }
0x70: {  	_ =	shalt  }
0x71: {  	_ =	shalt  }
0x72: {  	_ =	shalt  }
0x73: {  	_ =	shalt  }
0x74: {  	_ =	shalt  }
0x75: {  	_ =	shalt  }
0x76: {  	_ =	shalt  }
0x77: {  	_ =	shalt  }
0x78: {  	_ =	shalt  }
0x79: {  	_ =	shalt  }
0x7a: {  	_ =	shalt  }
0x7b: {  	_ =	shalt  }
0x7c: {  	_ =	shalt  }
0x7d: {  	_ =	shalt  }
0x7e: {  	_ =	shalt  }
0x7f: {  	_ =	shalt  }
0x80: {  	_ =	shalt  }
0x81: {  	_ =	shalt  }
0x82: {  	_ =	shalt  }
0x83: {  	_ =	shalt  }
0x84: {  	_ =	shalt  }
0x85: {  	_ =	shalt  }
0x86: {  	_ =	shalt  }
0x87: {  	_ =	shalt  }
.Lfunc_end0:
.L_simem_size_0:
called_computation.2_lowered:
.L_overlay_start_0:
0x88: {  	s2 =	sld [smem:$0x3FD9]  }
0x89: {  	s3 =	sld [smem:$0x3FFE];
	_ =	sdelay $0x1  }
0x8a: {  	s1 =	srdreg.scid  }
0x8b: {  	s0 =	sand.u32 $0x1, s1  }
0x8c: {  	s16 =	sshll.u32 s0, $0xA;
	s2 =	sadd.s32 s3, s2  }
0x8d: {  	s2 =	sadd.s32 s2, s16  }
0x8e: {  	[smem:$0x3FC0] =	sst s2  }
0x8f: {  	_ = 	snop  }
0x90: {  	(tm) =	ssettm $0x1  }
0x91: {  	s17 =	sld [smem:$0x3FFB];
	_ =	sdelay $0x3  }
0x92: {  	_ =	strace s17  }
0x93: {  	s2 =	sld [smem:$0x3FFC];
	_ =	sdelay $0x3  }
0x94: {  	_ =	strace s2  }
0x95: {  	s2 =	sld [smem:$0x3FFD];
	_ =	sdelay $0x3  }
0x96: {  	_ =	strace s2  }
0x97: {  	_ =	strace $0x8FFFFFFF  }
0x98: {  	s18 =	sld [smem:$0x3FDB];
	_ =	sdelay $0x1  }
0x99: {  	s19 =	simm.s32 $_scs_section_size  }
0x9a: {  	s4 =	simm.s32 $_size__tile_overlayer_lowered;
	s5 =	simm.s32 $_tile_overlayer_lowered  }
0x9b: {  	s22 =	simm.s32 $0x1BFF;
	s21 =	sshll.u32 s5, $0x1;
	s2 =	sadd.s32 s19, s18  }
0x9c: {  	s6 =	simm.s32 $0x0;
	s20 =	sshll.u32 s4, $0x1;
	s4 =	sadd.s32 s21, s2  }
0x9d: {  	[timem:s6], [sflag:s22] =	dma.local [hbm:s4], s20  }
0x9e: {  	_ =	swait.ge [sflag:s22], s20  }
0x9f: {  	s3 =	ssub.s32 $0x0, s20;
	[sflag:s22] =	ssyncset.done $0x0  }
0xa0: {  	[sflag:s22] =	ssyncadd.s32 s3;
	_ =	sdelay $0x1  }
0xa1: {  	s23 =	simm.s32 $0x1B8B  }
0xa2: {  	_ =	swait.ge [sflag:s23], $0x1  }
0xa3: {  	[sflag:s23] =	ssyncset.done $0x0  }
0xa4: {  	s25 =	simm.s32 $0x1B8E;
	s24 =	sld [smem:$0x3FFE];
	[sflag:s23] =	ssyncadd.s32 $0xFFFFFFFF  }
0xa5: {  	s26 =	simm.s32 $execute0_lowered;
	[smem:$0x3FD2] =	sst s25  }
0xa6: {  	s4 =	sshll.u32 s26, $0x1;
	_ =	strace $0x8000004C;
	[dreg:$0x1] =	wrdreg $0xFFFFFFFF  }
0xa7: {  	s28 =	simm.s32 $_size_execute0_lowered;
	s2 =	sadd.s32 s2, s4;
	[dreg:$0x0] =	wrdreg $0x0  }
0xa8: {  	s4 =	sshll.u32 s28, $0x1;
	[dreg:$0x2] =	wrdreg s2  }
0xa9: {  	[dreg:$0x3] =	wrdreg s4  }
0xaa: {  	[dreg:$0x4] =	wrdreg $0xC0  }
0xab: {  	_ =	task [dreg:s6], $0x5FFFF  }
0xac: {  	[dreg:$0x1] =	wrdreg $0xFFFFFFFF  }
0xad: {  	[dreg:$0x0] =	wrdreg $0x60  }
0xae: {  	[dreg:$0x2] =	wrdreg s24  }
0xaf: {  	[dreg:$0x3] =	wrdreg $0x150000  }
0xb0: {  	[dreg:$0x4] =	wrdreg $0x9  }
0xb1: {  	_ =	task.clear_ibuf [dreg:s6], $0x5FFFF;
	_ =	strace $0x9000004C  }
0xb2: {  	s29 =	simm.s32 $0x9;
	_ =	strace $0x8000004E  }
0xb3: {  	_ =	swait.ge [sflag:s29], $0x1  }
0xb4: {  	[sflag:s29] =	ssyncadd.s32 $0xFFFFFFFF  }
0xb5: {  	_ =	strace $0x9000004E  }
0xb6: {  	_ =	sfence  }
0xb7: {  	s30 =	sld [smem:$0x0];
	_ =	sdelay $0x2  }
0xb8: {  	s31 =	sshll.u32 s1, $0xD;
	s1 =	sshrl.u32 s1, $0x2  }
0xb9: {  	s3 =	sand.u32 $0x4000, s31;
	s1 =	sadd.s32 s1, s30  }
0xba: {  	s0 =	sor.u32 s3, s0;
	s1 =	sshll.u32 s1, $0x11  }
0xbb: {  	s0 =	sor.u32 s1, s0  }
0xbc: {  	s0 =	sadd.s32 $0x8F2B, s0  }
0xbd: {  	[sflag:s0] =	ssyncadd.remote.s32 $0x1  }
0xbe: {  	_ =	sfence.sel $0xFFFF  }
0xbf: {  	[dreg:$0x0] =	wrdreg $0xFFFFFFFF;
	(pc) =	sbr.abs _section_cstart, $3  }
0xc0: {  	[dreg:$0x1] =	wrdreg $0xFFFFFFFF  }
0xc1: {  	_ =	task.clear_ibuf [dreg:s6], $0x2FFFF;
	_ =	strace $0x9FFFFFFF  }
0xc2: {  	(tm) =	ssettm $0x7FFFFFFF  }
0xc3: {  	_ =	shalt  }
tec
execute0_lowered:
.L_overlay_start_1:
0x0: {  	(tag) =	ssettag $0x1  }
0x1: {  	s0 =	srdreg.scid;
	s1 =	rddreg [dreg:$0x0]  }
0x2: {  	s8 =	stileid.u32;
	s2 =	rddreg [dreg:$0x1];
	s6 =	simm.s32 $0x0  }
0x3: {  	s12 =	simm.s32 $0x9;
	s14 =	simm.s32 $0x80;
	s15 =	simm.s32 $0x5000  }
0x4: {  	s16 =	simm.s32 $0x7000;
	s17 =	simm.s32 $0x9000;
	s18 =	simm.s32 $0xB000  }
0x5: {  	s19 =	simm.s32 $0xD000;
	s20 =	simm.s32 $0xF000;
	s21 =	simm.s32 $0x11000  }
0x6: {  	s22 =	simm.s32 $0x13000;
	s23 =	simm.s32 $0x1;
	s28 =	simm.s32 $0x5  }
0x7: {  	s29 =	simm.s32 $0x6;
	s30 =	simm.s32 $0x7;
	s4 =	smul.u32 $0x2800, s8  }
0x8: {  	s31 =	simm.s32 $0x8;
	s0 =	sand.u32 $0x1, s0;
	s5 =	smul.u32 $0xA000, s8  }
0x9: {  	[smem:$0x7FF] =	sst s6;
	s26 =	sshll.u32 s8, $0x6;
	s3 =	smul.u32 $0x28000, s0  }
0xa: {  	s24 =	smul.u32 $0xA0000, s0;
	_ =	strace $0x8000004D;
	s0 =	ssub.s32 $0x2, s0  }
0xb: {  	s7 =	sshrl.u32 s5, $0x3;
	s25 =	sshrl.u32 s0, $0x1;
	s3 =	sadd.s32 s4, s3  }
0xc: {  	s4 =	sadd.s32 $0x24C00, s1;
	s6 =	sadd.s32 s5, s24;
	s7 =	sadd.s32 s7, s1  }
0xd: {  	s0 =	ssub.s32 s0, s25;
	s5 =	sadd.s32 s5, s2;
	s24 =	simm.s32 $0x2  }
0xe: {  	s25 =	simm.s32 $0x3;
	s3 =	sshrl.u32 s3, $0x3;
	s6 =	sshrl.u32 s6, $0x3  }
0xf: {  	s7 =	sadd.s32 $0x38600, s7;
	s10 =	smax.u32 s0, $0x1;
	s11 =	sshrl.u32 s5, $0x3  }
0x10: {  	s3 =	sadd.s32 s3, s1;
	s1 =	sadd.s32 s6, s1;
	[dreg:$0x3] =	wrdreg s7  }
0x11: {  	s6 =	sor.u32 $0x1C09, s26;
	s26 =	simm.s32 $0x4;
	s7 =	sadd.s32 $0x1AC00, s3  }
0x12: {  	s8 =	sadd.s32 $0x1A00, s3;
	s9 =	sadd.s32 $0x4C600, s1;
	s1 =	simm.s32 $0x0  }
.LBB2_1:
0x13: {  	s0 =	rddreg [dreg:$0x3]  }
0x14: {  	[spmem:s11], [sflag:s6] =	dma.local [hbm:s0], $0x1400  }
0x15: {  	_ =	swait.ge [sflag:s12], $0x1400  }
0x16: {  	[sflag:s12] =	ssyncset.done $0x0  }
0x17: {  	s5 =	simm.s32 $0x0;
	[sflag:s12] =	ssyncadd.s32 $0xFFFFEC00  }
0x18: {  	[tilespmem:s5], [sflag:$0x9] =	stream.linear.gather [hbm4b:s7+s5], $0x2800, $0x38;
	[tilespmem:$0x1F000] =	vst v63  }
0x19: {  	_ =	swait.ge [sflag:s12], $0x2800  }
0x1a: {  	[sflag:s12] =	ssyncset.done $0x0  }
0x1b: {  	s3 =	simm.s32 $0x2800;
	[sflag:s12] =	ssyncadd.s32 $0xFFFFD800  }
0x1c: {  	[tilespmem:s3], [sflag:$0x9] =	stream.linear.gather [hbm4b:s8+s5], $0x2800, $0x38;
	[tilespmem:$0x1F000] =	vst v63  }
0x1d: {  	_ =	swait.ge [sflag:s12], $0x2800  }
0x1e: {  	[sflag:s12] =	ssyncset.done $0x0  }
0x1f: {  	[sflag:s12] =	ssyncadd.s32 $0xFFFFD800  }
0x20: {  	s13 =	simm.s32 $0x0;
	[bflag:$0x0] =	sbarrier.arrive $0xFFFF  }
0x21: {  	[tilespmem:s15], [sflag:$0x1] =	stream.indirect.gather [hbm4b:s4+s14], $0x40, s13, s14, $0xb8;
	[tilespmem:$0x1F000] =	vst v63  }
0x22: {  	s3 =	simm.s32 $0x80  }
0x23: {  	[tilespmem:s16], [sflag:$0x2] =	stream.indirect.gather [hbm4b:s4+s14], $0x40, s3, s14, $0xb8;
	[tilespmem:$0x1F000] =	vst v63  }
0x24: {  	s5 =	simm.s32 $0x100  }
0x25: {  	[tilespmem:s17], [sflag:$0x3] =	stream.indirect.gather [hbm4b:s4+s14], $0x40, s5, s14, $0xb8;
	[tilespmem:$0x1F000] =	vst v63  }
0x26: {  	s13 =	simm.s32 $0x180  }
0x27: {  	[tilespmem:s18], [sflag:$0x4] =	stream.indirect.gather [hbm4b:s4+s14], $0x40, s13, s14, $0xb8;
	[tilespmem:$0x1F000] =	vst v63  }
0x28: {  	s3 =	simm.s32 $0x200  }
0x29: {  	[tilespmem:s19], [sflag:$0x5] =	stream.indirect.gather [hbm4b:s4+s14], $0x40, s3, s14, $0xb8;
	[tilespmem:$0x1F000] =	vst v63  }
0x2a: {  	s5 =	simm.s32 $0x280  }
0x2b: {  	[tilespmem:s20], [sflag:$0x6] =	stream.indirect.gather [hbm4b:s4+s14], $0x40, s5, s14, $0xb8;
	[tilespmem:$0x1F000] =	vst v63  }
0x2c: {  	s13 =	simm.s32 $0x300  }
0x2d: {  	[tilespmem:s21], [sflag:$0x7] =	stream.indirect.gather [hbm4b:s4+s14], $0x40, s13, s14, $0xb8;
	[tilespmem:$0x1F000] =	vst v63  }
0x2e: {  	s3 =	simm.s32 $0x380  }
0x2f: {  	[tilespmem:s22], [sflag:$0x8] =	stream.indirect.gather [hbm4b:s4+s14], $0x40, s3, s14, $0xb8;
	[tilespmem:$0x1F000] =	vst v63  }
0x30: {  	_ =	swait.ge [sflag:s23], $0x2000  }
0x31: {  	[sflag:s23] =	ssyncset.done $0x0  }
0x32: {  	s5 =	simm.s32 $0x2800;
	[sflag:s23] =	ssyncadd.s32 $0xFFFFE000  }
0x33: {  	[spmem:s2] =	stream.indirect.scatter.add.f32 [tilespmem:s15], [sflag:$0x9], $0x40, s5, s14, $0xb8;
	[tilespmem:$0x1F000] =	vst v63  }
0x34: {  	_ =	swait.ge [sflag:s12], $0x2000  }
0x35: {  	[sflag:s12] =	ssyncset.done $0x0  }
0x36: {  	[sflag:s12] =	ssyncadd.s32 $0xFFFFE000  }
0x37: {  	_ =	swait.ge [sflag:s24], $0x2000  }
0x38: {  	[sflag:s24] =	ssyncset.done $0x0  }
0x39: {  	s13 =	simm.s32 $0x2880;
	[sflag:s24] =	ssyncadd.s32 $0xFFFFE000  }
0x3a: {  	[spmem:s2] =	stream.indirect.scatter.add.f32 [tilespmem:s16], [sflag:$0x9], $0x40, s13, s14, $0xb8;
	[tilespmem:$0x1F000] =	vst v63  }
0x3b: {  	_ =	swait.ge [sflag:s12], $0x2000  }
0x3c: {  	[sflag:s12] =	ssyncset.done $0x0  }
0x3d: {  	[sflag:s12] =	ssyncadd.s32 $0xFFFFE000  }
0x3e: {  	_ =	swait.ge [sflag:s25], $0x2000  }
0x3f: {  	[sflag:s25] =	ssyncset.done $0x0  }
0x40: {  	s3 =	simm.s32 $0x2900;
	[sflag:s25] =	ssyncadd.s32 $0xFFFFE000  }
0x41: {  	[spmem:s2] =	stream.indirect.scatter.add.f32 [tilespmem:s17], [sflag:$0x9], $0x40, s3, s14, $0xb8;
	[tilespmem:$0x1F000] =	vst v63  }
0x42: {  	_ =	swait.ge [sflag:s12], $0x2000  }
0x43: {  	[sflag:s12] =	ssyncset.done $0x0  }
0x44: {  	[sflag:s12] =	ssyncadd.s32 $0xFFFFE000  }
0x45: {  	_ =	swait.ge [sflag:s26], $0x2000  }
0x46: {  	[sflag:s26] =	ssyncset.done $0x0  }
0x47: {  	s5 =	simm.s32 $0x2980;
	[sflag:s26] =	ssyncadd.s32 $0xFFFFE000  }
0x48: {  	[spmem:s2] =	stream.indirect.scatter.add.f32 [tilespmem:s18], [sflag:$0x9], $0x40, s5, s14, $0xb8;
	[tilespmem:$0x1F000] =	vst v63  }
0x49: {  	_ =	swait.ge [sflag:s12], $0x2000  }
0x4a: {  	[sflag:s12] =	ssyncset.done $0x0  }
0x4b: {  	[sflag:s12] =	ssyncadd.s32 $0xFFFFE000  }
0x4c: {  	_ =	swait.ge [sflag:s28], $0x2000  }
0x4d: {  	[sflag:s28] =	ssyncset.done $0x0  }
0x4e: {  	s13 =	simm.s32 $0x2A00;
	[sflag:s28] =	ssyncadd.s32 $0xFFFFE000  }
0x4f: {  	[spmem:s2] =	stream.indirect.scatter.add.f32 [tilespmem:s19], [sflag:$0x9], $0x40, s13, s14, $0xb8;
	[tilespmem:$0x1F000] =	vst v63  }
0x50: {  	_ =	swait.ge [sflag:s12], $0x2000  }
0x51: {  	[sflag:s12] =	ssyncset.done $0x0  }
0x52: {  	[sflag:s12] =	ssyncadd.s32 $0xFFFFE000  }
0x53: {  	_ =	swait.ge [sflag:s29], $0x2000  }
0x54: {  	[sflag:s29] =	ssyncset.done $0x0  }
0x55: {  	s3 =	simm.s32 $0x2A80;
	[sflag:s29] =	ssyncadd.s32 $0xFFFFE000  }
0x56: {  	[spmem:s2] =	stream.indirect.scatter.add.f32 [tilespmem:s20], [sflag:$0x9], $0x40, s3, s14, $0xb8;
	[tilespmem:$0x1F000] =	vst v63  }
0x57: {  	_ =	swait.ge [sflag:s12], $0x2000  }
0x58: {  	[sflag:s12] =	ssyncset.done $0x0  }
0x59: {  	[sflag:s12] =	ssyncadd.s32 $0xFFFFE000  }
0x5a: {  	_ =	swait.ge [sflag:s30], $0x2000  }
0x5b: {  	[sflag:s30] =	ssyncset.done $0x0  }
0x5c: {  	s5 =	simm.s32 $0x2B00;
	[sflag:s30] =	ssyncadd.s32 $0xFFFFE000  }
0x5d: {  	[spmem:s2] =	stream.indirect.scatter.add.f32 [tilespmem:s21], [sflag:$0x9], $0x40, s5, s14, $0xb8;
	[tilespmem:$0x1F000] =	vst v63  }
0x5e: {  	_ =	swait.ge [sflag:s12], $0x2000  }
0x5f: {  	[sflag:s12] =	ssyncset.done $0x0  }
0x60: {  	[sflag:s12] =	ssyncadd.s32 $0xFFFFE000  }
0x61: {  	_ =	swait.ge [sflag:s31], $0x2000  }
0x62: {  	[sflag:s31] =	ssyncset.done $0x0  }
0x63: {  	s13 =	simm.s32 $0x2B80;
	[sflag:s31] =	ssyncadd.s32 $0xFFFFE000  }
0x64: {  	[spmem:s2] =	stream.indirect.scatter.add.f32 [tilespmem:s22], [sflag:$0x9], $0x40, s13, s14, $0xb8;
	[tilespmem:$0x1F000] =	vst v63  }
0x65: {  	_ =	swait.ge [sflag:s12], $0x2000  }
0x66: {  	s0 =	simm.s32 $0x1000;
	s13 =	simm.s32 $0x2000;
	[sflag:s12] =	ssyncset.done $0x0  }
.LBB2_2:
0x67: {  	s3 =	sshra.s32 s0, $0x2  }
0x68: {  	[sflag:s12] =	ssyncadd.s32 $0xFFFFE000;
	s0 =	smov.u32 s13;
	s5 =	sadd.s32 $0x1000, s13  }
0x69: {  	[tilespmem:s15], [sflag:$0x1] =	stream.indirect.gather [hbm4b:s4+s14], $0x40, s3, s14, $0xb8;
	[tilespmem:$0x1F000] =	vst v63  }
0x6a: {  	p0 =	sne.s32 s13, $0x9000;
	s13 =	sadd.s32 $0x80, s3  }
0x6b: {  	[tilespmem:s16], [sflag:$0x2] =	stream.indirect.gather [hbm4b:s4+s14], $0x40, s13, s14, $0xb8;
	[tilespmem:$0x1F000] =	vst v63  }
0x6c: {  	s13 =	sadd.s32 $0x100, s3  }
0x6d: {  	[tilespmem:s17], [sflag:$0x3] =	stream.indirect.gather [hbm4b:s4+s14], $0x40, s13, s14, $0xb8;
	[tilespmem:$0x1F000] =	vst v63  }
0x6e: {  	s13 =	sadd.s32 $0x180, s3  }
0x6f: {  	[tilespmem:s18], [sflag:$0x4] =	stream.indirect.gather [hbm4b:s4+s14], $0x40, s13, s14, $0xb8;
	[tilespmem:$0x1F000] =	vst v63  }
0x70: {  	s13 =	sadd.s32 $0x200, s3  }
0x71: {  	[tilespmem:s19], [sflag:$0x5] =	stream.indirect.gather [hbm4b:s4+s14], $0x40, s13, s14, $0xb8;
	[tilespmem:$0x1F000] =	vst v63  }
0x72: {  	s13 =	sadd.s32 $0x280, s3  }
0x73: {  	[tilespmem:s20], [sflag:$0x6] =	stream.indirect.gather [hbm4b:s4+s14], $0x40, s13, s14, $0xb8;
	[tilespmem:$0x1F000] =	vst v63  }
0x74: {  	s13 =	sadd.s32 $0x300, s3  }
0x75: {  	[tilespmem:s21], [sflag:$0x7] =	stream.indirect.gather [hbm4b:s4+s14], $0x40, s13, s14, $0xb8;
	[tilespmem:$0x1F000] =	vst v63  }
0x76: {  	s13 =	sadd.s32 $0x380, s3  }
0x77: {  	[tilespmem:s22], [sflag:$0x8] =	stream.indirect.gather [hbm4b:s4+s14], $0x40, s13, s14, $0xb8;
	[tilespmem:$0x1F000] =	vst v63  }
0x78: {  	_ =	swait.ge [sflag:s23], $0x2000  }
0x79: {  	[sflag:s23] =	ssyncset.done $0x0  }
0x7a: {  	s13 =	sadd.s32 $0x2800, s3;
	[sflag:s23] =	ssyncadd.s32 $0xFFFFE000  }
0x7b: {  	[spmem:s2] =	stream.indirect.scatter.add.f32 [tilespmem:s15], [sflag:$0x9], $0x40, s13, s14, $0xb8;
	[tilespmem:$0x1F000] =	vst v63  }
0x7c: {  	_ =	swait.ge [sflag:s12], $0x2000  }
0x7d: {  	[sflag:s12] =	ssyncset.done $0x0  }
0x7e: {  	[sflag:s12] =	ssyncadd.s32 $0xFFFFE000  }
0x7f: {  	_ =	swait.ge [sflag:s24], $0x2000  }
0x80: {  	[sflag:s24] =	ssyncset.done $0x0  }
0x81: {  	s13 =	sadd.s32 $0x2880, s3;
	[sflag:s24] =	ssyncadd.s32 $0xFFFFE000  }
0x82: {  	[spmem:s2] =	stream.indirect.scatter.add.f32 [tilespmem:s16], [sflag:$0x9], $0x40, s13, s14, $0xb8;
	[tilespmem:$0x1F000] =	vst v63  }
0x83: {  	_ =	swait.ge [sflag:s12], $0x2000  }
0x84: {  	[sflag:s12] =	ssyncset.done $0x0  }
0x85: {  	[sflag:s12] =	ssyncadd.s32 $0xFFFFE000  }
0x86: {  	_ =	swait.ge [sflag:s25], $0x2000  }
0x87: {  	[sflag:s25] =	ssyncset.done $0x0  }
0x88: {  	s13 =	sadd.s32 $0x2900, s3;
	[sflag:s25] =	ssyncadd.s32 $0xFFFFE000  }
0x89: {  	[spmem:s2] =	stream.indirect.scatter.add.f32 [tilespmem:s17], [sflag:$0x9], $0x40, s13, s14, $0xb8;
	[tilespmem:$0x1F000] =	vst v63  }
0x8a: {  	_ =	swait.ge [sflag:s12], $0x2000  }
0x8b: {  	[sflag:s12] =	ssyncset.done $0x0  }
0x8c: {  	[sflag:s12] =	ssyncadd.s32 $0xFFFFE000  }
0x8d: {  	_ =	swait.ge [sflag:s26], $0x2000  }
0x8e: {  	[sflag:s26] =	ssyncset.done $0x0  }
0x8f: {  	s13 =	sadd.s32 $0x2980, s3;
	[sflag:s26] =	ssyncadd.s32 $0xFFFFE000  }
0x90: {  	[spmem:s2] =	stream.indirect.scatter.add.f32 [tilespmem:s18], [sflag:$0x9], $0x40, s13, s14, $0xb8;
	[tilespmem:$0x1F000] =	vst v63  }
0x91: {  	_ =	swait.ge [sflag:s12], $0x2000  }
0x92: {  	[sflag:s12] =	ssyncset.done $0x0  }
0x93: {  	[sflag:s12] =	ssyncadd.s32 $0xFFFFE000  }
0x94: {  	_ =	swait.ge [sflag:s28], $0x2000  }
0x95: {  	[sflag:s28] =	ssyncset.done $0x0  }
0x96: {  	s13 =	sadd.s32 $0x2A00, s3;
	[sflag:s28] =	ssyncadd.s32 $0xFFFFE000  }
0x97: {  	[spmem:s2] =	stream.indirect.scatter.add.f32 [tilespmem:s19], [sflag:$0x9], $0x40, s13, s14, $0xb8;
	[tilespmem:$0x1F000] =	vst v63  }
0x98: {  	_ =	swait.ge [sflag:s12], $0x2000  }
0x99: {  	[sflag:s12] =	ssyncset.done $0x0  }
0x9a: {  	[sflag:s12] =	ssyncadd.s32 $0xFFFFE000  }
0x9b: {  	_ =	swait.ge [sflag:s29], $0x2000  }
0x9c: {  	[sflag:s29] =	ssyncset.done $0x0  }
0x9d: {  	s13 =	sadd.s32 $0x2A80, s3;
	[sflag:s29] =	ssyncadd.s32 $0xFFFFE000  }
0x9e: {  	[spmem:s2] =	stream.indirect.scatter.add.f32 [tilespmem:s20], [sflag:$0x9], $0x40, s13, s14, $0xb8;
	[tilespmem:$0x1F000] =	vst v63  }
0x9f: {  	_ =	swait.ge [sflag:s12], $0x2000  }
0xa0: {  	[sflag:s12] =	ssyncset.done $0x0  }
0xa1: {  	[sflag:s12] =	ssyncadd.s32 $0xFFFFE000  }
0xa2: {  	_ =	swait.ge [sflag:s30], $0x2000  }
0xa3: {  	[sflag:s30] =	ssyncset.done $0x0  }
0xa4: {  	s13 =	sadd.s32 $0x2B00, s3;
	[sflag:s30] =	ssyncadd.s32 $0xFFFFE000  }
0xa5: {  	[spmem:s2] =	stream.indirect.scatter.add.f32 [tilespmem:s21], [sflag:$0x9], $0x40, s13, s14, $0xb8;
	[tilespmem:$0x1F000] =	vst v63  }
0xa6: {  	_ =	swait.ge [sflag:s12], $0x2000  }
0xa7: {  	[sflag:s12] =	ssyncset.done $0x0  }
0xa8: {  	[sflag:s12] =	ssyncadd.s32 $0xFFFFE000  }
0xa9: {  	_ =	swait.ge [sflag:s31], $0x2000  }
.Ltmp0:
0xaa: {  	[sflag:s31] =	ssyncset.done $0x0;
	(pc) =	sbr.rel @p0 .LBB2_2-.Ltmp0, $4  }
0xab: {  	s3 =	sadd.s32 $0x2B80, s3;
	[sflag:s31] =	ssyncadd.s32 $0xFFFFE000  }
0xac: {  	[spmem:s2] =	stream.indirect.scatter.add.f32 [tilespmem:s22], [sflag:$0x9], $0x40, s3, s14, $0xb8;
	[tilespmem:$0x1F000] =	vst v63  }
0xad: {  	_ =	swait.ge [sflag:s12], $0x2000  }
0xae: {  	s13 =	smov.u32 s5;
	[sflag:s12] =	ssyncset.done $0x0  }
0xaf: {  	s0 =	sshra.s32 s0, $0x2;
	[sflag:s12] =	ssyncadd.s32 $0xFFFFE000  }
0xb0: {  	[tilespmem:s15], [sflag:$0x1] =	stream.indirect.gather [hbm4b:s4+s14], $0x40, s0, s14, $0xb8;
	[tilespmem:$0x1F000] =	vst v63  }
0xb1: {  	s3 =	sadd.s32 $0x80, s0  }
0xb2: {  	[tilespmem:s16], [sflag:$0x2] =	stream.indirect.gather [hbm4b:s4+s14], $0x40, s3, s14, $0xb8;
	[tilespmem:$0x1F000] =	vst v63  }
0xb3: {  	s13 =	sadd.s32 $0x100, s0  }
0xb4: {  	[tilespmem:s17], [sflag:$0x3] =	stream.indirect.gather [hbm4b:s4+s14], $0x40, s13, s14, $0xb8;
	[tilespmem:$0x1F000] =	vst v63  }
0xb5: {  	s5 =	sadd.s32 $0x180, s0  }
0xb6: {  	[tilespmem:s18], [sflag:$0x4] =	stream.indirect.gather [hbm4b:s4+s14], $0x40, s5, s14, $0xb8;
	[tilespmem:$0x1F000] =	vst v63  }
0xb7: {  	s13 =	sadd.s32 $0x200, s0  }
0xb8: {  	[tilespmem:s19], [sflag:$0x5] =	stream.indirect.gather [hbm4b:s4+s14], $0x40, s13, s14, $0xb8;
	[tilespmem:$0x1F000] =	vst v63  }
0xb9: {  	s5 =	sadd.s32 $0x280, s0  }
0xba: {  	[tilespmem:s20], [sflag:$0x6] =	stream.indirect.gather [hbm4b:s4+s14], $0x40, s5, s14, $0xb8;
	[tilespmem:$0x1F000] =	vst v63  }
0xbb: {  	s13 =	sadd.s32 $0x300, s0  }
0xbc: {  	[tilespmem:s21], [sflag:$0x7] =	stream.indirect.gather [hbm4b:s4+s14], $0x40, s13, s14, $0xb8;
	[tilespmem:$0x1F000] =	vst v63  }
0xbd: {  	s5 =	sadd.s32 $0x380, s0  }
0xbe: {  	[tilespmem:s22], [sflag:$0x8] =	stream.indirect.gather [hbm4b:s4+s14], $0x40, s5, s14, $0xb8;
	[tilespmem:$0x1F000] =	vst v63  }
0xbf: {  	_ =	swait.ge [sflag:s23], $0x2000  }
0xc0: {  	[sflag:s23] =	ssyncset.done $0x0  }
0xc1: {  	s13 =	sadd.s32 $0x2800, s0;
	[sflag:s23] =	ssyncadd.s32 $0xFFFFE000  }
0xc2: {  	[spmem:s2] =	stream.indirect.scatter.add.f32 [tilespmem:s15], [sflag:$0x9], $0x40, s13, s14, $0xb8;
	[tilespmem:$0x1F000] =	vst v63  }
0xc3: {  	_ =	swait.ge [sflag:s12], $0x2000  }
0xc4: {  	[sflag:s12] =	ssyncset.done $0x0  }
0xc5: {  	[sflag:s12] =	ssyncadd.s32 $0xFFFFE000  }
0xc6: {  	_ =	swait.ge [sflag:s24], $0x2000  }
0xc7: {  	[sflag:s24] =	ssyncset.done $0x0  }
0xc8: {  	s5 =	sadd.s32 $0x2880, s0;
	[sflag:s24] =	ssyncadd.s32 $0xFFFFE000  }
0xc9: {  	[spmem:s2] =	stream.indirect.scatter.add.f32 [tilespmem:s16], [sflag:$0x9], $0x40, s5, s14, $0xb8;
	[tilespmem:$0x1F000] =	vst v63  }
0xca: {  	_ =	swait.ge [sflag:s12], $0x2000  }
0xcb: {  	[sflag:s12] =	ssyncset.done $0x0  }
0xcc: {  	[sflag:s12] =	ssyncadd.s32 $0xFFFFE000  }
0xcd: {  	_ =	swait.ge [sflag:s25], $0x2000  }
0xce: {  	[sflag:s25] =	ssyncset.done $0x0  }
0xcf: {  	s13 =	sadd.s32 $0x2900, s0;
	[sflag:s25] =	ssyncadd.s32 $0xFFFFE000  }
0xd0: {  	[spmem:s2] =	stream.indirect.scatter.add.f32 [tilespmem:s17], [sflag:$0x9], $0x40, s13, s14, $0xb8;
	[tilespmem:$0x1F000] =	vst v63  }
0xd1: {  	_ =	swait.ge [sflag:s12], $0x2000  }
0xd2: {  	[sflag:s12] =	ssyncset.done $0x0  }
0xd3: {  	[sflag:s12] =	ssyncadd.s32 $0xFFFFE000  }
0xd4: {  	_ =	swait.ge [sflag:s26], $0x2000  }
0xd5: {  	[sflag:s26] =	ssyncset.done $0x0  }
0xd6: {  	s5 =	sadd.s32 $0x2980, s0;
	[sflag:s26] =	ssyncadd.s32 $0xFFFFE000  }
0xd7: {  	[spmem:s2] =	stream.indirect.scatter.add.f32 [tilespmem:s18], [sflag:$0x9], $0x40, s5, s14, $0xb8;
	[tilespmem:$0x1F000] =	vst v63  }
0xd8: {  	_ =	swait.ge [sflag:s12], $0x2000  }
0xd9: {  	[sflag:s12] =	ssyncset.done $0x0  }
0xda: {  	[sflag:s12] =	ssyncadd.s32 $0xFFFFE000  }
0xdb: {  	_ =	swait.ge [sflag:s28], $0x2000  }
0xdc: {  	[sflag:s28] =	ssyncset.done $0x0  }
0xdd: {  	s13 =	sadd.s32 $0x2A00, s0;
	[sflag:s28] =	ssyncadd.s32 $0xFFFFE000  }
0xde: {  	[spmem:s2] =	stream.indirect.scatter.add.f32 [tilespmem:s19], [sflag:$0x9], $0x40, s13, s14, $0xb8;
	[tilespmem:$0x1F000] =	vst v63  }
0xdf: {  	_ =	swait.ge [sflag:s12], $0x2000  }
0xe0: {  	[sflag:s12] =	ssyncset.done $0x0  }
0xe1: {  	[sflag:s12] =	ssyncadd.s32 $0xFFFFE000  }
0xe2: {  	_ =	swait.ge [sflag:s29], $0x2000  }
0xe3: {  	[sflag:s29] =	ssyncset.done $0x0  }
0xe4: {  	s5 =	sadd.s32 $0x2A80, s0;
	[sflag:s29] =	ssyncadd.s32 $0xFFFFE000  }
0xe5: {  	[spmem:s2] =	stream.indirect.scatter.add.f32 [tilespmem:s20], [sflag:$0x9], $0x40, s5, s14, $0xb8;
	[tilespmem:$0x1F000] =	vst v63  }
0xe6: {  	_ =	swait.ge [sflag:s12], $0x2000  }
0xe7: {  	[sflag:s12] =	ssyncset.done $0x0  }
0xe8: {  	[sflag:s12] =	ssyncadd.s32 $0xFFFFE000  }
0xe9: {  	_ =	swait.ge [sflag:s30], $0x2000  }
0xea: {  	[sflag:s30] =	ssyncset.done $0x0  }
0xeb: {  	s13 =	sadd.s32 $0x2B00, s0;
	[sflag:s30] =	ssyncadd.s32 $0xFFFFE000  }
0xec: {  	[spmem:s2] =	stream.indirect.scatter.add.f32 [tilespmem:s21], [sflag:$0x9], $0x40, s13, s14, $0xb8;
	[tilespmem:$0x1F000] =	vst v63  }
0xed: {  	_ =	swait.ge [sflag:s12], $0x2000  }
0xee: {  	[sflag:s12] =	ssyncset.done $0x0  }
0xef: {  	[sflag:s12] =	ssyncadd.s32 $0xFFFFE000  }
0xf0: {  	_ =	swait.ge [sflag:s31], $0x2000  }
0xf1: {  	[sflag:s31] =	ssyncset.done $0x0  }
0xf2: {  	s0 =	sadd.s32 $0x2B80, s0;
	[sflag:s31] =	ssyncadd.s32 $0xFFFFE000  }
0xf3: {  	[spmem:s2] =	stream.indirect.scatter.add.f32 [tilespmem:s22], [sflag:$0x9], $0x40, s0, s14, $0xb8;
	[tilespmem:$0x1F000] =	vst v63  }
0xf4: {  	_ =	swait.ge [sflag:s12], $0x2000  }
0xf5: {  	s1 =	sadd.s32 $0x1, s1;
	[sflag:s12] =	ssyncset.done $0x0  }
0xf6: {  	p0 =	sne.s32 s1, s10;
	[sflag:s12] =	ssyncadd.s32 $0xFFFFE000  }
.Ltmp1:
0xf7: {  	[bflag:$0x0] =	sbarrier.arrive $0xFFFF;
	(pc) =	sbr.rel @p0 .LBB2_1-.Ltmp1, $4  }
0xf8: {  	[hbm:s9], [sflag:s6] =	dma.local [spmem:s11], $0x1400  }
0xf9: {  	_ =	swait.ge [sflag:s12], $0x1400  }
0xfa: {  	[sflag:s12] =	ssyncset.done $0x0  }
0xfb: {  	[sflag:s12] =	ssyncadd.s32 $0xFFFFEC00  }
0xfc: {  	_ =	sfence.sel $0x180000  }
0xfd: {  	[bflag:$0x0] =	sbarrier.arrive $0xFFFF  }
0xfe: {  	_ =	strace $0x9000004D  }
0xff: {  	s0 =	stileid.u32;
	[bflag:$0x2] =	sbarrier.arrive $0xFFFF  }
0x100: {  	p0 =	sne.s32 s0, $0x0;
	s0 =	rddreg [dreg:$0x2]  }
0x101: {  	s0 =	sadd.s32 @!p0 $0x100000, s0  }
0x102: {  	[sflag:s0] =	ssyncadd.tile.s32 @!p0 $0x1;
	_ =	shalt  }
.Lfunc_end2:
_tile_overlayer_lowered:
.L_overlay_start_2:
0x103: {  	(tag) =	ssettag $0x2  }
0x104: {  	s0 =	rddreg [dreg:$0x0];
	s2 =	stileid.u32  }
0x105: {  	s1 =	rddreg [dreg:$0x1];
	p0 =	sne.s32 s2, $0x0  }
0x106: {  	s3 =	rddreg [dreg:$0x2];
	[bflag:$0x3] =	sbarrier.arrive $0xFFFF;
	s2 =	simm.s32 @!p0 $0x1C09  }
0x107: {  	[timem:s3], [sflag:s2] =	dma.local @!p0 [hbm:s0], s1  }
0x108: {  	s0 =	simm.s32 @!p0 $0x9  }
0x109: {  	_ =	swait.ge @!p0 [sflag:s0], s1  }
0x10a: {  	s1 =	ssub.s32 @!p0 $0x0, s1;
	[sflag:s0] =	ssyncset.done @!p0 $0x0  }
0x10b: {  	[sflag:s0] =	ssyncadd.s32 @!p0 s1  }
0x10c: {  	[bflag:$0x3] =	sbarrier.arrive $0xFFFF  }
0x10d: {  	_ =	shalt  }

// kernel: kernel.9.cloned.1.call-start
scs
__scs_entry_jumppad:
0x0: {  	(pc) =	sbr.rel $0x88, $3  }
0x1: {  	(tag) =	ssettag $0x0;
	lr =	simm.s32 $0x1  }
0x2: {  	[smem:$0x3F99] =	sst lr;
	_ =	strace $0xD0000000  }
0x3: {  	_ = 	snop  }
0x4: {  	_ = 	snop  }
0x5: {  	_ = 	snop  }
0x6: {  	_ = 	snop  }
0x7: {  	_ = 	snop  }
__scs_overlays_trampoline_lowered:
0x8: {  	[smem:$0x3FA8] =	sst s0  }
0x9: {  	[smem:$0x3FA9] =	sst s1  }
0xa: {  	[smem:$0x3FAA] =	sst s2  }
0xb: {  	[smem:$0x3FAB] =	sst s3  }
0xc: {  	[smem:$0x3FAC] =	sst s4  }
0xd: {  	[smem:$0x3FAD] =	sst s5  }
0xe: {  	[smem:$0x3FAE] =	sst s6  }
0xf: {  	[smem:$0x3FAF] =	sst s7  }
0x10: {  	[smem:$0x3FB0] =	sst s8  }
0x11: {  	[smem:$0x3FB1] =	sst s9;
	s0 =	simm.s32 @!p0 $0x0  }
0x12: {  	s1 =	sld [smem:$0x3F97];
	s0 =	simm.s32 @p0 $0x1  }
0x13: {  	[smem:$0x3FB2] =	sst s0;
	s0 =	simm.s32 @!p1 $0x0  }
0x14: {  	s2 =	sld [smem:$0x3F96];
	s0 =	simm.s32 @p1 $0x1  }
0x15: {  	[smem:$0x3FB3] =	sst s0;
	s0 =	simm.s32 @!p2 $0x0  }
0x16: {  	s3 =	sld [smem:$0x3FDB];
	s0 =	simm.s32 @p2 $0x1  }
0x17: {  	s4 =	simm.s32 $0x1BF5;
	[smem:$0x3FB5] =	sst s0  }
0x18: {  	s0 =	sld [smem:$0x3F98];
	_ =	swait.ge [sflag:s4], $0x0  }
0x19: {  	s7 =	sld [smem:$0x3F99]  }
0x1a: {  	s8 =	sadd.s32 $0xFFFFE003, lr  }
0x1b: {  	s9 =	sadd.s32 $0xFFFFFEF7, lr;
	s5 =	simm.s32 $0xFFFFFFFF;
	p2 =	slt.u32 s8, $0xFFFFF086  }
0x1c: {  	p1 =	slt.u32 s9, $0xF7A;
	s5 =	simm.s32 @!p2 $0x0  }
0x1d: {  	s5 =	simm.s32 @p1 $0x1;
	p0 =	seq.s32 s7, s2  }
0x1e: {  	s7 =	smul.u32 @!p0 $0xF7A, s2;
	p2 =	seq.s32 @!p0 s5, $0x0  }
0x1f: {  	s9 =	smul.u32 $0xF7A, s1;
	s8 =	simm.s32 @!p0 $0x1BF5;
	p2 =	por !p2, p0  }
0x20: {  	[sflag:s8] =	ssyncset.s32 @!p0 $0xFFFFF086;
	s6 =	sadd.s32 @!p0 s3, s7;
	s7 =	simm.s32 @!p0 $0x108  }
0x21: {  	s3 =	sadd.s32 s3, s9;
	s6 =	sadd.s32 @!p0 $0x88, s6;
	s7 =	simm.s32 @p2 $0x1082  }
0x22: {  	[simem:s7], [sflag:s8] =	dma.local @!p0 [hbm:s6], $0xF7A  }
0x23: {  	s9 =	sor.u32 $0xD0000000, s2;
	s6 =	simm.s32 $0x108;
	_ =	swait.ge @!p0 [sflag:s8], $0x0  }
0x24: {  	s3 =	sadd.s32 $0x88, s3;
	s6 =	simm.s32 @!p1 $0x1082;
	[sflag:s4] =	ssyncset.s32 $0xFFFFF086  }
0x25: {  	[simem:s6], [sflag:s4] =	dma.local [hbm:s3], $0xF7A  }
0x26: {  	[smem:$0x3F99] =	sst s1;
	(tag) =	ssettag s2;
	_ =	strace s9  }
0x27: {  	s1 =	sld [smem:$0x3FA9]  }
0x28: {  	s2 =	sld [smem:$0x3FAA]  }
0x29: {  	s4 =	sld [smem:$0x3FAC]  }
0x2a: {  	p0 =	seq.s32 s5, $0x0;
	s5 =	sld [smem:$0x3FAD]  }
0x2b: {  	s6 =	sld [smem:$0x3FAE]  }
0x2c: {  	s7 =	sld [smem:$0x3FAF]  }
0x2d: {  	s3 =	simm.s32 $0x108;
	s8 =	sld [smem:$0x3FB0]  }
0x2e: {  	s3 =	simm.s32 @!p0 $0x1082;
	s9 =	sld [smem:$0x3FB1]  }
0x2f: {  	lr =	sadd.s32 s0, s3;
	s0 =	sld [smem:$0x3FA8]  }
0x30: {  	s3 =	sld [smem:$0x3FAB]  }
0x31: {  	[smem:$0x3FB4] =	sst s10  }
0x32: {  	s10 =	sld [smem:$0x3FB2];
	_ =	sdelay $0x3  }
0x33: {  	p0 =	seq.s32 s10, $0x1;
	s10 =	sld [smem:$0x3FB4];
	_ =	sdelay $0x3  }
0x34: {  	[smem:$0x3FB4] =	sst s10  }
0x35: {  	s10 =	sld [smem:$0x3FB3];
	_ =	sdelay $0x3  }
0x36: {  	p1 =	seq.s32 s10, $0x1;
	s10 =	sld [smem:$0x3FB4];
	_ =	sdelay $0x3  }
0x37: {  	[smem:$0x3FB4] =	sst s10  }
0x38: {  	s10 =	sld [smem:$0x3FB5]  }
0x39: {  	_ = 	snop;
	(pc) =	sbr.ind lr, $3  }
0x3a: {  	_ = 	snop  }
0x3b: {  	_ = 	snop  }
0x3c: {  	p2 =	seq.s32 s10, $0x1;
	s10 =	sld [smem:$0x3FB4]  }
0x3d: {  	_ =	shalt  }
0x3e: {  	_ =	shalt  }
0x3f: {  	_ =	shalt  }
0x40: {  	_ =	shalt  }
0x41: {  	_ =	shalt  }
0x42: {  	_ =	shalt  }
0x43: {  	_ =	shalt  }
0x44: {  	_ =	shalt  }
0x45: {  	_ =	shalt  }
0x46: {  	_ =	shalt  }
0x47: {  	_ =	shalt  }
0x48: {  	_ =	shalt  }
0x49: {  	_ =	shalt  }
0x4a: {  	_ =	shalt  }
0x4b: {  	_ =	shalt  }
0x4c: {  	_ =	shalt  }
0x4d: {  	_ =	shalt  }
0x4e: {  	_ =	shalt  }
0x4f: {  	_ =	shalt  }
0x50: {  	_ =	shalt  }
0x51: {  	_ =	shalt  }
0x52: {  	_ =	shalt  }
0x53: {  	_ =	shalt  }
0x54: {  	_ =	shalt  }
0x55: {  	_ =	shalt  }
0x56: {  	_ =	shalt  }
0x57: {  	_ =	shalt  }
0x58: {  	_ =	shalt  }
0x59: {  	_ =	shalt  }
0x5a: {  	_ =	shalt  }
0x5b: {  	_ =	shalt  }
0x5c: {  	_ =	shalt  }
0x5d: {  	_ =	shalt  }
0x5e: {  	_ =	shalt  }
0x5f: {  	_ =	shalt  }
0x60: {  	_ =	shalt  }
0x61: {  	_ =	shalt  }
0x62: {  	_ =	shalt  }
0x63: {  	_ =	shalt  }
0x64: {  	_ =	shalt  }
0x65: {  	_ =	shalt  }
0x66: {  	_ =	shalt  }
0x67: {  	_ =	shalt  }
0x68: {  	_ =	shalt  }
0x69: {  	_ =	shalt  }
0x6a: {  	_ =	shalt  }
0x6b: {  	_ =	shalt  }
0x6c: {  	_ =	shalt  }
0x6d: {  	_ =	shalt  }
0x6e: {  	_ =	shalt  }
0x6f: {  	_ =	shalt  }
0x70: {  	_ =	shalt  }
0x71: {  	_ =	shalt  }
0x72: {  	_ =	shalt  }
0x73: {  	_ =	shalt  }
0x74: {  	_ =	shalt  }
0x75: {  	_ =	shalt  }
0x76: {  	_ =	shalt  }
0x77: {  	_ =	shalt  }
0x78: {  	_ =	shalt  }
0x79: {  	_ =	shalt  }
0x7a: {  	_ =	shalt  }
0x7b: {  	_ =	shalt  }
0x7c: {  	_ =	shalt  }
0x7d: {  	_ =	shalt  }
0x7e: {  	_ =	shalt  }
0x7f: {  	_ =	shalt  }
0x80: {  	_ =	shalt  }
0x81: {  	_ =	shalt  }
0x82: {  	_ =	shalt  }
0x83: {  	_ =	shalt  }
0x84: {  	_ =	shalt  }
0x85: {  	_ =	shalt  }
0x86: {  	_ =	shalt  }
0x87: {  	_ =	shalt  }
.Lfunc_end0:
.L_simem_size_0:
called_computation_lowered:
.L_overlay_start_0:
0x88: {  	s2 =	sld [smem:$0x3FD9]  }
0x89: {  	s3 =	sld [smem:$0x3FFE];
	_ =	sdelay $0x1  }
0x8a: {  	s1 =	srdreg.scid  }
0x8b: {  	s0 =	sand.u32 $0x1, s1  }
0x8c: {  	s16 =	sshll.u32 s0, $0xA;
	s2 =	sadd.s32 s3, s2  }
0x8d: {  	s2 =	sadd.s32 s2, s16  }
0x8e: {  	[smem:$0x3FC0] =	sst s2  }
0x8f: {  	_ = 	snop  }
0x90: {  	(tm) =	ssettm $0x1  }
0x91: {  	s17 =	sld [smem:$0x3FFB];
	_ =	sdelay $0x3  }
0x92: {  	_ =	strace s17  }
0x93: {  	s2 =	sld [smem:$0x3FFC];
	_ =	sdelay $0x3  }
0x94: {  	_ =	strace s2  }
0x95: {  	s2 =	sld [smem:$0x3FFD];
	_ =	sdelay $0x3  }
0x96: {  	_ =	strace s2  }
0x97: {  	_ =	strace $0x8FFFFFFF  }
0x98: {  	s18 =	sld [smem:$0x3FDB];
	_ =	sdelay $0x1  }
0x99: {  	s19 =	simm.s32 $_scs_section_size  }
0x9a: {  	s4 =	simm.s32 $_size__tile_overlayer_lowered;
	s5 =	simm.s32 $_tile_overlayer_lowered  }
0x9b: {  	s22 =	simm.s32 $0x1BFF;
	s21 =	sshll.u32 s5, $0x1;
	s2 =	sadd.s32 s19, s18  }
0x9c: {  	s6 =	simm.s32 $0x0;
	s20 =	sshll.u32 s4, $0x1;
	s4 =	sadd.s32 s21, s2  }
0x9d: {  	[timem:s6], [sflag:s22] =	dma.local [hbm:s4], s20  }
0x9e: {  	_ =	swait.ge [sflag:s22], s20  }
0x9f: {  	s3 =	ssub.s32 $0x0, s20;
	[sflag:s22] =	ssyncset.done $0x0  }
0xa0: {  	[sflag:s22] =	ssyncadd.s32 s3;
	_ =	sdelay $0x1  }
0xa1: {  	s23 =	simm.s32 $0x1B8B  }
0xa2: {  	_ =	swait.ge [sflag:s23], $0x1  }
0xa3: {  	[sflag:s23] =	ssyncset.done $0x0  }
0xa4: {  	s25 =	simm.s32 $0x1B8E;
	s24 =	sld [smem:$0x3FFE];
	[sflag:s23] =	ssyncadd.s32 $0xFFFFFFFF  }
0xa5: {  	s26 =	simm.s32 $execute0_lowered;
	[smem:$0x3FD2] =	sst s25  }
0xa6: {  	s4 =	sshll.u32 s26, $0x1;
	_ =	strace $0x80000046;
	[dreg:$0x1] =	wrdreg $0xFFFFFFFF  }
0xa7: {  	s28 =	simm.s32 $_size_execute0_lowered;
	s2 =	sadd.s32 s2, s4;
	[dreg:$0x0] =	wrdreg $0x0  }
0xa8: {  	s4 =	sshll.u32 s28, $0x1;
	[dreg:$0x2] =	wrdreg s2  }
0xa9: {  	[dreg:$0x3] =	wrdreg s4  }
0xaa: {  	[dreg:$0x4] =	wrdreg $0xC0  }
0xab: {  	_ =	task [dreg:s6], $0x5FFFF  }
0xac: {  	[dreg:$0x1] =	wrdreg $0xFFFFFFFF  }
0xad: {  	[dreg:$0x0] =	wrdreg $0x60  }
0xae: {  	[dreg:$0x2] =	wrdreg s24  }
0xaf: {  	[dreg:$0x3] =	wrdreg $0x30000  }
0xb0: {  	[dreg:$0x4] =	wrdreg $0x9  }
0xb1: {  	_ =	task.clear_ibuf [dreg:s6], $0x5FFFF;
	_ =	strace $0x90000046  }
0xb2: {  	s29 =	simm.s32 $0x9;
	_ =	strace $0x80000048  }
0xb3: {  	_ =	swait.ge [sflag:s29], $0x1  }
0xb4: {  	[sflag:s29] =	ssyncadd.s32 $0xFFFFFFFF  }
0xb5: {  	_ =	strace $0x90000048  }
0xb6: {  	_ =	sfence  }
0xb7: {  	s30 =	sld [smem:$0x0];
	_ =	sdelay $0x2  }
0xb8: {  	s31 =	sshll.u32 s1, $0xD;
	s1 =	sshrl.u32 s1, $0x2  }
0xb9: {  	s3 =	sand.u32 $0x4000, s31;
	s1 =	sadd.s32 s1, s30  }
0xba: {  	s0 =	sor.u32 s3, s0;
	s1 =	sshll.u32 s1, $0x11  }
0xbb: {  	s0 =	sor.u32 s1, s0  }
0xbc: {  	s0 =	sadd.s32 $0x8F2B, s0  }
0xbd: {  	[sflag:s0] =	ssyncadd.remote.s32 $0x1  }
0xbe: {  	_ =	sfence.sel $0xFFFF  }
0xbf: {  	[dreg:$0x0] =	wrdreg $0xFFFFFFFF;
	(pc) =	sbr.abs _section_cstart, $3  }
0xc0: {  	[dreg:$0x1] =	wrdreg $0xFFFFFFFF  }
0xc1: {  	_ =	task.clear_ibuf [dreg:s6], $0x2FFFF;
	_ =	strace $0x9FFFFFFF  }
0xc2: {  	(tm) =	ssettm $0x7FFFFFFF  }
0xc3: {  	_ =	shalt  }
tec
execute0_lowered:
.L_overlay_start_1:
0x0: {  	(tag) =	ssettag $0x1  }
0x1: {  	s5 =	rddreg [dreg:$0x0]  }
0x2: {  	s2 =	rddreg [dreg:$0x1]  }
0x3: {  	s0 =	rddreg [dreg:$0x2]  }
0x4: {  	s1 =	stileid.u32;
	s4 =	srdreg.scid  }
0x5: {  	s3 =	simm.s32 $0x0;
	s12 =	simm.s32 $0x2800;
	s13 =	simm.s32 $0x80  }
0x6: {  	s14 =	simm.s32 $0x0;
	s6 =	smul.u32 $0x2800, s1;
	s7 =	sand.u32 $0x1, s4  }
0x7: {  	[smem:$0x7FF] =	sst s3;
	s4 =	sadd.s32 $0xBA00, s5;
	s8 =	smul.u32 $0x28000, s7  }
0x8: {  	s31 =	sshll.u32 s1, $0x6;
	_ =	strace $0x80000047;
	s7 =	ssub.s32 $0x2, s7  }
0x9: {  	s9 =	sshrl.u32 s6, $0x3;
	s10 =	sshrl.u32 s7, $0x1;
	s8 =	sadd.s32 s6, s8  }
0xa: {  	s11 =	sadd.s32 s6, s2;
	s9 =	sadd.s32 s9, s5;
	s8 =	sshrl.u32 s8, $0x3  }
0xb: {  	s10 =	ssub.s32 s7, s10;
	s6 =	sor.u32 $0x1C01, s31;
	s8 =	sadd.s32 s8, s5  }
0xc: {  	s5 =	sadd.s32 $0xBC00, s9;
	s9 =	smax.u32 s10, $0x1;
	s10 =	sshrl.u32 s11, $0x3  }
0xd: {  	s11 =	simm.s32 $0x1;
	s7 =	sadd.s32 $0x1A00, s8;
	s8 =	sadd.s32 $0x10C00, s8  }
.LBB2_1:
0xe: {  	[spmem:s10], [sflag:s6] =	dma.local [hbm:s5], $0x500  }
0xf: {  	_ =	swait.ge [sflag:s11], $0x500  }
0x10: {  	[sflag:s11] =	ssyncset.done $0x0  }
0x11: {  	[sflag:s11] =	ssyncadd.s32 $0xFFFFFB00  }
0x12: {  	[tilespmem:s3], [sflag:$0x1] =	stream.linear.gather [hbm4b:s7+s3], $0x2800, $0x38;
	[tilespmem:$0x5800] =	vst v63  }
0x13: {  	_ =	swait.ge [sflag:s11], $0x2800  }
0x14: {  	[sflag:s11] =	ssyncset.done $0x0  }
0x15: {  	[sflag:s11] =	ssyncadd.s32 $0xFFFFD800  }
0x16: {  	[tilespmem:s12], [sflag:$0x1] =	stream.linear.gather [hbm4b:s4+s3], $0x800, $0x38;
	[tilespmem:$0x5800] =	vst v63  }
0x17: {  	_ =	swait.ge [sflag:s11], $0x800  }
0x18: {  	[sflag:s11] =	ssyncset.done $0x0  }
0x19: {  	[sflag:s11] =	ssyncadd.s32 $0xFFFFF800  }
0x1a: {  	s15 =	simm.s32 $0x0;
	[bflag:$0x0] =	sbarrier.arrive $0xFFFF  }
0x1b: {  	[spmem:s2] =	stream.indirect.scatter.add.f32 [tilespmem:s12], [sflag:$0x1], $0x10, s15, s13, $0xb8;
	[tilespmem:$0x5800] =	vst v63  }
0x1c: {  	_ =	swait.ge [sflag:s11], $0x800  }
0x1d: {  	s15 =	simm.s32 $0x200;
	[sflag:s11] =	ssyncset.done $0x0  }
.LBB2_2:
0x1e: {  	s16 =	sshra.s32 s15, $0x2;
	[sflag:s11] =	ssyncadd.s32 $0xFFFFF800;
	p0 =	sne.s32 s15, $0x9E00  }
0x1f: {  	[spmem:s2] =	stream.indirect.scatter.add.f32 [tilespmem:s12], [sflag:$0x1], $0x10, s16, s13, $0xb8;
	[tilespmem:$0x5800] =	vst v63  }
.Ltmp0:
0x20: {  	_ = 	snop;
	(pc) =	sbr.rel @p0 .LBB2_2-.Ltmp0, $4  }
0x21: {  	_ = 	snop  }
0x22: {  	s15 =	sadd.s32 $0x200, s15  }
0x23: {  	_ =	swait.ge [sflag:s11], $0x800  }
0x24: {  	[sflag:s11] =	ssyncset.done $0x0  }
0x25: {  	s14 =	sadd.s32 $0x1, s14  }
0x26: {  	[sflag:s11] =	ssyncadd.s32 $0xFFFFF800;
	p0 =	sne.s32 s14, s9  }
.Ltmp1:
0x27: {  	[bflag:$0x0] =	sbarrier.arrive $0xFFFF;
	(pc) =	sbr.rel @p0 .LBB2_1-.Ltmp1, $4  }
0x28: {  	[hbm:s8], [sflag:s6] =	dma.local [spmem:s10], $0x500  }
0x29: {  	_ =	swait.ge [sflag:s11], $0x500  }
0x2a: {  	[sflag:s11] =	ssyncset.done $0x0  }
0x2b: {  	[sflag:s11] =	ssyncadd.s32 $0xFFFFFB00  }
0x2c: {  	_ =	sfence.sel $0x180000  }
0x2d: {  	[bflag:$0x0] =	sbarrier.arrive $0xFFFF  }
0x2e: {  	p0 =	sne.s32 s1, $0x0;
	_ =	strace $0x90000047  }
0x2f: {  	s0 =	sadd.s32 @!p0 $0x100000, s0;
	[bflag:$0x2] =	sbarrier.arrive $0xFFFF  }
0x30: {  	[sflag:s0] =	ssyncadd.tile.s32 @!p0 $0x1;
	_ =	shalt  }
.Lfunc_end2:
_tile_overlayer_lowered:
.L_overlay_start_2:
0x31: {  	(tag) =	ssettag $0x2  }
0x32: {  	s0 =	rddreg [dreg:$0x0];
	s2 =	stileid.u32  }
0x33: {  	s1 =	rddreg [dreg:$0x1];
	p0 =	sne.s32 s2, $0x0  }
0x34: {  	s3 =	rddreg [dreg:$0x2];
	[bflag:$0x3] =	sbarrier.arrive $0xFFFF;
	s2 =	simm.s32 @!p0 $0x1C01  }
0x35: {  	[timem:s3], [sflag:s2] =	dma.local @!p0 [hbm:s0], s1  }
0x36: {  	s0 =	simm.s32 @!p0 $0x1  }
0x37: {  	_ =	swait.ge @!p0 [sflag:s0], s1  }
0x38: {  	s1 =	ssub.s32 @!p0 $0x0, s1;
	[sflag:s0] =	ssyncset.done @!p0 $0x0  }
0x39: {  	[sflag:s0] =	ssyncadd.s32 @!p0 s1  }
0x3a: {  	[bflag:$0x3] =	sbarrier.arrive $0xFFFF  }
0x3b: {  	_ =	shalt  }

</sc_bundles>
